<compile_context>
chip_gen: v7x
topology: tpu7x:2x2x1
jax: 0.10.2.dev20260603
libtpu: 0.0.44.dev20260713+nightly
codegen_flags: <defaults>
</compile_context>

<pallas_src>
import functools

import jax
import jax.numpy as jnp
from jax import lax
from jax.experimental import pallas as pl
from jax.experimental.pallas import tpu as pltpu
from jax.experimental.pallas import tpu_sc as plsc

N = 10000
NPAD = 10240
E = 320000
F = 128
NG = 64
RB = 512
NRB = NPAD // RB
JC = 512
NJC = NPAD // JC

NC = 2
NS = 16
NW = NC * NS
CH = 128
NCHUNK = 80
HC = NCHUNK // 2
NBUF = 2
EPW = NCHUNK * CH
EPAD = NW * EPW
ROWS_PER_SUB = NPAD // NS


def _sc_scatter_body(table_hbm, srcidx_hbm, dstidx_hbm, zero_hbm, out_hbm,
                     sidx_v, didx_v, rows0, rows1, acc_sh, gsem):
    rows = (rows0, rows1)
    cid = lax.axis_index("c")
    sid = lax.axis_index("s")
    w = cid * NS + sid
    r0 = sid * ROWS_PER_SUB
    pltpu.sync_copy(zero_hbm.at[pl.ds(r0, ROWS_PER_SUB)],
                    acc_sh.at[pl.ds(r0, ROWS_PER_SUB)])
    plsc.subcore_barrier()

    def _wait_gather(b):
        pltpu.make_async_copy(table_hbm.at[sidx_v.at[0]], rows[b],
                              gsem.at[b]).wait()

    for h in range(2):
        pltpu.sync_copy(srcidx_hbm.at[w, pl.ds(h * HC, HC)], sidx_v)
        pltpu.sync_copy(dstidx_hbm.at[w, pl.ds(h * HC, HC)], didx_v)
        pltpu.async_copy(table_hbm.at[sidx_v.at[0]], rows[0], gsem.at[0])

        def body(p, carry):
            j0 = 2 * p
            pltpu.async_copy(table_hbm.at[sidx_v.at[j0 + 1]], rows[1],
                             gsem.at[1])
            _wait_gather(0)
            pltpu.sync_copy(rows[0], acc_sh.at[didx_v.at[j0]], add=True)
            nxt = lax.rem(j0 + 2, HC)
            pltpu.async_copy(table_hbm.at[sidx_v.at[nxt]], rows[0],
                             gsem.at[0])
            _wait_gather(1)
            pltpu.sync_copy(rows[1], acc_sh.at[didx_v.at[j0 + 1]], add=True)
            return carry

        lax.fori_loop(0, HC // 2, body, 0, unroll=False)
        _wait_gather(0)
    plsc.subcore_barrier()
    pltpu.sync_copy(acc_sh.at[pl.ds(r0, ROWS_PER_SUB)],
                    out_hbm.at[cid, pl.ds(r0, ROWS_PER_SUB)])


def _make_sc_scatter(interpret=False):
    return pl.kernel(
        _sc_scatter_body,
        out_type=jax.ShapeDtypeStruct((NC, NPAD, F), jnp.float32),
        mesh=plsc.VectorSubcoreMesh(core_axis_name="c", subcore_axis_name="s",
                                    num_cores=NC, num_subcores=NS),
        scratch_types=[
            pltpu.VMEM((HC, CH), jnp.int32),
            pltpu.VMEM((HC, CH), jnp.int32),
            pltpu.VMEM((CH, F), jnp.float32),
            pltpu.VMEM((CH, F), jnp.float32),
            pltpu.VMEM_SHARED((NPAD, F), jnp.float32),
            pltpu.SemaphoreType.DMA((NBUF,)),
        ],
        interpret=interpret,
    )


_sc_scatter_cache = []


def _sc_scatter(*args):
    if not _sc_scatter_cache:
        _sc_scatter_cache.append(_make_sc_scatter())
    return _sc_scatter_cache[0](*args)


def _conv_body(x_ref, pa_ref, pb_ref, wr_ref, wq_ref, b_ref, pw_ref,
               xk_ref, s_ref, *, gated, gate_ref=None):
    agg = pa_ref[0] + pb_ref[0]
    if gated:
        agg = agg * gate_ref[...]
    h = jnp.dot(agg, wr_ref[...], preferred_element_type=jnp.float32)
    h = h + jnp.dot(x_ref[...], wq_ref[...], preferred_element_type=jnp.float32)
    h = jnp.maximum(h + b_ref[...], 0.0)
    w = pw_ref[...]
    nrm = jnp.sqrt(jnp.sum(w * w))
    s = jnp.tanh(jnp.dot(h, w, preferred_element_type=jnp.float32) / nrm)
    s_ref[...] = s
    xk_ref[...] = h * s


def _conv1_body(x_ref, pa_ref, pb_ref, wr_ref, wq_ref, b_ref, pw_ref, xk_ref, s_ref):
    _conv_body(x_ref, pa_ref, pb_ref, wr_ref, wq_ref, b_ref, pw_ref, xk_ref, s_ref,
               gated=False)


def _conv2_body(x_ref, pa_ref, pb_ref, gate_ref, wr_ref, wq_ref, b_ref, pw_ref,
                xk_ref, s_ref):
    _conv_body(x_ref, pa_ref, pb_ref, wr_ref, wq_ref, b_ref, pw_ref, xk_ref, s_ref,
               gated=True, gate_ref=gate_ref)


def _row_spec():
    return pl.BlockSpec((RB, F), lambda r: (r, 0))


def _col_spec():
    return pl.BlockSpec((RB, 1), lambda r: (r, 0))


def _full_spec(shape):
    return pl.BlockSpec(shape, lambda r: tuple(0 for _ in shape))


def _conv_call(body, n_in, interpret=False):
    part_a = pl.BlockSpec((1, RB, F), lambda r: (0, r, 0))
    part_b = pl.BlockSpec((1, RB, F), lambda r: (1, r, 0))
    return pl.pallas_call(
        body,
        grid=(NRB,),
        in_specs=[_row_spec(), part_a, part_b]
        + ([_col_spec()] if n_in == 8 else [])
        + [_full_spec((F, F)), _full_spec((F, F)), _full_spec((1, F)),
           _full_spec((F, 1))],
        out_specs=[_row_spec(), _col_spec()],
        out_shape=[jax.ShapeDtypeStruct((NPAD, F), jnp.float32),
                   jax.ShapeDtypeStruct((NPAD, 1), jnp.float32)],
        interpret=interpret,
    )


def _chunk_range(bi_ref, cb_lo_ref, cb_hi_ref):
    blo = bi_ref[0, 0]
    bhi = bi_ref[RB - 1, 0]
    cb_lo = cb_lo_ref[...]
    cb_hi = cb_hi_ref[...]
    cidx = lax.broadcasted_iota(jnp.int32, (1, 128), 1)
    valid = cidx < NJC
    c0 = jnp.sum(jnp.where(valid & (cb_hi < blo), 1, 0))
    c1 = jnp.sum(jnp.where(valid & (cb_lo <= bhi), 1, 0))
    return c0, c1


def _rank1_body(si_ref, bi_ref, sj_ref, bj_ref, xk_ref, cb_lo_ref, cb_hi_ref,
                kept_ref, rank_ref, k1_ref, z_ref):
    r = pl.program_id(0)
    si = si_ref[...]
    bi = bi_ref[...]
    ii = r * RB + lax.broadcasted_iota(jnp.int32, (RB, 1), 0)
    c0, c1 = _chunk_range(bi_ref, cb_lo_ref, cb_hi_ref)

    def jstep(c, acc):
        rank, cnt = acc
        sj = sj_ref[0:1, pl.ds(c * JC, JC)]
        bj = bj_ref[0:1, pl.ds(c * JC, JC)]
        jj = c * JC + lax.broadcasted_iota(jnp.int32, (1, JC), 1)
        same = bi == bj
        less = (sj > si) | ((sj == si) & (jj < ii))
        rank = rank + jnp.sum(jnp.where(same & less, 1.0, 0.0), axis=1, keepdims=True)
        cnt = cnt + jnp.sum(jnp.where(same, 1.0, 0.0), axis=1, keepdims=True)
        return rank, cnt

    rank, cnt = lax.fori_loop(c0, c1, jstep,
                              (jnp.zeros((RB, 1), jnp.float32),
                               jnp.zeros((RB, 1), jnp.float32)))
    k1 = jnp.ceil(0.8 * cnt)
    kept = jnp.where(rank < k1, 1.0, 0.0)
    kept_ref[...] = kept
    rank_ref[...] = rank
    k1_ref[...] = k1
    z_ref[...] = xk_ref[...] * kept


def _make_rank1(interpret=False):
    return pl.pallas_call(
        _rank1_body,
        grid=(NRB,),
        in_specs=[_col_spec(), _col_spec(), _full_spec((1, NPAD)),
                  _full_spec((1, NPAD)), _row_spec(),
                  _full_spec((1, 128)), _full_spec((1, 128))],
        out_specs=[_col_spec(), _col_spec(), _col_spec(), _row_spec()],
        out_shape=[jax.ShapeDtypeStruct((NPAD, 1), jnp.float32),
                   jax.ShapeDtypeStruct((NPAD, 1), jnp.float32),
                   jax.ShapeDtypeStruct((NPAD, 1), jnp.float32),
                   jax.ShapeDtypeStruct((NPAD, F), jnp.float32)],
        interpret=interpret,
    )


_rank1 = _make_rank1()


def _rank2_pool_body(si_ref, ki_ref, ri_ref, bi_ref, k1_ref,
                     sj_ref, kj_ref, rj_ref, bj_ref, cb_lo_ref, cb_hi_ref,
                     z_ref, xk2_ref, br_ref,
                     l1m_ref, l1x_ref, l1b_ref, l2_ref, l2b_ref,
                     out_ref, sum1_ref, sum2_ref, max1_ref, max2_ref, cnt_ref):
    r = pl.program_id(0)
    NEG = jnp.float32(-3.0e38)

    @pl.when(r == 0)
    def _():
        sum1_ref[...] = jnp.zeros((NG, F), jnp.float32)
        sum2_ref[...] = jnp.zeros((NG, F), jnp.float32)
        max1_ref[...] = jnp.full((NG, F), NEG, jnp.float32)
        max2_ref[...] = jnp.full((NG, F), NEG, jnp.float32)
        cnt_ref[...] = jnp.zeros((NG, 128), jnp.float32)

    INF = jnp.float32(jnp.inf)
    kept1c = ki_ref[...]
    keyi = jnp.where(kept1c > 0, -si_ref[...], INF)
    r1i = ri_ref[...]
    bi = bi_ref[...]
    c0, c1 = _chunk_range(bi_ref, cb_lo_ref, cb_hi_ref)

    def jstep(c, rank):
        sj = sj_ref[0:1, pl.ds(c * JC, JC)]
        kj = kj_ref[0:1, pl.ds(c * JC, JC)]
        rj = rj_ref[0:1, pl.ds(c * JC, JC)]
        bj = bj_ref[0:1, pl.ds(c * JC, JC)]
        keyj = jnp.where(kj > 0, -sj, INF)
        same = bi == bj
        less = (keyj < keyi) | ((keyj == keyi) & (rj < r1i))
        return rank + jnp.sum(jnp.where(same & less, 1.0, 0.0), axis=1, keepdims=True)

    rank2 = lax.fori_loop(c0, c1, jstep, jnp.zeros((RB, 1), jnp.float32))
    k2 = jnp.ceil(0.8 * k1_ref[...])
    kept2c = kept1c * jnp.where(rank2 < k2, 1.0, 0.0)

    z = z_ref[...]
    z2 = xk2_ref[...] * kept2c
    br = br_ref[...]
    gcol = lax.broadcasted_iota(jnp.int32, (NG, RB), 0)
    samegf = jnp.where(br == gcol, 1.0, 0.0)
    sum1_ref[...] += jnp.dot(samegf, z, preferred_element_type=jnp.float32)
    sum2_ref[...] += jnp.dot(samegf, z2, preferred_element_type=jnp.float32)
    cnt_ref[...] += jnp.sum(samegf, axis=1, keepdims=True)

    glo = bi_ref[0, 0]
    ghi = jnp.minimum(bi_ref[RB - 1, 0], NG - 1)

    def gstep(g, carry):
        m1 = (bi == g) & (kept1c > 0)
        m2 = (bi == g) & (kept2c > 0)
        mx1 = jnp.max(jnp.where(m1, z, NEG), axis=0, keepdims=True)
        mx2 = jnp.max(jnp.where(m2, z2, NEG), axis=0, keepdims=True)
        max1_ref[pl.ds(g, 1), :] = jnp.maximum(max1_ref[pl.ds(g, 1), :], mx1)
        max2_ref[pl.ds(g, 1), :] = jnp.maximum(max2_ref[pl.ds(g, 1), :], mx2)
        return carry

    lax.fori_loop(glo, ghi + 1, gstep, 0)

    @pl.when(r == NRB - 1)
    def _():
        cntg = cnt_ref[:, 0:1]
        k1g = jnp.ceil(0.8 * cntg)
        k2g = jnp.ceil(0.8 * k1g)
        mean1 = sum1_ref[...] / jnp.maximum(k1g, 1.0)
        mean2 = sum2_ref[...] / jnp.maximum(k2g, 1.0)
        max1 = jnp.where(k1g > 0, max1_ref[...], 0.0)
        max2 = jnp.where(k2g > 0, max2_ref[...], 0.0)
        meanT = mean1 + mean2
        maxT = max1 + max2
        hid = jnp.dot(meanT, l1m_ref[...], preferred_element_type=jnp.float32)
        hid = hid + jnp.dot(maxT, l1x_ref[...], preferred_element_type=jnp.float32)
        hid = jnp.maximum(hid + l1b_ref[...], 0.0)
        out = jnp.dot(hid, l2_ref[...], preferred_element_type=jnp.float32)
        out_ref[...] = jnp.maximum(out + l2b_ref[...], 0.0)


def _make_rank2_pool(interpret=False):
    return pl.pallas_call(
        _rank2_pool_body,
        grid=(NRB,),
        in_specs=[_col_spec(), _col_spec(), _col_spec(), _col_spec(), _col_spec(),
                  _full_spec((1, NPAD)), _full_spec((1, NPAD)),
                  _full_spec((1, NPAD)), _full_spec((1, NPAD)),
                  _full_spec((1, 128)), _full_spec((1, 128)),
                  _row_spec(), _row_spec(),
                  pl.BlockSpec((1, RB), lambda r: (0, r)),
                  _full_spec((F, F // 4)), _full_spec((F, F // 4)),
                  _full_spec((1, F // 4)), _full_spec((F // 4, F)),
                  _full_spec((1, F))],
        out_specs=pl.BlockSpec((NG, F), lambda r: (0, 0)),
        out_shape=jax.ShapeDtypeStruct((NG, F), jnp.float32),
        scratch_shapes=[pltpu.VMEM((NG, F), jnp.float32),
                        pltpu.VMEM((NG, F), jnp.float32),
                        pltpu.VMEM((NG, F), jnp.float32),
                        pltpu.VMEM((NG, F), jnp.float32),
                        pltpu.VMEM((NG, 128), jnp.float32)],
        interpret=interpret,
    )


_rank2_pool = _make_rank2_pool()





def _run(ops, x, edge_index, batch, conv1_rel_w, conv1_rel_b, conv1_root_w,
         conv2_rel_w, conv2_rel_b, conv2_root_w, pool1_w, pool2_w,
         lin1_w, lin1_b, lin2_w, lin2_b):
    sc_scatter, conv1_op, conv2_op, rank1_op, rank2_pool_op = ops
    f32 = jnp.float32
    x_pad = jnp.zeros((NPAD, F), f32).at[:N].set(x)
    batch_pad = jnp.full((NPAD,), NG, jnp.int32).at[:N].set(batch)
    b_col = batch_pad[:, None]
    b_row = batch_pad[None, :]
    pad_cnt = EPAD - E
    pad_idx = N + (jnp.arange(pad_cnt, dtype=jnp.int32) % (NPAD - N))
    src_pad = jnp.concatenate([edge_index[0], pad_idx]).reshape(NW, NCHUNK, CH)
    dst_pad = jnp.concatenate([edge_index[1], pad_idx]).reshape(NW, NCHUNK, CH)
    zero_buf = jnp.zeros((NPAD, F), f32)

    w1r_t = conv1_rel_w.T
    w1q_t = conv1_root_w.T
    w2r_t = conv2_rel_w.T
    w2q_t = conv2_root_w.T
    b1 = conv1_rel_b[None, :]
    b2 = conv2_rel_b[None, :]
    pw1 = pool1_w[:, None]
    pw2 = pool2_w[:, None]
    l1m = lin1_w[:, :F].T
    l1x = lin1_w[:, F:].T
    l1b = lin1_b[None, :]
    l2_t = jnp.zeros((F // 4, F), f32).at[:, :10].set(lin2_w.T)
    l2b = jnp.zeros((1, F), f32).at[0, :10].set(lin2_b)
    cb_lo = jnp.zeros((1, 128), jnp.int32).at[0, :NJC].set(batch_pad[::JC])
    cb_hi = jnp.zeros((1, 128), jnp.int32).at[0, :NJC].set(batch_pad[JC - 1::JC])

    p = sc_scatter(x_pad, src_pad, dst_pad, zero_buf)
    xk1, s1 = conv1_op(x_pad, p, p, w1r_t, w1q_t, b1, pw1)

    kept1, rank1, k1f, z = rank1_op(s1, b_col, s1.reshape(1, NPAD), b_row, xk1,
                                    cb_lo, cb_hi)

    q = sc_scatter(z, src_pad, dst_pad, zero_buf)
    xk2, s2 = conv2_op(xk1, q, q, kept1, w2r_t, w2q_t, b2, pw2)

    out = rank2_pool_op(s2, kept1, rank1, b_col, k1f,
                        s2.reshape(1, NPAD), kept1.reshape(1, NPAD),
                        rank1.reshape(1, NPAD), b_row, cb_lo, cb_hi,
                        z, xk2, b_row, l1m, l1x, l1b, l2_t, l2b)
    return out[:, :10]


_DEFAULT_OPS = (_sc_scatter, _conv_call(_conv1_body, 7), _conv_call(_conv2_body, 8),
                _rank1, _rank2_pool)


def kernel(x, edge_index, batch, conv1_rel_w, conv1_rel_b, conv1_root_w,
           conv2_rel_w, conv2_rel_b, conv2_root_w, pool1_w, pool2_w,
           lin1_w, lin1_b, lin2_w, lin2_b):
    return _run(_DEFAULT_OPS, x, edge_index, batch, conv1_rel_w, conv1_rel_b,
                conv1_root_w, conv2_rel_w, conv2_rel_b, conv2_root_w,
                pool1_w, pool2_w, lin1_w, lin1_b, lin2_w, lin2_b)

# --- scband reference (transcript-rebuilt; emitter-appended) ---
"""Pipeline reference for scband-graph-classifier2-28398323761926 (READ-ONLY COPY).

The authoritative reference and input builder live on the scoring server;
editing this copy changes nothing except your own understanding.
"""

import jax, jax.numpy as jnp
import numpy as np

N_NODES = 10000
N_EDGES = 320000
IN_CH = 128
HID = 128
NUM_CLASSES = 10
NUM_GRAPHS = 64
RATIO = 0.8


def _pool_meta(batch_np):
    counts = np.bincount(batch_np, minlength=NUM_GRAPHS)
    starts = np.concatenate([[0], np.cumsum(counts)[:-1]]).astype(np.int64)
    k = np.ceil(RATIO * counts).astype(np.int64)
    new_batch = np.repeat(np.arange(NUM_GRAPHS), k)
    return counts, starts, k, new_batch


def _graph_conv(x, src, dst, edge_w, n, rel_w, rel_b, root_w):
    msgs = x[src]
    if edge_w is not None:
        msgs = msgs * edge_w[:, None]
    agg = jnp.zeros((n, x.shape[1]), x.dtype).at[dst].add(msgs)
    return agg @ rel_w.T + rel_b + x @ root_w.T


def _topk_pool(x, w, counts, starts, k):
    score = jnp.tanh((x @ w) / jnp.linalg.norm(w))
    kept = []
    for g in range(NUM_GRAPHS):
        n = int(counts[g]); kg = int(k[g])
        if n == 0 or kg == 0:
            continue
        st = int(starts[g])
        order = jnp.argsort(-score[st:st + n])
        kept.append(st + order[:kg])
    perm = jnp.concatenate(kept)
    return x[perm] * score[perm][:, None], perm


def _global_pool(x, batch_np):
    b = jnp.asarray(batch_np, dtype=jnp.int32)
    cnt_np = np.bincount(batch_np, minlength=NUM_GRAPHS)
    cnt = jnp.asarray(cnt_np, dtype=x.dtype)
    mean = jax.ops.segment_sum(x, b, num_segments=NUM_GRAPHS) / jnp.clip(cnt, 1.0)[:, None]
    mx = jax.ops.segment_max(x, b, num_segments=NUM_GRAPHS)
    mx = jnp.where(cnt[:, None] > 0, mx, 0.0)
    return jnp.concatenate([mean, mx], axis=1)


def _masked_global_pool(xv, order, seg_sorted, k):
    data = xv[order]
    s = jax.ops.segment_sum(data, seg_sorted, num_segments=NUM_GRAPHS + 1)[:NUM_GRAPHS]
    cnt = k.astype(xv.dtype)
    mean = s / jnp.clip(cnt, 1.0)[:, None]
    mx = jax.ops.segment_max(data, seg_sorted, num_segments=NUM_GRAPHS + 1)[:NUM_GRAPHS]
    mx = jnp.where(k[:, None] > 0, mx, 0.0)
    return jnp.concatenate([mean, mx], axis=1)


def setup_inputs(seed: int = 0):
    key = jax.random.key(seed)
    ks = jax.random.split(key, 16)

    def lin(k, o, i):
        return jax.random.normal(k, (o, i), dtype=jnp.float32) / np.sqrt(i)

    inp = {}
    inp["x"] = jax.random.normal(ks[0], (N_NODES, IN_CH), dtype=jnp.float32)
    inp["edge_index"] = jax.random.randint(ks[1], (2, N_EDGES), 0, N_NODES, dtype=jnp.int32)
    inp["batch"] = jnp.sort(jax.random.randint(ks[2], (N_NODES,), 0, NUM_GRAPHS, dtype=jnp.int32))
    inp["conv1_rel_w"] = lin(ks[3], HID, IN_CH)
    inp["conv1_rel_b"] = jnp.zeros((HID,), jnp.float32)
    inp["conv1_root_w"] = lin(ks[4], HID, IN_CH)
    inp["conv2_rel_w"] = lin(ks[5], HID, HID)
    inp["conv2_rel_b"] = jnp.zeros((HID,), jnp.float32)
    inp["conv2_root_w"] = lin(ks[6], HID, HID)
    inp["pool1_w"] = jax.random.normal(ks[7], (HID,), dtype=jnp.float32) / np.sqrt(HID)
    inp["pool2_w"] = jax.random.normal(ks[8], (HID,), dtype=jnp.float32) / np.sqrt(HID)
    inp["lin1_w"] = lin(ks[9], HID // 4, 2 * HID)
    inp["lin1_b"] = jnp.zeros((HID // 4,), jnp.float32)
    inp["lin2_w"] = lin(ks[10], NUM_CLASSES, HID // 4)
    inp["lin2_b"] = jnp.zeros((NUM_CLASSES,), jnp.float32)
    return inp


def reference(x, edge_index, batch, conv1_rel_w, conv1_rel_b, conv1_root_w,
              conv2_rel_w, conv2_rel_b, conv2_root_w, pool1_w, pool2_w,
              lin1_w, lin1_b, lin2_w, lin2_b):
    n = x.shape[0]
    idx = jnp.arange(n, dtype=jnp.int32)
    c0 = jax.ops.segment_sum(jnp.ones((n,), jnp.int32), batch, num_segments=NUM_GRAPHS)
    st0 = jnp.concatenate([jnp.zeros((1,), c0.dtype), jnp.cumsum(c0)[:-1]])
    k1 = jnp.ceil(RATIO * c0).astype(jnp.int32)
    k2 = jnp.ceil(RATIO * k1).astype(jnp.int32)
    src, dst = edge_index[0], edge_index[1]

    # conv1 + relu
    h = jax.nn.relu(_graph_conv(x, src, dst, None, x.shape[0], conv1_rel_w, conv1_rel_b, conv1_root_w))
    # pool1 (TopKPooling ratio=0.8)
    score1 = jnp.tanh((h @ pool1_w) / jnp.linalg.norm(pool1_w))
    order1 = jnp.lexsort((idx, -score1, batch))
    pos1 = jnp.zeros((n,), jnp.int32).at[order1].set(idx)
    rank1 = pos1 - st0[batch].astype(jnp.int32)
    kept1 = rank1 < k1[batch]
    xk1 = h * score1[:, None]
    seg1 = jnp.where(kept1, batch, NUM_GRAPHS)
    x1 = _masked_global_pool(xk1, order1, seg1[order1], k1)

    # filter_adj: mask dropped edges
    valid = kept1[src] & kept1[dst]

    # conv2 + relu
    h2 = jax.nn.relu(_graph_conv(xk1, src, dst, valid.astype(x.dtype), n, conv2_rel_w, conv2_rel_b, conv2_root_w))
    # pool2
    score2 = jnp.tanh((h2 @ pool2_w) / jnp.linalg.norm(pool2_w))
    key2 = jnp.where(kept1, -score2, jnp.inf)
    order2 = jnp.lexsort((rank1, key2, batch))
    pos2 = jnp.zeros((n,), jnp.int32).at[order2].set(idx)
    rank2 = pos2 - st0[batch].astype(jnp.int32)
    kept2 = kept1 & (rank2 < k2[batch])
    xk2 = h2 * score2[:, None]
    seg2 = jnp.where(kept2, batch, NUM_GRAPHS)
    x2 = _masked_global_pool(xk2, order2, seg2[order2], k2)

    xc = x1 + x2
    out = jax.nn.relu(xc @ lin1_w.T + lin1_b)
    # dropout is identity in eval mode
    out = jax.nn.relu(out @ lin2_w.T + lin2_b)
    return out

if __name__ == "__main__":
    import jax
    _d = setup_inputs()
    print(jax.jit(kernel)(*tuple(_d.values())))

</pallas_src>

<mosaic_0001>
#map = affine_map<(d0, d1) -> (0, 0)>
#map1 = affine_map<(d0, d1) -> (0, 0, 0)>
module attributes {stable_mosaic.version = 14 : i64} {
  func.func @_sc_scatter_body(%arg0: i32, %arg1: i32, %arg2: memref<10240x128xf32, #tpu.memory_space<hbm>>, %arg3: memref<32x80x128xi32, #tpu.memory_space<hbm>>, %arg4: memref<32x80x128xi32, #tpu.memory_space<hbm>>, %arg5: memref<10240x128xf32, #tpu.memory_space<hbm>>, %arg6: memref<2x10240x128xf32, #tpu.memory_space<hbm>>, %arg7: memref<40x128xi32, #tpu.memory_space<vmem>>, %arg8: memref<40x128xi32, #tpu.memory_space<vmem>>, %arg9: memref<128x128xf32, #tpu.memory_space<vmem>>, %arg10: memref<128x128xf32, #tpu.memory_space<vmem>>, %arg11: memref<10240x128xf32, #tpu.memory_space<vmem_shared>>, %arg12: memref<2x!tpu.dma_semaphore, #tpu.memory_space<semaphore_mem>>) attributes {dimension_semantics = [#tpu.dimension_semantics<core_parallel>, #tpu.dimension_semantics<subcore_parallel>], iteration_bounds = array<i64: 2, 16>, scalar_prefetch = 0 : i64, scratch_operands = 6 : i64, tpu.core_type = #tpu.core_type<sc_vector_subcore>, window_params = [{transform_indices = #map}, {transform_indices = #map1}, {transform_indices = #map1}, {transform_indices = #map}, {transform_indices = #map1}]} {
    %mul3A = arith.constant 16 : i32
    %mul3A_0 = arith.muli %arg0, %mul3A : i32
    %add3A = arith.addi %mul3A_0, %arg1 : i32
    %mul3A_1 = arith.constant 640 : i32
    %mul3A_2 = arith.muli %arg1, %mul3A_1 : i32
    "tpu.region"() ({
      %run_scoped3A = tpu.sem_alloc : memref<!tpu.dma_semaphore, #tpu.memory_space<semaphore_mem>>
      %dma_start3A_53 = arith.constant 0 : i32
      %dma_start3A_54 = tpu.memref_slice %arg11[%mul3A_2, %dma_start3A_53] : memref<10240x128xf32, #tpu.memory_space<vmem_shared>> -> memref<640x128xf32, #tpu.memory_space<vmem_shared>>
      %dma_start3A_55 = arith.constant 0 : i32
      %dma_start3A_56 = tpu.memref_slice %arg5[%mul3A_2, %dma_start3A_55] : memref<10240x128xf32, #tpu.memory_space<hbm>> -> memref<640x128xf32, #tpu.memory_space<hbm>>
      tpu.enqueue_dma source(%dma_start3A_56 : memref<640x128xf32, #tpu.memory_space<hbm>>) target(%dma_start3A_54 : memref<640x128xf32, #tpu.memory_space<vmem_shared>>) target_semaphore(%run_scoped3A : memref<!tpu.dma_semaphore, #tpu.memory_space<semaphore_mem>>)
      %dma_wait3A_57 = arith.constant 0 : i32
      %dma_wait3A_58 = tpu.memref_slice %arg11[%mul3A_2, %dma_wait3A_57] : memref<10240x128xf32, #tpu.memory_space<vmem_shared>> -> memref<640x128xf32, #tpu.memory_space<vmem_shared>>
      %dma_wait3A_59 = arith.constant 0 : i32
      %dma_wait3A_60 = tpu.memref_slice %arg5[%mul3A_2, %dma_wait3A_59] : memref<10240x128xf32, #tpu.memory_space<hbm>> -> memref<640x128xf32, #tpu.memory_space<hbm>>
      tpu.wait_dma2 semaphore(%run_scoped3A : memref<!tpu.dma_semaphore, #tpu.memory_space<semaphore_mem>>) src(%dma_wait3A_60 : memref<640x128xf32, #tpu.memory_space<hbm>>) dst(%dma_wait3A_58 : memref<640x128xf32, #tpu.memory_space<vmem_shared>>)
      tpu.yield
    }) : () -> ()
    %barrier3A = arith.constant 0 : index
    tpu.barrier barrier_id(%barrier3A)
    "tpu.region"() ({
      %run_scoped3A = tpu.sem_alloc : memref<!tpu.dma_semaphore, #tpu.memory_space<semaphore_mem>>
      %dma_start3A_53 = arith.constant 0 : i32
      %dma_start3A_54 = arith.constant 0 : i32
      %dma_start3A_55 = tpu.memref_slice %arg3[%add3A, %dma_start3A_53, %dma_start3A_54] : memref<32x80x128xi32, #tpu.memory_space<hbm>> -> memref<1x40x128xi32, #tpu.memory_space<hbm>>
      %dma_start3A_56 = tpu.memref_squeeze %dma_start3A_55 : memref<1x40x128xi32, #tpu.memory_space<hbm>> -> memref<40x128xi32, #tpu.memory_space<hbm>>
      %dma_start3A_57 = arith.constant 0 : i32
      %dma_start3A_58 = arith.constant 0 : i32
      %dma_start3A_59 = tpu.memref_slice %arg3[%add3A, %dma_start3A_57, %dma_start3A_58] : memref<32x80x128xi32, #tpu.memory_space<hbm>> -> memref<1x40x128xi32, #tpu.memory_space<hbm>>
      %dma_start3A_60 = tpu.memref_squeeze %dma_start3A_59 : memref<1x40x128xi32, #tpu.memory_space<hbm>> -> memref<40x128xi32, #tpu.memory_space<hbm>>
      tpu.enqueue_dma source(%dma_start3A_60 : memref<40x128xi32, #tpu.memory_space<hbm>>) target(%arg7 : memref<40x128xi32, #tpu.memory_space<vmem>>) target_semaphore(%run_scoped3A : memref<!tpu.dma_semaphore, #tpu.memory_space<semaphore_mem>>)
      %dma_wait3A_61 = arith.constant 0 : i32
      %dma_wait3A_62 = arith.constant 0 : i32
      %dma_wait3A_63 = tpu.memref_slice %arg3[%add3A, %dma_wait3A_61, %dma_wait3A_62] : memref<32x80x128xi32, #tpu.memory_space<hbm>> -> memref<1x40x128xi32, #tpu.memory_space<hbm>>
      %dma_wait3A_64 = tpu.memref_squeeze %dma_wait3A_63 : memref<1x40x128xi32, #tpu.memory_space<hbm>> -> memref<40x128xi32, #tpu.memory_space<hbm>>
      %dma_wait3A_65 = arith.constant 0 : i32
      %dma_wait3A_66 = arith.constant 0 : i32
      %dma_wait3A_67 = tpu.memref_slice %arg3[%add3A, %dma_wait3A_65, %dma_wait3A_66] : memref<32x80x128xi32, #tpu.memory_space<hbm>> -> memref<1x40x128xi32, #tpu.memory_space<hbm>>
      %dma_wait3A_68 = tpu.memref_squeeze %dma_wait3A_67 : memref<1x40x128xi32, #tpu.memory_space<hbm>> -> memref<40x128xi32, #tpu.memory_space<hbm>>
      tpu.wait_dma2 semaphore(%run_scoped3A : memref<!tpu.dma_semaphore, #tpu.memory_space<semaphore_mem>>) src(%dma_wait3A_68 : memref<40x128xi32, #tpu.memory_space<hbm>>) dst(%arg7 : memref<40x128xi32, #tpu.memory_space<vmem>>)
      tpu.yield
    }) : () -> ()
    "tpu.region"() ({
      %run_scoped3A = tpu.sem_alloc : memref<!tpu.dma_semaphore, #tpu.memory_space<semaphore_mem>>
      %dma_start3A_53 = arith.constant 0 : i32
      %dma_start3A_54 = arith.constant 0 : i32
      %dma_start3A_55 = tpu.memref_slice %arg4[%add3A, %dma_start3A_53, %dma_start3A_54] : memref<32x80x128xi32, #tpu.memory_space<hbm>> -> memref<1x40x128xi32, #tpu.memory_space<hbm>>
      %dma_start3A_56 = tpu.memref_squeeze %dma_start3A_55 : memref<1x40x128xi32, #tpu.memory_space<hbm>> -> memref<40x128xi32, #tpu.memory_space<hbm>>
      %dma_start3A_57 = arith.constant 0 : i32
      %dma_start3A_58 = arith.constant 0 : i32
      %dma_start3A_59 = tpu.memref_slice %arg4[%add3A, %dma_start3A_57, %dma_start3A_58] : memref<32x80x128xi32, #tpu.memory_space<hbm>> -> memref<1x40x128xi32, #tpu.memory_space<hbm>>
      %dma_start3A_60 = tpu.memref_squeeze %dma_start3A_59 : memref<1x40x128xi32, #tpu.memory_space<hbm>> -> memref<40x128xi32, #tpu.memory_space<hbm>>
      tpu.enqueue_dma source(%dma_start3A_60 : memref<40x128xi32, #tpu.memory_space<hbm>>) target(%arg8 : memref<40x128xi32, #tpu.memory_space<vmem>>) target_semaphore(%run_scoped3A : memref<!tpu.dma_semaphore, #tpu.memory_space<semaphore_mem>>)
      %dma_wait3A_61 = arith.constant 0 : i32
      %dma_wait3A_62 = arith.constant 0 : i32
      %dma_wait3A_63 = tpu.memref_slice %arg4[%add3A, %dma_wait3A_61, %dma_wait3A_62] : memref<32x80x128xi32, #tpu.memory_space<hbm>> -> memref<1x40x128xi32, #tpu.memory_space<hbm>>
      %dma_wait3A_64 = tpu.memref_squeeze %dma_wait3A_63 : memref<1x40x128xi32, #tpu.memory_space<hbm>> -> memref<40x128xi32, #tpu.memory_space<hbm>>
      %dma_wait3A_65 = arith.constant 0 : i32
      %dma_wait3A_66 = arith.constant 0 : i32
      %dma_wait3A_67 = tpu.memref_slice %arg4[%add3A, %dma_wait3A_65, %dma_wait3A_66] : memref<32x80x128xi32, #tpu.memory_space<hbm>> -> memref<1x40x128xi32, #tpu.memory_space<hbm>>
      %dma_wait3A_68 = tpu.memref_squeeze %dma_wait3A_67 : memref<1x40x128xi32, #tpu.memory_space<hbm>> -> memref<40x128xi32, #tpu.memory_space<hbm>>
      tpu.wait_dma2 semaphore(%run_scoped3A : memref<!tpu.dma_semaphore, #tpu.memory_space<semaphore_mem>>) src(%dma_wait3A_68 : memref<40x128xi32, #tpu.memory_space<hbm>>) dst(%arg8 : memref<40x128xi32, #tpu.memory_space<vmem>>)
      tpu.yield
    }) : () -> ()
    %dma_start3A = arith.constant 0 : i32
    %dma_start3A_3 = arith.constant 0 : i32
    %dma_start3A_4 = arith.constant 0 : i32
    %dma_start3A_5 = tpu.memref_slice %arg7[%dma_start3A, %dma_start3A_4] : memref<40x128xi32, #tpu.memory_space<vmem>> -> memref<1x128xi32, #tpu.memory_space<vmem>>
    %dma_start3A_6 = tpu.memref_squeeze %dma_start3A_5 : memref<1x128xi32, #tpu.memory_space<vmem>> -> memref<128xi32, #tpu.memory_space<vmem>>
    %dma_start3A_7 = arith.constant 0 : i32
    %dma_start3A_8 = arith.constant 0 : i32
    %dma_start3A_9 = tpu.memref_slice %arg2[%dma_start3A_7, %dma_start3A_8] : memref<10240x128xf32, #tpu.memory_space<hbm>> -> memref<10240x128xf32, #tpu.memory_space<hbm>>
    %dma_start3A_10 = tpu.memref_slice %arg12[%dma_start3A_3] : memref<2x!tpu.dma_semaphore, #tpu.memory_space<semaphore_mem>> -> memref<1x!tpu.dma_semaphore, #tpu.memory_space<semaphore_mem>>
    %dma_start3A_11 = tpu.memref_squeeze %dma_start3A_10 : memref<1x!tpu.dma_semaphore, #tpu.memory_space<semaphore_mem>> -> memref<!tpu.dma_semaphore, #tpu.memory_space<semaphore_mem>>
    tpu.enqueue_indirect_dma source(%dma_start3A_9 : memref<10240x128xf32, #tpu.memory_space<hbm>>) target(%arg9 : memref<128x128xf32, #tpu.memory_space<vmem>>) offsets(%dma_start3A_6 : memref<128xi32, #tpu.memory_space<vmem>>) semaphore(%dma_start3A_11 : memref<!tpu.dma_semaphore, #tpu.memory_space<semaphore_mem>>)
    %scan3A = arith.constant 0 : i32
    %scan3A_12 = arith.constant 0 : i32
    %scan3A_13 = arith.constant 20 : i32
    %scan3A_14 = arith.addi %scan3A_12, %scan3A_13 : i32
    %scan3A_15 = arith.constant 1 : i32
    scf.for %scan3A_53 = %scan3A_12 to %scan3A_14 step %scan3A_15  : i32 {
      %mul3A_54 = arith.constant 2 : i32
      %mul3A_55 = arith.muli %mul3A_54, %scan3A_53 : i32
      %add3A_56 = arith.constant 1 : i32
      %add3A_57 = arith.addi %mul3A_55, %add3A_56 : i32
      %dma_start3A_58 = arith.constant 1 : i32
      %dma_start3A_59 = arith.constant 0 : i32
      %dma_start3A_60 = tpu.memref_slice %arg7[%add3A_57, %dma_start3A_59] : memref<40x128xi32, #tpu.memory_space<vmem>> -> memref<1x128xi32, #tpu.memory_space<vmem>>
      %dma_start3A_61 = tpu.memref_squeeze %dma_start3A_60 : memref<1x128xi32, #tpu.memory_space<vmem>> -> memref<128xi32, #tpu.memory_space<vmem>>
      %dma_start3A_62 = arith.constant 0 : i32
      %dma_start3A_63 = arith.constant 0 : i32
      %dma_start3A_64 = tpu.memref_slice %arg2[%dma_start3A_62, %dma_start3A_63] : memref<10240x128xf32, #tpu.memory_space<hbm>> -> memref<10240x128xf32, #tpu.memory_space<hbm>>
      %dma_start3A_65 = tpu.memref_slice %arg12[%dma_start3A_58] : memref<2x!tpu.dma_semaphore, #tpu.memory_space<semaphore_mem>> -> memref<1x!tpu.dma_semaphore, #tpu.memory_space<semaphore_mem>>
      %dma_start3A_66 = tpu.memref_squeeze %dma_start3A_65 : memref<1x!tpu.dma_semaphore, #tpu.memory_space<semaphore_mem>> -> memref<!tpu.dma_semaphore, #tpu.memory_space<semaphore_mem>>
      tpu.enqueue_indirect_dma source(%dma_start3A_64 : memref<10240x128xf32, #tpu.memory_space<hbm>>) target(%arg10 : memref<128x128xf32, #tpu.memory_space<vmem>>) offsets(%dma_start3A_61 : memref<128xi32, #tpu.memory_space<vmem>>) semaphore(%dma_start3A_66 : memref<!tpu.dma_semaphore, #tpu.memory_space<semaphore_mem>>)
      %dma_wait3A_67 = arith.constant 0 : i32
      %dma_wait3A_68 = arith.constant 0 : i32
      %dma_wait3A_69 = arith.constant 0 : i32
      %dma_wait3A_70 = tpu.memref_slice %arg7[%dma_wait3A_67, %dma_wait3A_69] : memref<40x128xi32, #tpu.memory_space<vmem>> -> memref<1x128xi32, #tpu.memory_space<vmem>>
      %dma_wait3A_71 = tpu.memref_squeeze %dma_wait3A_70 : memref<1x128xi32, #tpu.memory_space<vmem>> -> memref<128xi32, #tpu.memory_space<vmem>>
      %dma_wait3A_72 = arith.constant 0 : i32
      %dma_wait3A_73 = arith.constant 0 : i32
      %dma_wait3A_74 = tpu.memref_slice %arg2[%dma_wait3A_72, %dma_wait3A_73] : memref<10240x128xf32, #tpu.memory_space<hbm>> -> memref<10240x128xf32, #tpu.memory_space<hbm>>
      %dma_wait3A_75 = tpu.memref_slice %arg12[%dma_wait3A_68] : memref<2x!tpu.dma_semaphore, #tpu.memory_space<semaphore_mem>> -> memref<1x!tpu.dma_semaphore, #tpu.memory_space<semaphore_mem>>
      %dma_wait3A_76 = tpu.memref_squeeze %dma_wait3A_75 : memref<1x!tpu.dma_semaphore, #tpu.memory_space<semaphore_mem>> -> memref<!tpu.dma_semaphore, #tpu.memory_space<semaphore_mem>>
      tpu.wait_indirect_dma semaphore(%dma_wait3A_76 : memref<!tpu.dma_semaphore, #tpu.memory_space<semaphore_mem>>) src(%dma_wait3A_74 : memref<10240x128xf32, #tpu.memory_space<hbm>>) dst(%arg9 : memref<128x128xf32, #tpu.memory_space<vmem>>)
      "tpu.region"() ({
        %run_scoped3A = tpu.sem_alloc : memref<!tpu.dma_semaphore, #tpu.memory_space<semaphore_mem>>
        %dma_start3A_101 = arith.constant 0 : i32
        %dma_start3A_102 = tpu.memref_slice %arg8[%mul3A_55, %dma_start3A_101] : memref<40x128xi32, #tpu.memory_space<vmem>> -> memref<1x128xi32, #tpu.memory_space<vmem>>
        %dma_start3A_103 = tpu.memref_squeeze %dma_start3A_102 : memref<1x128xi32, #tpu.memory_space<vmem>> -> memref<128xi32, #tpu.memory_space<vmem>>
        %dma_start3A_104 = arith.constant 0 : i32
        %dma_start3A_105 = arith.constant 0 : i32
        %dma_start3A_106 = tpu.memref_slice %arg11[%dma_start3A_104, %dma_start3A_105] : memref<10240x128xf32, #tpu.memory_space<vmem_shared>> -> memref<10240x128xf32, #tpu.memory_space<vmem_shared>>
        tpu.enqueue_indirect_dma source(%arg9 : memref<128x128xf32, #tpu.memory_space<vmem>>) target(%dma_start3A_106 : memref<10240x128xf32, #tpu.memory_space<vmem_shared>>) offsets(%dma_start3A_103 : memref<128xi32, #tpu.memory_space<vmem>>) semaphore(%run_scoped3A : memref<!tpu.dma_semaphore, #tpu.memory_space<semaphore_mem>>) {add = true}
        %dma_wait3A_107 = arith.constant 0 : i32
        %dma_wait3A_108 = tpu.memref_slice %arg8[%mul3A_55, %dma_wait3A_107] : memref<40x128xi32, #tpu.memory_space<vmem>> -> memref<1x128xi32, #tpu.memory_space<vmem>>
        %dma_wait3A_109 = tpu.memref_squeeze %dma_wait3A_108 : memref<1x128xi32, #tpu.memory_space<vmem>> -> memref<128xi32, #tpu.memory_space<vmem>>
        %dma_wait3A_110 = arith.constant 0 : i32
        %dma_wait3A_111 = arith.constant 0 : i32
        %dma_wait3A_112 = tpu.memref_slice %arg11[%dma_wait3A_110, %dma_wait3A_111] : memref<10240x128xf32, #tpu.memory_space<vmem_shared>> -> memref<10240x128xf32, #tpu.memory_space<vmem_shared>>
        tpu.wait_indirect_dma semaphore(%run_scoped3A : memref<!tpu.dma_semaphore, #tpu.memory_space<semaphore_mem>>) src(%arg9 : memref<128x128xf32, #tpu.memory_space<vmem>>) dst(%dma_wait3A_112 : memref<10240x128xf32, #tpu.memory_space<vmem_shared>>)
        tpu.yield
      }) : () -> ()
      %add3A_77 = arith.constant 2 : i32
      %add3A_78 = arith.addi %mul3A_55, %add3A_77 : i32
      %rem3A = arith.constant 40 : i32
      %rem3A_79 = arith.remsi %add3A_78, %rem3A : i32
      %dma_start3A_80 = arith.constant 0 : i32
      %dma_start3A_81 = arith.constant 0 : i32
      %dma_start3A_82 = tpu.memref_slice %arg7[%rem3A_79, %dma_start3A_81] : memref<40x128xi32, #tpu.memory_space<vmem>> -> memref<1x128xi32, #tpu.memory_space<vmem>>
      %dma_start3A_83 = tpu.memref_squeeze %dma_start3A_82 : memref<1x128xi32, #tpu.memory_space<vmem>> -> memref<128xi32, #tpu.memory_space<vmem>>
      %dma_start3A_84 = arith.constant 0 : i32
      %dma_start3A_85 = arith.constant 0 : i32
      %dma_start3A_86 = tpu.memref_slice %arg2[%dma_start3A_84, %dma_start3A_85] : memref<10240x128xf32, #tpu.memory_space<hbm>> -> memref<10240x128xf32, #tpu.memory_space<hbm>>
      %dma_start3A_87 = tpu.memref_slice %arg12[%dma_start3A_80] : memref<2x!tpu.dma_semaphore, #tpu.memory_space<semaphore_mem>> -> memref<1x!tpu.dma_semaphore, #tpu.memory_space<semaphore_mem>>
      %dma_start3A_88 = tpu.memref_squeeze %dma_start3A_87 : memref<1x!tpu.dma_semaphore, #tpu.memory_space<semaphore_mem>> -> memref<!tpu.dma_semaphore, #tpu.memory_space<semaphore_mem>>
      tpu.enqueue_indirect_dma source(%dma_start3A_86 : memref<10240x128xf32, #tpu.memory_space<hbm>>) target(%arg9 : memref<128x128xf32, #tpu.memory_space<vmem>>) offsets(%dma_start3A_83 : memref<128xi32, #tpu.memory_space<vmem>>) semaphore(%dma_start3A_88 : memref<!tpu.dma_semaphore, #tpu.memory_space<semaphore_mem>>)
      %dma_wait3A_89 = arith.constant 0 : i32
      %dma_wait3A_90 = arith.constant 1 : i32
      %dma_wait3A_91 = arith.constant 0 : i32
      %dma_wait3A_92 = tpu.memref_slice %arg7[%dma_wait3A_89, %dma_wait3A_91] : memref<40x128xi32, #tpu.memory_space<vmem>> -> memref<1x128xi32, #tpu.memory_space<vmem>>
      %dma_wait3A_93 = tpu.memref_squeeze %dma_wait3A_92 : memref<1x128xi32, #tpu.memory_space<vmem>> -> memref<128xi32, #tpu.memory_space<vmem>>
      %dma_wait3A_94 = arith.constant 0 : i32
      %dma_wait3A_95 = arith.constant 0 : i32
      %dma_wait3A_96 = tpu.memref_slice %arg2[%dma_wait3A_94, %dma_wait3A_95] : memref<10240x128xf32, #tpu.memory_space<hbm>> -> memref<10240x128xf32, #tpu.memory_space<hbm>>
      %dma_wait3A_97 = tpu.memref_slice %arg12[%dma_wait3A_90] : memref<2x!tpu.dma_semaphore, #tpu.memory_space<semaphore_mem>> -> memref<1x!tpu.dma_semaphore, #tpu.memory_space<semaphore_mem>>
      %dma_wait3A_98 = tpu.memref_squeeze %dma_wait3A_97 : memref<1x!tpu.dma_semaphore, #tpu.memory_space<semaphore_mem>> -> memref<!tpu.dma_semaphore, #tpu.memory_space<semaphore_mem>>
      tpu.wait_indirect_dma semaphore(%dma_wait3A_98 : memref<!tpu.dma_semaphore, #tpu.memory_space<semaphore_mem>>) src(%dma_wait3A_96 : memref<10240x128xf32, #tpu.memory_space<hbm>>) dst(%arg10 : memref<128x128xf32, #tpu.memory_space<vmem>>)
      %add3A_99 = arith.constant 1 : i32
      %add3A_100 = arith.addi %mul3A_55, %add3A_99 : i32
      "tpu.region"() ({
        %run_scoped3A = tpu.sem_alloc : memref<!tpu.dma_semaphore, #tpu.memory_space<semaphore_mem>>
        %dma_start3A_101 = arith.constant 0 : i32
        %dma_start3A_102 = tpu.memref_slice %arg8[%add3A_100, %dma_start3A_101] : memref<40x128xi32, #tpu.memory_space<vmem>> -> memref<1x128xi32, #tpu.memory_space<vmem>>
        %dma_start3A_103 = tpu.memref_squeeze %dma_start3A_102 : memref<1x128xi32, #tpu.memory_space<vmem>> -> memref<128xi32, #tpu.memory_space<vmem>>
        %dma_start3A_104 = arith.constant 0 : i32
        %dma_start3A_105 = arith.constant 0 : i32
        %dma_start3A_106 = tpu.memref_slice %arg11[%dma_start3A_104, %dma_start3A_105] : memref<10240x128xf32, #tpu.memory_space<vmem_shared>> -> memref<10240x128xf32, #tpu.memory_space<vmem_shared>>
        tpu.enqueue_indirect_dma source(%arg10 : memref<128x128xf32, #tpu.memory_space<vmem>>) target(%dma_start3A_106 : memref<10240x128xf32, #tpu.memory_space<vmem_shared>>) offsets(%dma_start3A_103 : memref<128xi32, #tpu.memory_space<vmem>>) semaphore(%run_scoped3A : memref<!tpu.dma_semaphore, #tpu.memory_space<semaphore_mem>>) {add = true}
        %dma_wait3A_107 = arith.constant 0 : i32
        %dma_wait3A_108 = tpu.memref_slice %arg8[%add3A_100, %dma_wait3A_107] : memref<40x128xi32, #tpu.memory_space<vmem>> -> memref<1x128xi32, #tpu.memory_space<vmem>>
        %dma_wait3A_109 = tpu.memref_squeeze %dma_wait3A_108 : memref<1x128xi32, #tpu.memory_space<vmem>> -> memref<128xi32, #tpu.memory_space<vmem>>
        %dma_wait3A_110 = arith.constant 0 : i32
        %dma_wait3A_111 = arith.constant 0 : i32
        %dma_wait3A_112 = tpu.memref_slice %arg11[%dma_wait3A_110, %dma_wait3A_111] : memref<10240x128xf32, #tpu.memory_space<vmem_shared>> -> memref<10240x128xf32, #tpu.memory_space<vmem_shared>>
        tpu.wait_indirect_dma semaphore(%run_scoped3A : memref<!tpu.dma_semaphore, #tpu.memory_space<semaphore_mem>>) src(%arg10 : memref<128x128xf32, #tpu.memory_space<vmem>>) dst(%dma_wait3A_112 : memref<10240x128xf32, #tpu.memory_space<vmem_shared>>)
        tpu.yield
      }) : () -> ()
    }
    %scan3A_16 = arith.constant 20 : i32
    %dma_wait3A = arith.constant 0 : i32
    %dma_wait3A_17 = arith.constant 0 : i32
    %dma_wait3A_18 = arith.constant 0 : i32
    %dma_wait3A_19 = tpu.memref_slice %arg7[%dma_wait3A, %dma_wait3A_18] : memref<40x128xi32, #tpu.memory_space<vmem>> -> memref<1x128xi32, #tpu.memory_space<vmem>>
    %dma_wait3A_20 = tpu.memref_squeeze %dma_wait3A_19 : memref<1x128xi32, #tpu.memory_space<vmem>> -> memref<128xi32, #tpu.memory_space<vmem>>
    %dma_wait3A_21 = arith.constant 0 : i32
    %dma_wait3A_22 = arith.constant 0 : i32
    %dma_wait3A_23 = tpu.memref_slice %arg2[%dma_wait3A_21, %dma_wait3A_22] : memref<10240x128xf32, #tpu.memory_space<hbm>> -> memref<10240x128xf32, #tpu.memory_space<hbm>>
    %dma_wait3A_24 = tpu.memref_slice %arg12[%dma_wait3A_17] : memref<2x!tpu.dma_semaphore, #tpu.memory_space<semaphore_mem>> -> memref<1x!tpu.dma_semaphore, #tpu.memory_space<semaphore_mem>>
    %dma_wait3A_25 = tpu.memref_squeeze %dma_wait3A_24 : memref<1x!tpu.dma_semaphore, #tpu.memory_space<semaphore_mem>> -> memref<!tpu.dma_semaphore, #tpu.memory_space<semaphore_mem>>
    tpu.wait_indirect_dma semaphore(%dma_wait3A_25 : memref<!tpu.dma_semaphore, #tpu.memory_space<semaphore_mem>>) src(%dma_wait3A_23 : memref<10240x128xf32, #tpu.memory_space<hbm>>) dst(%arg9 : memref<128x128xf32, #tpu.memory_space<vmem>>)
    "tpu.region"() ({
      %run_scoped3A = tpu.sem_alloc : memref<!tpu.dma_semaphore, #tpu.memory_space<semaphore_mem>>
      %dma_start3A_53 = arith.constant 40 : i32
      %dma_start3A_54 = arith.constant 0 : i32
      %dma_start3A_55 = tpu.memref_slice %arg3[%add3A, %dma_start3A_53, %dma_start3A_54] : memref<32x80x128xi32, #tpu.memory_space<hbm>> -> memref<1x40x128xi32, #tpu.memory_space<hbm>>
      %dma_start3A_56 = tpu.memref_squeeze %dma_start3A_55 : memref<1x40x128xi32, #tpu.memory_space<hbm>> -> memref<40x128xi32, #tpu.memory_space<hbm>>
      %dma_start3A_57 = arith.constant 40 : i32
      %dma_start3A_58 = arith.constant 0 : i32
      %dma_start3A_59 = tpu.memref_slice %arg3[%add3A, %dma_start3A_57, %dma_start3A_58] : memref<32x80x128xi32, #tpu.memory_space<hbm>> -> memref<1x40x128xi32, #tpu.memory_space<hbm>>
      %dma_start3A_60 = tpu.memref_squeeze %dma_start3A_59 : memref<1x40x128xi32, #tpu.memory_space<hbm>> -> memref<40x128xi32, #tpu.memory_space<hbm>>
      tpu.enqueue_dma source(%dma_start3A_60 : memref<40x128xi32, #tpu.memory_space<hbm>>) target(%arg7 : memref<40x128xi32, #tpu.memory_space<vmem>>) target_semaphore(%run_scoped3A : memref<!tpu.dma_semaphore, #tpu.memory_space<semaphore_mem>>)
      %dma_wait3A_61 = arith.constant 40 : i32
      %dma_wait3A_62 = arith.constant 0 : i32
      %dma_wait3A_63 = tpu.memref_slice %arg3[%add3A, %dma_wait3A_61, %dma_wait3A_62] : memref<32x80x128xi32, #tpu.memory_space<hbm>> -> memref<1x40x128xi32, #tpu.memory_space<hbm>>
      %dma_wait3A_64 = tpu.memref_squeeze %dma_wait3A_63 : memref<1x40x128xi32, #tpu.memory_space<hbm>> -> memref<40x128xi32, #tpu.memory_space<hbm>>
      %dma_wait3A_65 = arith.constant 40 : i32
      %dma_wait3A_66 = arith.constant 0 : i32
      %dma_wait3A_67 = tpu.memref_slice %arg3[%add3A, %dma_wait3A_65, %dma_wait3A_66] : memref<32x80x128xi32, #tpu.memory_space<hbm>> -> memref<1x40x128xi32, #tpu.memory_space<hbm>>
      %dma_wait3A_68 = tpu.memref_squeeze %dma_wait3A_67 : memref<1x40x128xi32, #tpu.memory_space<hbm>> -> memref<40x128xi32, #tpu.memory_space<hbm>>
      tpu.wait_dma2 semaphore(%run_scoped3A : memref<!tpu.dma_semaphore, #tpu.memory_space<semaphore_mem>>) src(%dma_wait3A_68 : memref<40x128xi32, #tpu.memory_space<hbm>>) dst(%arg7 : memref<40x128xi32, #tpu.memory_space<vmem>>)
      tpu.yield
    }) : () -> ()
    "tpu.region"() ({
      %run_scoped3A = tpu.sem_alloc : memref<!tpu.dma_semaphore, #tpu.memory_space<semaphore_mem>>
      %dma_start3A_53 = arith.constant 40 : i32
      %dma_start3A_54 = arith.constant 0 : i32
      %dma_start3A_55 = tpu.memref_slice %arg4[%add3A, %dma_start3A_53, %dma_start3A_54] : memref<32x80x128xi32, #tpu.memory_space<hbm>> -> memref<1x40x128xi32, #tpu.memory_space<hbm>>
      %dma_start3A_56 = tpu.memref_squeeze %dma_start3A_55 : memref<1x40x128xi32, #tpu.memory_space<hbm>> -> memref<40x128xi32, #tpu.memory_space<hbm>>
      %dma_start3A_57 = arith.constant 40 : i32
      %dma_start3A_58 = arith.constant 0 : i32
      %dma_start3A_59 = tpu.memref_slice %arg4[%add3A, %dma_start3A_57, %dma_start3A_58] : memref<32x80x128xi32, #tpu.memory_space<hbm>> -> memref<1x40x128xi32, #tpu.memory_space<hbm>>
      %dma_start3A_60 = tpu.memref_squeeze %dma_start3A_59 : memref<1x40x128xi32, #tpu.memory_space<hbm>> -> memref<40x128xi32, #tpu.memory_space<hbm>>
      tpu.enqueue_dma source(%dma_start3A_60 : memref<40x128xi32, #tpu.memory_space<hbm>>) target(%arg8 : memref<40x128xi32, #tpu.memory_space<vmem>>) target_semaphore(%run_scoped3A : memref<!tpu.dma_semaphore, #tpu.memory_space<semaphore_mem>>)
      %dma_wait3A_61 = arith.constant 40 : i32
      %dma_wait3A_62 = arith.constant 0 : i32
      %dma_wait3A_63 = tpu.memref_slice %arg4[%add3A, %dma_wait3A_61, %dma_wait3A_62] : memref<32x80x128xi32, #tpu.memory_space<hbm>> -> memref<1x40x128xi32, #tpu.memory_space<hbm>>
      %dma_wait3A_64 = tpu.memref_squeeze %dma_wait3A_63 : memref<1x40x128xi32, #tpu.memory_space<hbm>> -> memref<40x128xi32, #tpu.memory_space<hbm>>
      %dma_wait3A_65 = arith.constant 40 : i32
      %dma_wait3A_66 = arith.constant 0 : i32
      %dma_wait3A_67 = tpu.memref_slice %arg4[%add3A, %dma_wait3A_65, %dma_wait3A_66] : memref<32x80x128xi32, #tpu.memory_space<hbm>> -> memref<1x40x128xi32, #tpu.memory_space<hbm>>
      %dma_wait3A_68 = tpu.memref_squeeze %dma_wait3A_67 : memref<1x40x128xi32, #tpu.memory_space<hbm>> -> memref<40x128xi32, #tpu.memory_space<hbm>>
      tpu.wait_dma2 semaphore(%run_scoped3A : memref<!tpu.dma_semaphore, #tpu.memory_space<semaphore_mem>>) src(%dma_wait3A_68 : memref<40x128xi32, #tpu.memory_space<hbm>>) dst(%arg8 : memref<40x128xi32, #tpu.memory_space<vmem>>)
      tpu.yield
    }) : () -> ()
    %dma_start3A_26 = arith.constant 0 : i32
    %dma_start3A_27 = arith.constant 0 : i32
    %dma_start3A_28 = arith.constant 0 : i32
    %dma_start3A_29 = tpu.memref_slice %arg7[%dma_start3A_26, %dma_start3A_28] : memref<40x128xi32, #tpu.memory_space<vmem>> -> memref<1x128xi32, #tpu.memory_space<vmem>>
    %dma_start3A_30 = tpu.memref_squeeze %dma_start3A_29 : memref<1x128xi32, #tpu.memory_space<vmem>> -> memref<128xi32, #tpu.memory_space<vmem>>
    %dma_start3A_31 = arith.constant 0 : i32
    %dma_start3A_32 = arith.constant 0 : i32
    %dma_start3A_33 = tpu.memref_slice %arg2[%dma_start3A_31, %dma_start3A_32] : memref<10240x128xf32, #tpu.memory_space<hbm>> -> memref<10240x128xf32, #tpu.memory_space<hbm>>
    %dma_start3A_34 = tpu.memref_slice %arg12[%dma_start3A_27] : memref<2x!tpu.dma_semaphore, #tpu.memory_space<semaphore_mem>> -> memref<1x!tpu.dma_semaphore, #tpu.memory_space<semaphore_mem>>
    %dma_start3A_35 = tpu.memref_squeeze %dma_start3A_34 : memref<1x!tpu.dma_semaphore, #tpu.memory_space<semaphore_mem>> -> memref<!tpu.dma_semaphore, #tpu.memory_space<semaphore_mem>>
    tpu.enqueue_indirect_dma source(%dma_start3A_33 : memref<10240x128xf32, #tpu.memory_space<hbm>>) target(%arg9 : memref<128x128xf32, #tpu.memory_space<vmem>>) offsets(%dma_start3A_30 : memref<128xi32, #tpu.memory_space<vmem>>) semaphore(%dma_start3A_35 : memref<!tpu.dma_semaphore, #tpu.memory_space<semaphore_mem>>)
    %scan3A_36 = arith.constant 0 : i32
    %scan3A_37 = arith.constant 0 : i32
    %scan3A_38 = arith.constant 20 : i32
    %scan3A_39 = arith.addi %scan3A_37, %scan3A_38 : i32
    %scan3A_40 = arith.constant 1 : i32
    scf.for %scan3A_53 = %scan3A_37 to %scan3A_39 step %scan3A_40  : i32 {
      %mul3A_54 = arith.constant 2 : i32
      %mul3A_55 = arith.muli %mul3A_54, %scan3A_53 : i32
      %add3A_56 = arith.constant 1 : i32
      %add3A_57 = arith.addi %mul3A_55, %add3A_56 : i32
      %dma_start3A_58 = arith.constant 1 : i32
      %dma_start3A_59 = arith.constant 0 : i32
      %dma_start3A_60 = tpu.memref_slice %arg7[%add3A_57, %dma_start3A_59] : memref<40x128xi32, #tpu.memory_space<vmem>> -> memref<1x128xi32, #tpu.memory_space<vmem>>
      %dma_start3A_61 = tpu.memref_squeeze %dma_start3A_60 : memref<1x128xi32, #tpu.memory_space<vmem>> -> memref<128xi32, #tpu.memory_space<vmem>>
      %dma_start3A_62 = arith.constant 0 : i32
      %dma_start3A_63 = arith.constant 0 : i32
      %dma_start3A_64 = tpu.memref_slice %arg2[%dma_start3A_62, %dma_start3A_63] : memref<10240x128xf32, #tpu.memory_space<hbm>> -> memref<10240x128xf32, #tpu.memory_space<hbm>>
      %dma_start3A_65 = tpu.memref_slice %arg12[%dma_start3A_58] : memref<2x!tpu.dma_semaphore, #tpu.memory_space<semaphore_mem>> -> memref<1x!tpu.dma_semaphore, #tpu.memory_space<semaphore_mem>>
      %dma_start3A_66 = tpu.memref_squeeze %dma_start3A_65 : memref<1x!tpu.dma_semaphore, #tpu.memory_space<semaphore_mem>> -> memref<!tpu.dma_semaphore, #tpu.memory_space<semaphore_mem>>
      tpu.enqueue_indirect_dma source(%dma_start3A_64 : memref<10240x128xf32, #tpu.memory_space<hbm>>) target(%arg10 : memref<128x128xf32, #tpu.memory_space<vmem>>) offsets(%dma_start3A_61 : memref<128xi32, #tpu.memory_space<vmem>>) semaphore(%dma_start3A_66 : memref<!tpu.dma_semaphore, #tpu.memory_space<semaphore_mem>>)
      %dma_wait3A_67 = arith.constant 0 : i32
      %dma_wait3A_68 = arith.constant 0 : i32
      %dma_wait3A_69 = arith.constant 0 : i32
      %dma_wait3A_70 = tpu.memref_slice %arg7[%dma_wait3A_67, %dma_wait3A_69] : memref<40x128xi32, #tpu.memory_space<vmem>> -> memref<1x128xi32, #tpu.memory_space<vmem>>
      %dma_wait3A_71 = tpu.memref_squeeze %dma_wait3A_70 : memref<1x128xi32, #tpu.memory_space<vmem>> -> memref<128xi32, #tpu.memory_space<vmem>>
      %dma_wait3A_72 = arith.constant 0 : i32
      %dma_wait3A_73 = arith.constant 0 : i32
      %dma_wait3A_74 = tpu.memref_slice %arg2[%dma_wait3A_72, %dma_wait3A_73] : memref<10240x128xf32, #tpu.memory_space<hbm>> -> memref<10240x128xf32, #tpu.memory_space<hbm>>
      %dma_wait3A_75 = tpu.memref_slice %arg12[%dma_wait3A_68] : memref<2x!tpu.dma_semaphore, #tpu.memory_space<semaphore_mem>> -> memref<1x!tpu.dma_semaphore, #tpu.memory_space<semaphore_mem>>
      %dma_wait3A_76 = tpu.memref_squeeze %dma_wait3A_75 : memref<1x!tpu.dma_semaphore, #tpu.memory_space<semaphore_mem>> -> memref<!tpu.dma_semaphore, #tpu.memory_space<semaphore_mem>>
      tpu.wait_indirect_dma semaphore(%dma_wait3A_76 : memref<!tpu.dma_semaphore, #tpu.memory_space<semaphore_mem>>) src(%dma_wait3A_74 : memref<10240x128xf32, #tpu.memory_space<hbm>>) dst(%arg9 : memref<128x128xf32, #tpu.memory_space<vmem>>)
      "tpu.region"() ({
        %run_scoped3A = tpu.sem_alloc : memref<!tpu.dma_semaphore, #tpu.memory_space<semaphore_mem>>
        %dma_start3A_101 = arith.constant 0 : i32
        %dma_start3A_102 = tpu.memref_slice %arg8[%mul3A_55, %dma_start3A_101] : memref<40x128xi32, #tpu.memory_space<vmem>> -> memref<1x128xi32, #tpu.memory_space<vmem>>
        %dma_start3A_103 = tpu.memref_squeeze %dma_start3A_102 : memref<1x128xi32, #tpu.memory_space<vmem>> -> memref<128xi32, #tpu.memory_space<vmem>>
        %dma_start3A_104 = arith.constant 0 : i32
        %dma_start3A_105 = arith.constant 0 : i32
        %dma_start3A_106 = tpu.memref_slice %arg11[%dma_start3A_104, %dma_start3A_105] : memref<10240x128xf32, #tpu.memory_space<vmem_shared>> -> memref<10240x128xf32, #tpu.memory_space<vmem_shared>>
        tpu.enqueue_indirect_dma source(%arg9 : memref<128x128xf32, #tpu.memory_space<vmem>>) target(%dma_start3A_106 : memref<10240x128xf32, #tpu.memory_space<vmem_shared>>) offsets(%dma_start3A_103 : memref<128xi32, #tpu.memory_space<vmem>>) semaphore(%run_scoped3A : memref<!tpu.dma_semaphore, #tpu.memory_space<semaphore_mem>>) {add = true}
        %dma_wait3A_107 = arith.constant 0 : i32
        %dma_wait3A_108 = tpu.memref_slice %arg8[%mul3A_55, %dma_wait3A_107] : memref<40x128xi32, #tpu.memory_space<vmem>> -> memref<1x128xi32, #tpu.memory_space<vmem>>
        %dma_wait3A_109 = tpu.memref_squeeze %dma_wait3A_108 : memref<1x128xi32, #tpu.memory_space<vmem>> -> memref<128xi32, #tpu.memory_space<vmem>>
        %dma_wait3A_110 = arith.constant 0 : i32
        %dma_wait3A_111 = arith.constant 0 : i32
        %dma_wait3A_112 = tpu.memref_slice %arg11[%dma_wait3A_110, %dma_wait3A_111] : memref<10240x128xf32, #tpu.memory_space<vmem_shared>> -> memref<10240x128xf32, #tpu.memory_space<vmem_shared>>
        tpu.wait_indirect_dma semaphore(%run_scoped3A : memref<!tpu.dma_semaphore, #tpu.memory_space<semaphore_mem>>) src(%arg9 : memref<128x128xf32, #tpu.memory_space<vmem>>) dst(%dma_wait3A_112 : memref<10240x128xf32, #tpu.memory_space<vmem_shared>>)
        tpu.yield
      }) : () -> ()
      %add3A_77 = arith.constant 2 : i32
      %add3A_78 = arith.addi %mul3A_55, %add3A_77 : i32
      %rem3A = arith.constant 40 : i32
      %rem3A_79 = arith.remsi %add3A_78, %rem3A : i32
      %dma_start3A_80 = arith.constant 0 : i32
      %dma_start3A_81 = arith.constant 0 : i32
      %dma_start3A_82 = tpu.memref_slice %arg7[%rem3A_79, %dma_start3A_81] : memref<40x128xi32, #tpu.memory_space<vmem>> -> memref<1x128xi32, #tpu.memory_space<vmem>>
      %dma_start3A_83 = tpu.memref_squeeze %dma_start3A_82 : memref<1x128xi32, #tpu.memory_space<vmem>> -> memref<128xi32, #tpu.memory_space<vmem>>
      %dma_start3A_84 = arith.constant 0 : i32
      %dma_start3A_85 = arith.constant 0 : i32
      %dma_start3A_86 = tpu.memref_slice %arg2[%dma_start3A_84, %dma_start3A_85] : memref<10240x128xf32, #tpu.memory_space<hbm>> -> memref<10240x128xf32, #tpu.memory_space<hbm>>
      %dma_start3A_87 = tpu.memref_slice %arg12[%dma_start3A_80] : memref<2x!tpu.dma_semaphore, #tpu.memory_space<semaphore_mem>> -> memref<1x!tpu.dma_semaphore, #tpu.memory_space<semaphore_mem>>
      %dma_start3A_88 = tpu.memref_squeeze %dma_start3A_87 : memref<1x!tpu.dma_semaphore, #tpu.memory_space<semaphore_mem>> -> memref<!tpu.dma_semaphore, #tpu.memory_space<semaphore_mem>>
      tpu.enqueue_indirect_dma source(%dma_start3A_86 : memref<10240x128xf32, #tpu.memory_space<hbm>>) target(%arg9 : memref<128x128xf32, #tpu.memory_space<vmem>>) offsets(%dma_start3A_83 : memref<128xi32, #tpu.memory_space<vmem>>) semaphore(%dma_start3A_88 : memref<!tpu.dma_semaphore, #tpu.memory_space<semaphore_mem>>)
      %dma_wait3A_89 = arith.constant 0 : i32
      %dma_wait3A_90 = arith.constant 1 : i32
      %dma_wait3A_91 = arith.constant 0 : i32
      %dma_wait3A_92 = tpu.memref_slice %arg7[%dma_wait3A_89, %dma_wait3A_91] : memref<40x128xi32, #tpu.memory_space<vmem>> -> memref<1x128xi32, #tpu.memory_space<vmem>>
      %dma_wait3A_93 = tpu.memref_squeeze %dma_wait3A_92 : memref<1x128xi32, #tpu.memory_space<vmem>> -> memref<128xi32, #tpu.memory_space<vmem>>
      %dma_wait3A_94 = arith.constant 0 : i32
      %dma_wait3A_95 = arith.constant 0 : i32
      %dma_wait3A_96 = tpu.memref_slice %arg2[%dma_wait3A_94, %dma_wait3A_95] : memref<10240x128xf32, #tpu.memory_space<hbm>> -> memref<10240x128xf32, #tpu.memory_space<hbm>>
      %dma_wait3A_97 = tpu.memref_slice %arg12[%dma_wait3A_90] : memref<2x!tpu.dma_semaphore, #tpu.memory_space<semaphore_mem>> -> memref<1x!tpu.dma_semaphore, #tpu.memory_space<semaphore_mem>>
      %dma_wait3A_98 = tpu.memref_squeeze %dma_wait3A_97 : memref<1x!tpu.dma_semaphore, #tpu.memory_space<semaphore_mem>> -> memref<!tpu.dma_semaphore, #tpu.memory_space<semaphore_mem>>
      tpu.wait_indirect_dma semaphore(%dma_wait3A_98 : memref<!tpu.dma_semaphore, #tpu.memory_space<semaphore_mem>>) src(%dma_wait3A_96 : memref<10240x128xf32, #tpu.memory_space<hbm>>) dst(%arg10 : memref<128x128xf32, #tpu.memory_space<vmem>>)
      %add3A_99 = arith.constant 1 : i32
      %add3A_100 = arith.addi %mul3A_55, %add3A_99 : i32
      "tpu.region"() ({
        %run_scoped3A = tpu.sem_alloc : memref<!tpu.dma_semaphore, #tpu.memory_space<semaphore_mem>>
        %dma_start3A_101 = arith.constant 0 : i32
        %dma_start3A_102 = tpu.memref_slice %arg8[%add3A_100, %dma_start3A_101] : memref<40x128xi32, #tpu.memory_space<vmem>> -> memref<1x128xi32, #tpu.memory_space<vmem>>
        %dma_start3A_103 = tpu.memref_squeeze %dma_start3A_102 : memref<1x128xi32, #tpu.memory_space<vmem>> -> memref<128xi32, #tpu.memory_space<vmem>>
        %dma_start3A_104 = arith.constant 0 : i32
        %dma_start3A_105 = arith.constant 0 : i32
        %dma_start3A_106 = tpu.memref_slice %arg11[%dma_start3A_104, %dma_start3A_105] : memref<10240x128xf32, #tpu.memory_space<vmem_shared>> -> memref<10240x128xf32, #tpu.memory_space<vmem_shared>>
        tpu.enqueue_indirect_dma source(%arg10 : memref<128x128xf32, #tpu.memory_space<vmem>>) target(%dma_start3A_106 : memref<10240x128xf32, #tpu.memory_space<vmem_shared>>) offsets(%dma_start3A_103 : memref<128xi32, #tpu.memory_space<vmem>>) semaphore(%run_scoped3A : memref<!tpu.dma_semaphore, #tpu.memory_space<semaphore_mem>>) {add = true}
        %dma_wait3A_107 = arith.constant 0 : i32
        %dma_wait3A_108 = tpu.memref_slice %arg8[%add3A_100, %dma_wait3A_107] : memref<40x128xi32, #tpu.memory_space<vmem>> -> memref<1x128xi32, #tpu.memory_space<vmem>>
        %dma_wait3A_109 = tpu.memref_squeeze %dma_wait3A_108 : memref<1x128xi32, #tpu.memory_space<vmem>> -> memref<128xi32, #tpu.memory_space<vmem>>
        %dma_wait3A_110 = arith.constant 0 : i32
        %dma_wait3A_111 = arith.constant 0 : i32
        %dma_wait3A_112 = tpu.memref_slice %arg11[%dma_wait3A_110, %dma_wait3A_111] : memref<10240x128xf32, #tpu.memory_space<vmem_shared>> -> memref<10240x128xf32, #tpu.memory_space<vmem_shared>>
        tpu.wait_indirect_dma semaphore(%run_scoped3A : memref<!tpu.dma_semaphore, #tpu.memory_space<semaphore_mem>>) src(%arg10 : memref<128x128xf32, #tpu.memory_space<vmem>>) dst(%dma_wait3A_112 : memref<10240x128xf32, #tpu.memory_space<vmem_shared>>)
        tpu.yield
      }) : () -> ()
    }
    %scan3A_41 = arith.constant 20 : i32
    %dma_wait3A_42 = arith.constant 0 : i32
    %dma_wait3A_43 = arith.constant 0 : i32
    %dma_wait3A_44 = arith.constant 0 : i32
    %dma_wait3A_45 = tpu.memref_slice %arg7[%dma_wait3A_42, %dma_wait3A_44] : memref<40x128xi32, #tpu.memory_space<vmem>> -> memref<1x128xi32, #tpu.memory_space<vmem>>
    %dma_wait3A_46 = tpu.memref_squeeze %dma_wait3A_45 : memref<1x128xi32, #tpu.memory_space<vmem>> -> memref<128xi32, #tpu.memory_space<vmem>>
    %dma_wait3A_47 = arith.constant 0 : i32
    %dma_wait3A_48 = arith.constant 0 : i32
    %dma_wait3A_49 = tpu.memref_slice %arg2[%dma_wait3A_47, %dma_wait3A_48] : memref<10240x128xf32, #tpu.memory_space<hbm>> -> memref<10240x128xf32, #tpu.memory_space<hbm>>
    %dma_wait3A_50 = tpu.memref_slice %arg12[%dma_wait3A_43] : memref<2x!tpu.dma_semaphore, #tpu.memory_space<semaphore_mem>> -> memref<1x!tpu.dma_semaphore, #tpu.memory_space<semaphore_mem>>
    %dma_wait3A_51 = tpu.memref_squeeze %dma_wait3A_50 : memref<1x!tpu.dma_semaphore, #tpu.memory_space<semaphore_mem>> -> memref<!tpu.dma_semaphore, #tpu.memory_space<semaphore_mem>>
    tpu.wait_indirect_dma semaphore(%dma_wait3A_51 : memref<!tpu.dma_semaphore, #tpu.memory_space<semaphore_mem>>) src(%dma_wait3A_49 : memref<10240x128xf32, #tpu.memory_space<hbm>>) dst(%arg9 : memref<128x128xf32, #tpu.memory_space<vmem>>)
    %barrier3A_52 = arith.constant 0 : index
    tpu.barrier barrier_id(%barrier3A_52)
    "tpu.region"() ({
      %run_scoped3A = tpu.sem_alloc : memref<!tpu.dma_semaphore, #tpu.memory_space<semaphore_mem>>
      %dma_start3A_53 = arith.constant 0 : i32
      %dma_start3A_54 = tpu.memref_slice %arg6[%arg0, %mul3A_2, %dma_start3A_53] : memref<2x10240x128xf32, #tpu.memory_space<hbm>> -> memref<1x640x128xf32, #tpu.memory_space<hbm>>
      %dma_start3A_55 = tpu.memref_squeeze %dma_start3A_54 : memref<1x640x128xf32, #tpu.memory_space<hbm>> -> memref<640x128xf32, #tpu.memory_space<hbm>>
      %dma_start3A_56 = arith.constant 0 : i32
      %dma_start3A_57 = tpu.memref_slice %arg11[%mul3A_2, %dma_start3A_56] : memref<10240x128xf32, #tpu.memory_space<vmem_shared>> -> memref<640x128xf32, #tpu.memory_space<vmem_shared>>
      tpu.enqueue_dma source(%dma_start3A_57 : memref<640x128xf32, #tpu.memory_space<vmem_shared>>) target(%dma_start3A_55 : memref<640x128xf32, #tpu.memory_space<hbm>>) target_semaphore(%run_scoped3A : memref<!tpu.dma_semaphore, #tpu.memory_space<semaphore_mem>>)
      %dma_wait3A_58 = arith.constant 0 : i32
      %dma_wait3A_59 = tpu.memref_slice %arg6[%arg0, %mul3A_2, %dma_wait3A_58] : memref<2x10240x128xf32, #tpu.memory_space<hbm>> -> memref<1x640x128xf32, #tpu.memory_space<hbm>>
      %dma_wait3A_60 = tpu.memref_squeeze %dma_wait3A_59 : memref<1x640x128xf32, #tpu.memory_space<hbm>> -> memref<640x128xf32, #tpu.memory_space<hbm>>
      %dma_wait3A_61 = arith.constant 0 : i32
      %dma_wait3A_62 = tpu.memref_slice %arg11[%mul3A_2, %dma_wait3A_61] : memref<10240x128xf32, #tpu.memory_space<vmem_shared>> -> memref<640x128xf32, #tpu.memory_space<vmem_shared>>
      tpu.wait_dma2 semaphore(%run_scoped3A : memref<!tpu.dma_semaphore, #tpu.memory_space<semaphore_mem>>) src(%dma_wait3A_62 : memref<640x128xf32, #tpu.memory_space<vmem_shared>>) dst(%dma_wait3A_60 : memref<640x128xf32, #tpu.memory_space<hbm>>)
      tpu.yield
    }) : () -> ()
    return
  }
}

#map = affine_map<(d0, d1) -> (0, 0)>
#map1 = affine_map<(d0, d1) -> (0, 0, 0)>
module attributes {stable_mosaic.version = 14 : i64} {
  func.func @_sc_scatter_body(%arg0: i32, %arg1: i32, %arg2: memref<10240x128xf32, #tpu.memory_space<hbm>>, %arg3: memref<32x80x128xi32, #tpu.memory_space<hbm>>, %arg4: memref<32x80x128xi32, #tpu.memory_space<hbm>>, %arg5: memref<10240x128xf32, #tpu.memory_space<hbm>>, %arg6: memref<2x10240x128xf32, #tpu.memory_space<hbm>>, %arg7: memref<40x128xi32, #tpu.memory_space<vmem>>, %arg8: memref<40x128xi32, #tpu.memory_space<vmem>>, %arg9: memref<128x128xf32, #tpu.memory_space<vmem>>, %arg10: memref<128x128xf32, #tpu.memory_space<vmem>>, %arg11: memref<10240x128xf32, #tpu.memory_space<vmem_shared>>, %arg12: memref<2x!tpu.dma_semaphore, #tpu.memory_space<semaphore_mem>>) attributes {dimension_semantics = [#tpu.dimension_semantics<core_parallel>, #tpu.dimension_semantics<subcore_parallel>], iteration_bounds = array<i64: 2, 16>, scalar_prefetch = 0 : i64, scratch_operands = 6 : i64, tpu.core_type = #tpu.core_type<sc_vector_subcore>, window_params = [{transform_indices = #map}, {transform_indices = #map1}, {transform_indices = #map1}, {transform_indices = #map}, {transform_indices = #map1}]} {
    %mul3A = arith.constant 16 : i32
    %mul3A_0 = arith.muli %arg0, %mul3A : i32
    %add3A = arith.addi %mul3A_0, %arg1 : i32
    %mul3A_1 = arith.constant 640 : i32
    %mul3A_2 = arith.muli %arg1, %mul3A_1 : i32
    "tpu.region"() ({
      %run_scoped3A = tpu.sem_alloc : memref<!tpu.dma_semaphore, #tpu.memory_space<semaphore_mem>>
      %dma_start3A_53 = arith.constant 0 : i32
      %dma_start3A_54 = tpu.memref_slice %arg11[%mul3A_2, %dma_start3A_53] : memref<10240x128xf32, #tpu.memory_space<vmem_shared>> -> memref<640x128xf32, #tpu.memory_space<vmem_shared>>
      %dma_start3A_55 = arith.constant 0 : i32
      %dma_start3A_56 = tpu.memref_slice %arg5[%mul3A_2, %dma_start3A_55] : memref<10240x128xf32, #tpu.memory_space<hbm>> -> memref<640x128xf32, #tpu.memory_space<hbm>>
      tpu.enqueue_dma source(%dma_start3A_56 : memref<640x128xf32, #tpu.memory_space<hbm>>) target(%dma_start3A_54 : memref<640x128xf32, #tpu.memory_space<vmem_shared>>) target_semaphore(%run_scoped3A : memref<!tpu.dma_semaphore, #tpu.memory_space<semaphore_mem>>)
      %dma_wait3A_57 = arith.constant 0 : i32
      %dma_wait3A_58 = tpu.memref_slice %arg11[%mul3A_2, %dma_wait3A_57] : memref<10240x128xf32, #tpu.memory_space<vmem_shared>> -> memref<640x128xf32, #tpu.memory_space<vmem_shared>>
      %dma_wait3A_59 = arith.constant 0 : i32
      %dma_wait3A_60 = tpu.memref_slice %arg5[%mul3A_2, %dma_wait3A_59] : memref<10240x128xf32, #tpu.memory_space<hbm>> -> memref<640x128xf32, #tpu.memory_space<hbm>>
      tpu.wait_dma2 semaphore(%run_scoped3A : memref<!tpu.dma_semaphore, #tpu.memory_space<semaphore_mem>>) src(%dma_wait3A_60 : memref<640x128xf32, #tpu.memory_space<hbm>>) dst(%dma_wait3A_58 : memref<640x128xf32, #tpu.memory_space<vmem_shared>>)
      tpu.yield
    }) : () -> ()
    %barrier3A = arith.constant 0 : index
    tpu.barrier barrier_id(%barrier3A)
    "tpu.region"() ({
      %run_scoped3A = tpu.sem_alloc : memref<!tpu.dma_semaphore, #tpu.memory_space<semaphore_mem>>
      %dma_start3A_53 = arith.constant 0 : i32
      %dma_start3A_54 = arith.constant 0 : i32
      %dma_start3A_55 = tpu.memref_slice %arg3[%add3A, %dma_start3A_53, %dma_start3A_54] : memref<32x80x128xi32, #tpu.memory_space<hbm>> -> memref<1x40x128xi32, #tpu.memory_space<hbm>>
      %dma_start3A_56 = tpu.memref_squeeze %dma_start3A_55 : memref<1x40x128xi32, #tpu.memory_space<hbm>> -> memref<40x128xi32, #tpu.memory_space<hbm>>
      %dma_start3A_57 = arith.constant 0 : i32
      %dma_start3A_58 = arith.constant 0 : i32
      %dma_start3A_59 = tpu.memref_slice %arg3[%add3A, %dma_start3A_57, %dma_start3A_58] : memref<32x80x128xi32, #tpu.memory_space<hbm>> -> memref<1x40x128xi32, #tpu.memory_space<hbm>>
      %dma_start3A_60 = tpu.memref_squeeze %dma_start3A_59 : memref<1x40x128xi32, #tpu.memory_space<hbm>> -> memref<40x128xi32, #tpu.memory_space<hbm>>
      tpu.enqueue_dma source(%dma_start3A_60 : memref<40x128xi32, #tpu.memory_space<hbm>>) target(%arg7 : memref<40x128xi32, #tpu.memory_space<vmem>>) target_semaphore(%run_scoped3A : memref<!tpu.dma_semaphore, #tpu.memory_space<semaphore_mem>>)
      %dma_wait3A_61 = arith.constant 0 : i32
      %dma_wait3A_62 = arith.constant 0 : i32
      %dma_wait3A_63 = tpu.memref_slice %arg3[%add3A, %dma_wait3A_61, %dma_wait3A_62] : memref<32x80x128xi32, #tpu.memory_space<hbm>> -> memref<1x40x128xi32, #tpu.memory_space<hbm>>
      %dma_wait3A_64 = tpu.memref_squeeze %dma_wait3A_63 : memref<1x40x128xi32, #tpu.memory_space<hbm>> -> memref<40x128xi32, #tpu.memory_space<hbm>>
      %dma_wait3A_65 = arith.constant 0 : i32
      %dma_wait3A_66 = arith.constant 0 : i32
      %dma_wait3A_67 = tpu.memref_slice %arg3[%add3A, %dma_wait3A_65, %dma_wait3A_66] : memref<32x80x128xi32, #tpu.memory_space<hbm>> -> memref<1x40x128xi32, #tpu.memory_space<hbm>>
      %dma_wait3A_68 = tpu.memref_squeeze %dma_wait3A_67 : memref<1x40x128xi32, #tpu.memory_space<hbm>> -> memref<40x128xi32, #tpu.memory_space<hbm>>
      tpu.wait_dma2 semaphore(%run_scoped3A : memref<!tpu.dma_semaphore, #tpu.memory_space<semaphore_mem>>) src(%dma_wait3A_68 : memref<40x128xi32, #tpu.memory_space<hbm>>) dst(%arg7 : memref<40x128xi32, #tpu.memory_space<vmem>>)
      tpu.yield
    }) : () -> ()
    "tpu.region"() ({
      %run_scoped3A = tpu.sem_alloc : memref<!tpu.dma_semaphore, #tpu.memory_space<semaphore_mem>>
      %dma_start3A_53 = arith.constant 0 : i32
      %dma_start3A_54 = arith.constant 0 : i32
      %dma_start3A_55 = tpu.memref_slice %arg4[%add3A, %dma_start3A_53, %dma_start3A_54] : memref<32x80x128xi32, #tpu.memory_space<hbm>> -> memref<1x40x128xi32, #tpu.memory_space<hbm>>
      %dma_start3A_56 = tpu.memref_squeeze %dma_start3A_55 : memref<1x40x128xi32, #tpu.memory_space<hbm>> -> memref<40x128xi32, #tpu.memory_space<hbm>>
      %dma_start3A_57 = arith.constant 0 : i32
      %dma_start3A_58 = arith.constant 0 : i32
      %dma_start3A_59 = tpu.memref_slice %arg4[%add3A, %dma_start3A_57, %dma_start3A_58] : memref<32x80x128xi32, #tpu.memory_space<hbm>> -> memref<1x40x128xi32, #tpu.memory_space<hbm>>
      %dma_start3A_60 = tpu.memref_squeeze %dma_start3A_59 : memref<1x40x128xi32, #tpu.memory_space<hbm>> -> memref<40x128xi32, #tpu.memory_space<hbm>>
      tpu.enqueue_dma source(%dma_start3A_60 : memref<40x128xi32, #tpu.memory_space<hbm>>) target(%arg8 : memref<40x128xi32, #tpu.memory_space<vmem>>) target_semaphore(%run_scoped3A : memref<!tpu.dma_semaphore, #tpu.memory_space<semaphore_mem>>)
      %dma_wait3A_61 = arith.constant 0 : i32
      %dma_wait3A_62 = arith.constant 0 : i32
      %dma_wait3A_63 = tpu.memref_slice %arg4[%add3A, %dma_wait3A_61, %dma_wait3A_62] : memref<32x80x128xi32, #tpu.memory_space<hbm>> -> memref<1x40x128xi32, #tpu.memory_space<hbm>>
      %dma_wait3A_64 = tpu.memref_squeeze %dma_wait3A_63 : memref<1x40x128xi32, #tpu.memory_space<hbm>> -> memref<40x128xi32, #tpu.memory_space<hbm>>
      %dma_wait3A_65 = arith.constant 0 : i32
      %dma_wait3A_66 = arith.constant 0 : i32
      %dma_wait3A_67 = tpu.memref_slice %arg4[%add3A, %dma_wait3A_65, %dma_wait3A_66] : memref<32x80x128xi32, #tpu.memory_space<hbm>> -> memref<1x40x128xi32, #tpu.memory_space<hbm>>
      %dma_wait3A_68 = tpu.memref_squeeze %dma_wait3A_67 : memref<1x40x128xi32, #tpu.memory_space<hbm>> -> memref<40x128xi32, #tpu.memory_space<hbm>>
      tpu.wait_dma2 semaphore(%run_scoped3A : memref<!tpu.dma_semaphore, #tpu.memory_space<semaphore_mem>>) src(%dma_wait3A_68 : memref<40x128xi32, #tpu.memory_space<hbm>>) dst(%arg8 : memref<40x128xi32, #tpu.memory_space<vmem>>)
      tpu.yield
    }) : () -> ()
    %dma_start3A = arith.constant 0 : i32
    %dma_start3A_3 = arith.constant 0 : i32
    %dma_start3A_4 = arith.constant 0 : i32
    %dma_start3A_5 = tpu.memref_slice %arg7[%dma_start3A, %dma_start3A_4] : memref<40x128xi32, #tpu.memory_space<vmem>> -> memref<1x128xi32, #tpu.memory_space<vmem>>
    %dma_start3A_6 = tpu.memref_squeeze %dma_start3A_5 : memref<1x128xi32, #tpu.memory_space<vmem>> -> memref<128xi32, #tpu.memory_space<vmem>>
    %dma_start3A_7 = arith.constant 0 : i32
    %dma_start3A_8 = arith.constant 0 : i32
    %dma_start3A_9 = tpu.memref_slice %arg2[%dma_start3A_7, %dma_start3A_8] : memref<10240x128xf32, #tpu.memory_space<hbm>> -> memref<10240x128xf32, #tpu.memory_space<hbm>>
    %dma_start3A_10 = tpu.memref_slice %arg12[%dma_start3A_3] : memref<2x!tpu.dma_semaphore, #tpu.memory_space<semaphore_mem>> -> memref<1x!tpu.dma_semaphore, #tpu.memory_space<semaphore_mem>>
    %dma_start3A_11 = tpu.memref_squeeze %dma_start3A_10 : memref<1x!tpu.dma_semaphore, #tpu.memory_space<semaphore_mem>> -> memref<!tpu.dma_semaphore, #tpu.memory_space<semaphore_mem>>
    tpu.enqueue_indirect_dma source(%dma_start3A_9 : memref<10240x128xf32, #tpu.memory_space<hbm>>) target(%arg9 : memref<128x128xf32, #tpu.memory_space<vmem>>) offsets(%dma_start3A_6 : memref<128xi32, #tpu.memory_space<vmem>>) semaphore(%dma_start3A_11 : memref<!tpu.dma_semaphore, #tpu.memory_space<semaphore_mem>>)
    %scan3A = arith.constant 0 : i32
    %scan3A_12 = arith.constant 0 : i32
    %scan3A_13 = arith.constant 20 : i32
    %scan3A_14 = arith.addi %scan3A_12, %scan3A_13 : i32
    %scan3A_15 = arith.constant 1 : i32
    scf.for %scan3A_53 = %scan3A_12 to %scan3A_14 step %scan3A_15  : i32 {
      %mul3A_54 = arith.constant 2 : i32
      %mul3A_55 = arith.muli %mul3A_54, %scan3A_53 : i32
      %add3A_56 = arith.constant 1 : i32
      %add3A_57 = arith.addi %mul3A_55, %add3A_56 : i32
      %dma_start3A_58 = arith.constant 1 : i32
      %dma_start3A_59 = arith.constant 0 : i32
      %dma_start3A_60 = tpu.memref_slice %arg7[%add3A_57, %dma_start3A_59] : memref<40x128xi32, #tpu.memory_space<vmem>> -> memref<1x128xi32, #tpu.memory_space<vmem>>
      %dma_start3A_61 = tpu.memref_squeeze %dma_start3A_60 : memref<1x128xi32, #tpu.memory_space<vmem>> -> memref<128xi32, #tpu.memory_space<vmem>>
      %dma_start3A_62 = arith.constant 0 : i32
      %dma_start3A_63 = arith.constant 0 : i32
      %dma_start3A_64 = tpu.memref_slice %arg2[%dma_start3A_62, %dma_start3A_63] : memref<10240x128xf32, #tpu.memory_space<hbm>> -> memref<10240x128xf32, #tpu.memory_space<hbm>>
      %dma_start3A_65 = tpu.memref_slice %arg12[%dma_start3A_58] : memref<2x!tpu.dma_semaphore, #tpu.memory_space<semaphore_mem>> -> memref<1x!tpu.dma_semaphore, #tpu.memory_space<semaphore_mem>>
      %dma_start3A_66 = tpu.memref_squeeze %dma_start3A_65 : memref<1x!tpu.dma_semaphore, #tpu.memory_space<semaphore_mem>> -> memref<!tpu.dma_semaphore, #tpu.memory_space<semaphore_mem>>
      tpu.enqueue_indirect_dma source(%dma_start3A_64 : memref<10240x128xf32, #tpu.memory_space<hbm>>) target(%arg10 : memref<128x128xf32, #tpu.memory_space<vmem>>) offsets(%dma_start3A_61 : memref<128xi32, #tpu.memory_space<vmem>>) semaphore(%dma_start3A_66 : memref<!tpu.dma_semaphore, #tpu.memory_space<semaphore_mem>>)
      %dma_wait3A_67 = arith.constant 0 : i32
      %dma_wait3A_68 = arith.constant 0 : i32
      %dma_wait3A_69 = arith.constant 0 : i32
      %dma_wait3A_70 = tpu.memref_slice %arg7[%dma_wait3A_67, %dma_wait3A_69] : memref<40x128xi32, #tpu.memory_space<vmem>> -> memref<1x128xi32, #tpu.memory_space<vmem>>
      %dma_wait3A_71 = tpu.memref_squeeze %dma_wait3A_70 : memref<1x128xi32, #tpu.memory_space<vmem>> -> memref<128xi32, #tpu.memory_space<vmem>>
      %dma_wait3A_72 = arith.constant 0 : i32
      %dma_wait3A_73 = arith.constant 0 : i32
      %dma_wait3A_74 = tpu.memref_slice %arg2[%dma_wait3A_72, %dma_wait3A_73] : memref<10240x128xf32, #tpu.memory_space<hbm>> -> memref<10240x128xf32, #tpu.memory_space<hbm>>
      %dma_wait3A_75 = tpu.memref_slice %arg12[%dma_wait3A_68] : memref<2x!tpu.dma_semaphore, #tpu.memory_space<semaphore_mem>> -> memref<1x!tpu.dma_semaphore, #tpu.memory_space<semaphore_mem>>
      %dma_wait3A_76 = tpu.memref_squeeze %dma_wait3A_75 : memref<1x!tpu.dma_semaphore, #tpu.memory_space<semaphore_mem>> -> memref<!tpu.dma_semaphore, #tpu.memory_space<semaphore_mem>>
      tpu.wait_indirect_dma semaphore(%dma_wait3A_76 : memref<!tpu.dma_semaphore, #tpu.memory_space<semaphore_mem>>) src(%dma_wait3A_74 : memref<10240x128xf32, #tpu.memory_space<hbm>>) dst(%arg9 : memref<128x128xf32, #tpu.memory_space<vmem>>)
      "tpu.region"() ({
        %run_scoped3A = tpu.sem_alloc : memref<!tpu.dma_semaphore, #tpu.memory_space<semaphore_mem>>
        %dma_start3A_101 = arith.constant 0 : i32
        %dma_start3A_102 = tpu.memref_slice %arg8[%mul3A_55, %dma_start3A_101] : memref<40x128xi32, #tpu.memory_space<vmem>> -> memref<1x128xi32, #tpu.memory_space<vmem>>
        %dma_start3A_103 = tpu.memref_squeeze %dma_start3A_102 : memref<1x128xi32, #tpu.memory_space<vmem>> -> memref<128xi32, #tpu.memory_space<vmem>>
        %dma_start3A_104 = arith.constant 0 : i32
        %dma_start3A_105 = arith.constant 0 : i32
        %dma_start3A_106 = tpu.memref_slice %arg11[%dma_start3A_104, %dma_start3A_105] : memref<10240x128xf32, #tpu.memory_space<vmem_shared>> -> memref<10240x128xf32, #tpu.memory_space<vmem_shared>>
        tpu.enqueue_indirect_dma source(%arg9 : memref<128x128xf32, #tpu.memory_space<vmem>>) target(%dma_start3A_106 : memref<10240x128xf32, #tpu.memory_space<vmem_shared>>) offsets(%dma_start3A_103 : memref<128xi32, #tpu.memory_space<vmem>>) semaphore(%run_scoped3A : memref<!tpu.dma_semaphore, #tpu.memory_space<semaphore_mem>>) {add = true}
        %dma_wait3A_107 = arith.constant 0 : i32
        %dma_wait3A_108 = tpu.memref_slice %arg8[%mul3A_55, %dma_wait3A_107] : memref<40x128xi32, #tpu.memory_space<vmem>> -> memref<1x128xi32, #tpu.memory_space<vmem>>
        %dma_wait3A_109 = tpu.memref_squeeze %dma_wait3A_108 : memref<1x128xi32, #tpu.memory_space<vmem>> -> memref<128xi32, #tpu.memory_space<vmem>>
        %dma_wait3A_110 = arith.constant 0 : i32
        %dma_wait3A_111 = arith.constant 0 : i32
        %dma_wait3A_112 = tpu.memref_slice %arg11[%dma_wait3A_110, %dma_wait3A_111] : memref<10240x128xf32, #tpu.memory_space<vmem_shared>> -> memref<10240x128xf32, #tpu.memory_space<vmem_shared>>
        tpu.wait_indirect_dma semaphore(%run_scoped3A : memref<!tpu.dma_semaphore, #tpu.memory_space<semaphore_mem>>) src(%arg9 : memref<128x128xf32, #tpu.memory_space<vmem>>) dst(%dma_wait3A_112 : memref<10240x128xf32, #tpu.memory_space<vmem_shared>>)
        tpu.yield
      }) : () -> ()
      %add3A_77 = arith.constant 2 : i32
      %add3A_78 = arith.addi %mul3A_55, %add3A_77 : i32
      %rem3A = arith.constant 40 : i32
      %rem3A_79 = arith.remsi %add3A_78, %rem3A : i32
      %dma_start3A_80 = arith.constant 0 : i32
      %dma_start3A_81 = arith.constant 0 : i32
      %dma_start3A_82 = tpu.memref_slice %arg7[%rem3A_79, %dma_start3A_81] : memref<40x128xi32, #tpu.memory_space<vmem>> -> memref<1x128xi32, #tpu.memory_space<vmem>>
      %dma_start3A_83 = tpu.memref_squeeze %dma_start3A_82 : memref<1x128xi32, #tpu.memory_space<vmem>> -> memref<128xi32, #tpu.memory_space<vmem>>
      %dma_start3A_84 = arith.constant 0 : i32
      %dma_start3A_85 = arith.constant 0 : i32
      %dma_start3A_86 = tpu.memref_slice %arg2[%dma_start3A_84, %dma_start3A_85] : memref<10240x128xf32, #tpu.memory_space<hbm>> -> memref<10240x128xf32, #tpu.memory_space<hbm>>
      %dma_start3A_87 = tpu.memref_slice %arg12[%dma_start3A_80] : memref<2x!tpu.dma_semaphore, #tpu.memory_space<semaphore_mem>> -> memref<1x!tpu.dma_semaphore, #tpu.memory_space<semaphore_mem>>
      %dma_start3A_88 = tpu.memref_squeeze %dma_start3A_87 : memref<1x!tpu.dma_semaphore, #tpu.memory_space<semaphore_mem>> -> memref<!tpu.dma_semaphore, #tpu.memory_space<semaphore_mem>>
      tpu.enqueue_indirect_dma source(%dma_start3A_86 : memref<10240x128xf32, #tpu.memory_space<hbm>>) target(%arg9 : memref<128x128xf32, #tpu.memory_space<vmem>>) offsets(%dma_start3A_83 : memref<128xi32, #tpu.memory_space<vmem>>) semaphore(%dma_start3A_88 : memref<!tpu.dma_semaphore, #tpu.memory_space<semaphore_mem>>)
      %dma_wait3A_89 = arith.constant 0 : i32
      %dma_wait3A_90 = arith.constant 1 : i32
      %dma_wait3A_91 = arith.constant 0 : i32
      %dma_wait3A_92 = tpu.memref_slice %arg7[%dma_wait3A_89, %dma_wait3A_91] : memref<40x128xi32, #tpu.memory_space<vmem>> -> memref<1x128xi32, #tpu.memory_space<vmem>>
      %dma_wait3A_93 = tpu.memref_squeeze %dma_wait3A_92 : memref<1x128xi32, #tpu.memory_space<vmem>> -> memref<128xi32, #tpu.memory_space<vmem>>
      %dma_wait3A_94 = arith.constant 0 : i32
      %dma_wait3A_95 = arith.constant 0 : i32
      %dma_wait3A_96 = tpu.memref_slice %arg2[%dma_wait3A_94, %dma_wait3A_95] : memref<10240x128xf32, #tpu.memory_space<hbm>> -> memref<10240x128xf32, #tpu.memory_space<hbm>>
      %dma_wait3A_97 = tpu.memref_slice %arg12[%dma_wait3A_90] : memref<2x!tpu.dma_semaphore, #tpu.memory_space<semaphore_mem>> -> memref<1x!tpu.dma_semaphore, #tpu.memory_space<semaphore_mem>>
      %dma_wait3A_98 = tpu.memref_squeeze %dma_wait3A_97 : memref<1x!tpu.dma_semaphore, #tpu.memory_space<semaphore_mem>> -> memref<!tpu.dma_semaphore, #tpu.memory_space<semaphore_mem>>
      tpu.wait_indirect_dma semaphore(%dma_wait3A_98 : memref<!tpu.dma_semaphore, #tpu.memory_space<semaphore_mem>>) src(%dma_wait3A_96 : memref<10240x128xf32, #tpu.memory_space<hbm>>) dst(%arg10 : memref<128x128xf32, #tpu.memory_space<vmem>>)
      %add3A_99 = arith.constant 1 : i32
      %add3A_100 = arith.addi %mul3A_55, %add3A_99 : i32
      "tpu.region"() ({
        %run_scoped3A = tpu.sem_alloc : memref<!tpu.dma_semaphore, #tpu.memory_space<semaphore_mem>>
        %dma_start3A_101 = arith.constant 0 : i32
        %dma_start3A_102 = tpu.memref_slice %arg8[%add3A_100, %dma_start3A_101] : memref<40x128xi32, #tpu.memory_space<vmem>> -> memref<1x128xi32, #tpu.memory_space<vmem>>
        %dma_start3A_103 = tpu.memref_squeeze %dma_start3A_102 : memref<1x128xi32, #tpu.memory_space<vmem>> -> memref<128xi32, #tpu.memory_space<vmem>>
        %dma_start3A_104 = arith.constant 0 : i32
        %dma_start3A_105 = arith.constant 0 : i32
        %dma_start3A_106 = tpu.memref_slice %arg11[%dma_start3A_104, %dma_start3A_105] : memref<10240x128xf32, #tpu.memory_space<vmem_shared>> -> memref<10240x128xf32, #tpu.memory_space<vmem_shared>>
        tpu.enqueue_indirect_dma source(%arg10 : memref<128x128xf32, #tpu.memory_space<vmem>>) target(%dma_start3A_106 : memref<10240x128xf32, #tpu.memory_space<vmem_shared>>) offsets(%dma_start3A_103 : memref<128xi32, #tpu.memory_space<vmem>>) semaphore(%run_scoped3A : memref<!tpu.dma_semaphore, #tpu.memory_space<semaphore_mem>>) {add = true}
        %dma_wait3A_107 = arith.constant 0 : i32
        %dma_wait3A_108 = tpu.memref_slice %arg8[%add3A_100, %dma_wait3A_107] : memref<40x128xi32, #tpu.memory_space<vmem>> -> memref<1x128xi32, #tpu.memory_space<vmem>>
        %dma_wait3A_109 = tpu.memref_squeeze %dma_wait3A_108 : memref<1x128xi32, #tpu.memory_space<vmem>> -> memref<128xi32, #tpu.memory_space<vmem>>
        %dma_wait3A_110 = arith.constant 0 : i32
        %dma_wait3A_111 = arith.constant 0 : i32
        %dma_wait3A_112 = tpu.memref_slice %arg11[%dma_wait3A_110, %dma_wait3A_111] : memref<10240x128xf32, #tpu.memory_space<vmem_shared>> -> memref<10240x128xf32, #tpu.memory_space<vmem_shared>>
        tpu.wait_indirect_dma semaphore(%run_scoped3A : memref<!tpu.dma_semaphore, #tpu.memory_space<semaphore_mem>>) src(%arg10 : memref<128x128xf32, #tpu.memory_space<vmem>>) dst(%dma_wait3A_112 : memref<10240x128xf32, #tpu.memory_space<vmem_shared>>)
        tpu.yield
      }) : () -> ()
    }
    %scan3A_16 = arith.constant 20 : i32
    %dma_wait3A = arith.constant 0 : i32
    %dma_wait3A_17 = arith.constant 0 : i32
    %dma_wait3A_18 = arith.constant 0 : i32
    %dma_wait3A_19 = tpu.memref_slice %arg7[%dma_wait3A, %dma_wait3A_18] : memref<40x128xi32, #tpu.memory_space<vmem>> -> memref<1x128xi32, #tpu.memory_space<vmem>>
    %dma_wait3A_20 = tpu.memref_squeeze %dma_wait3A_19 : memref<1x128xi32, #tpu.memory_space<vmem>> -> memref<128xi32, #tpu.memory_space<vmem>>
    %dma_wait3A_21 = arith.constant 0 : i32
    %dma_wait3A_22 = arith.constant 0 : i32
    %dma_wait3A_23 = tpu.memref_slice %arg2[%dma_wait3A_21, %dma_wait3A_22] : memref<10240x128xf32, #tpu.memory_space<hbm>> -> memref<10240x128xf32, #tpu.memory_space<hbm>>
    %dma_wait3A_24 = tpu.memref_slice %arg12[%dma_wait3A_17] : memref<2x!tpu.dma_semaphore, #tpu.memory_space<semaphore_mem>> -> memref<1x!tpu.dma_semaphore, #tpu.memory_space<semaphore_mem>>
    %dma_wait3A_25 = tpu.memref_squeeze %dma_wait3A_24 : memref<1x!tpu.dma_semaphore, #tpu.memory_space<semaphore_mem>> -> memref<!tpu.dma_semaphore, #tpu.memory_space<semaphore_mem>>
    tpu.wait_indirect_dma semaphore(%dma_wait3A_25 : memref<!tpu.dma_semaphore, #tpu.memory_space<semaphore_mem>>) src(%dma_wait3A_23 : memref<10240x128xf32, #tpu.memory_space<hbm>>) dst(%arg9 : memref<128x128xf32, #tpu.memory_space<vmem>>)
    "tpu.region"() ({
      %run_scoped3A = tpu.sem_alloc : memref<!tpu.dma_semaphore, #tpu.memory_space<semaphore_mem>>
      %dma_start3A_53 = arith.constant 40 : i32
      %dma_start3A_54 = arith.constant 0 : i32
      %dma_start3A_55 = tpu.memref_slice %arg3[%add3A, %dma_start3A_53, %dma_start3A_54] : memref<32x80x128xi32, #tpu.memory_space<hbm>> -> memref<1x40x128xi32, #tpu.memory_space<hbm>>
      %dma_start3A_56 = tpu.memref_squeeze %dma_start3A_55 : memref<1x40x128xi32, #tpu.memory_space<hbm>> -> memref<40x128xi32, #tpu.memory_space<hbm>>
      %dma_start3A_57 = arith.constant 40 : i32
      %dma_start3A_58 = arith.constant 0 : i32
      %dma_start3A_59 = tpu.memref_slice %arg3[%add3A, %dma_start3A_57, %dma_start3A_58] : memref<32x80x128xi32, #tpu.memory_space<hbm>> -> memref<1x40x128xi32, #tpu.memory_space<hbm>>
      %dma_start3A_60 = tpu.memref_squeeze %dma_start3A_59 : memref<1x40x128xi32, #tpu.memory_space<hbm>> -> memref<40x128xi32, #tpu.memory_space<hbm>>
      tpu.enqueue_dma source(%dma_start3A_60 : memref<40x128xi32, #tpu.memory_space<hbm>>) target(%arg7 : memref<40x128xi32, #tpu.memory_space<vmem>>) target_semaphore(%run_scoped3A : memref<!tpu.dma_semaphore, #tpu.memory_space<semaphore_mem>>)
      %dma_wait3A_61 = arith.constant 40 : i32
      %dma_wait3A_62 = arith.constant 0 : i32
      %dma_wait3A_63 = tpu.memref_slice %arg3[%add3A, %dma_wait3A_61, %dma_wait3A_62] : memref<32x80x128xi32, #tpu.memory_space<hbm>> -> memref<1x40x128xi32, #tpu.memory_space<hbm>>
      %dma_wait3A_64 = tpu.memref_squeeze %dma_wait3A_63 : memref<1x40x128xi32, #tpu.memory_space<hbm>> -> memref<40x128xi32, #tpu.memory_space<hbm>>
      %dma_wait3A_65 = arith.constant 40 : i32
      %dma_wait3A_66 = arith.constant 0 : i32
      %dma_wait3A_67 = tpu.memref_slice %arg3[%add3A, %dma_wait3A_65, %dma_wait3A_66] : memref<32x80x128xi32, #tpu.memory_space<hbm>> -> memref<1x40x128xi32, #tpu.memory_space<hbm>>
      %dma_wait3A_68 = tpu.memref_squeeze %dma_wait3A_67 : memref<1x40x128xi32, #tpu.memory_space<hbm>> -> memref<40x128xi32, #tpu.memory_space<hbm>>
      tpu.wait_dma2 semaphore(%run_scoped3A : memref<!tpu.dma_semaphore, #tpu.memory_space<semaphore_mem>>) src(%dma_wait3A_68 : memref<40x128xi32, #tpu.memory_space<hbm>>) dst(%arg7 : memref<40x128xi32, #tpu.memory_space<vmem>>)
      tpu.yield
    }) : () -> ()
    "tpu.region"() ({
      %run_scoped3A = tpu.sem_alloc : memref<!tpu.dma_semaphore, #tpu.memory_space<semaphore_mem>>
      %dma_start3A_53 = arith.constant 40 : i32
      %dma_start3A_54 = arith.constant 0 : i32
      %dma_start3A_55 = tpu.memref_slice %arg4[%add3A, %dma_start3A_53, %dma_start3A_54] : memref<32x80x128xi32, #tpu.memory_space<hbm>> -> memref<1x40x128xi32, #tpu.memory_space<hbm>>
      %dma_start3A_56 = tpu.memref_squeeze %dma_start3A_55 : memref<1x40x128xi32, #tpu.memory_space<hbm>> -> memref<40x128xi32, #tpu.memory_space<hbm>>
      %dma_start3A_57 = arith.constant 40 : i32
      %dma_start3A_58 = arith.constant 0 : i32
      %dma_start3A_59 = tpu.memref_slice %arg4[%add3A, %dma_start3A_57, %dma_start3A_58] : memref<32x80x128xi32, #tpu.memory_space<hbm>> -> memref<1x40x128xi32, #tpu.memory_space<hbm>>
      %dma_start3A_60 = tpu.memref_squeeze %dma_start3A_59 : memref<1x40x128xi32, #tpu.memory_space<hbm>> -> memref<40x128xi32, #tpu.memory_space<hbm>>
      tpu.enqueue_dma source(%dma_start3A_60 : memref<40x128xi32, #tpu.memory_space<hbm>>) target(%arg8 : memref<40x128xi32, #tpu.memory_space<vmem>>) target_semaphore(%run_scoped3A : memref<!tpu.dma_semaphore, #tpu.memory_space<semaphore_mem>>)
      %dma_wait3A_61 = arith.constant 40 : i32
      %dma_wait3A_62 = arith.constant 0 : i32
      %dma_wait3A_63 = tpu.memref_slice %arg4[%add3A, %dma_wait3A_61, %dma_wait3A_62] : memref<32x80x128xi32, #tpu.memory_space<hbm>> -> memref<1x40x128xi32, #tpu.memory_space<hbm>>
      %dma_wait3A_64 = tpu.memref_squeeze %dma_wait3A_63 : memref<1x40x128xi32, #tpu.memory_space<hbm>> -> memref<40x128xi32, #tpu.memory_space<hbm>>
      %dma_wait3A_65 = arith.constant 40 : i32
      %dma_wait3A_66 = arith.constant 0 : i32
      %dma_wait3A_67 = tpu.memref_slice %arg4[%add3A, %dma_wait3A_65, %dma_wait3A_66] : memref<32x80x128xi32, #tpu.memory_space<hbm>> -> memref<1x40x128xi32, #tpu.memory_space<hbm>>
      %dma_wait3A_68 = tpu.memref_squeeze %dma_wait3A_67 : memref<1x40x128xi32, #tpu.memory_space<hbm>> -> memref<40x128xi32, #tpu.memory_space<hbm>>
      tpu.wait_dma2 semaphore(%run_scoped3A : memref<!tpu.dma_semaphore, #tpu.memory_space<semaphore_mem>>) src(%dma_wait3A_68 : memref<40x128xi32, #tpu.memory_space<hbm>>) dst(%arg8 : memref<40x128xi32, #tpu.memory_space<vmem>>)
      tpu.yield
    }) : () -> ()
    %dma_start3A_26 = arith.constant 0 : i32
    %dma_start3A_27 = arith.constant 0 : i32
    %dma_start3A_28 = arith.constant 0 : i32
    %dma_start3A_29 = tpu.memref_slice %arg7[%dma_start3A_26, %dma_start3A_28] : memref<40x128xi32, #tpu.memory_space<vmem>> -> memref<1x128xi32, #tpu.memory_space<vmem>>
    %dma_start3A_30 = tpu.memref_squeeze %dma_start3A_29 : memref<1x128xi32, #tpu.memory_space<vmem>> -> memref<128xi32, #tpu.memory_space<vmem>>
    %dma_start3A_31 = arith.constant 0 : i32
    %dma_start3A_32 = arith.constant 0 : i32
    %dma_start3A_33 = tpu.memref_slice %arg2[%dma_start3A_31, %dma_start3A_32] : memref<10240x128xf32, #tpu.memory_space<hbm>> -> memref<10240x128xf32, #tpu.memory_space<hbm>>
    %dma_start3A_34 = tpu.memref_slice %arg12[%dma_start3A_27] : memref<2x!tpu.dma_semaphore, #tpu.memory_space<semaphore_mem>> -> memref<1x!tpu.dma_semaphore, #tpu.memory_space<semaphore_mem>>
    %dma_start3A_35 = tpu.memref_squeeze %dma_start3A_34 : memref<1x!tpu.dma_semaphore, #tpu.memory_space<semaphore_mem>> -> memref<!tpu.dma_semaphore, #tpu.memory_space<semaphore_mem>>
    tpu.enqueue_indirect_dma source(%dma_start3A_33 : memref<10240x128xf32, #tpu.memory_space<hbm>>) target(%arg9 : memref<128x128xf32, #tpu.memory_space<vmem>>) offsets(%dma_start3A_30 : memref<128xi32, #tpu.memory_space<vmem>>) semaphore(%dma_start3A_35 : memref<!tpu.dma_semaphore, #tpu.memory_space<semaphore_mem>>)
    %scan3A_36 = arith.constant 0 : i32
    %scan3A_37 = arith.constant 0 : i32
    %scan3A_38 = arith.constant 20 : i32
    %scan3A_39 = arith.addi %scan3A_37, %scan3A_38 : i32
    %scan3A_40 = arith.constant 1 : i32
    scf.for %scan3A_53 = %scan3A_37 to %scan3A_39 step %scan3A_40  : i32 {
      %mul3A_54 = arith.constant 2 : i32
      %mul3A_55 = arith.muli %mul3A_54, %scan3A_53 : i32
      %add3A_56 = arith.constant 1 : i32
      %add3A_57 = arith.addi %mul3A_55, %add3A_56 : i32
      %dma_start3A_58 = arith.constant 1 : i32
      %dma_start3A_59 = arith.constant 0 : i32
      %dma_start3A_60 = tpu.memref_slice %arg7[%add3A_57, %dma_start3A_59] : memref<40x128xi32, #tpu.memory_space<vmem>> -> memref<1x128xi32, #tpu.memory_space<vmem>>
      %dma_start3A_61 = tpu.memref_squeeze %dma_start3A_60 : memref<1x128xi32, #tpu.memory_space<vmem>> -> memref<128xi32, #tpu.memory_space<vmem>>
      %dma_start3A_62 = arith.constant 0 : i32
      %dma_start3A_63 = arith.constant 0 : i32
      %dma_start3A_64 = tpu.memref_slice %arg2[%dma_start3A_62, %dma_start3A_63] : memref<10240x128xf32, #tpu.memory_space<hbm>> -> memref<10240x128xf32, #tpu.memory_space<hbm>>
      %dma_start3A_65 = tpu.memref_slice %arg12[%dma_start3A_58] : memref<2x!tpu.dma_semaphore, #tpu.memory_space<semaphore_mem>> -> memref<1x!tpu.dma_semaphore, #tpu.memory_space<semaphore_mem>>
      %dma_start3A_66 = tpu.memref_squeeze %dma_start3A_65 : memref<1x!tpu.dma_semaphore, #tpu.memory_space<semaphore_mem>> -> memref<!tpu.dma_semaphore, #tpu.memory_space<semaphore_mem>>
      tpu.enqueue_indirect_dma source(%dma_start3A_64 : memref<10240x128xf32, #tpu.memory_space<hbm>>) target(%arg10 : memref<128x128xf32, #tpu.memory_space<vmem>>) offsets(%dma_start3A_61 : memref<128xi32, #tpu.memory_space<vmem>>) semaphore(%dma_start3A_66 : memref<!tpu.dma_semaphore, #tpu.memory_space<semaphore_mem>>)
      %dma_wait3A_67 = arith.constant 0 : i32
      %dma_wait3A_68 = arith.constant 0 : i32
      %dma_wait3A_69 = arith.constant 0 : i32
      %dma_wait3A_70 = tpu.memref_slice %arg7[%dma_wait3A_67, %dma_wait3A_69] : memref<40x128xi32, #tpu.memory_space<vmem>> -> memref<1x128xi32, #tpu.memory_space<vmem>>
      %dma_wait3A_71 = tpu.memref_squeeze %dma_wait3A_70 : memref<1x128xi32, #tpu.memory_space<vmem>> -> memref<128xi32, #tpu.memory_space<vmem>>
      %dma_wait3A_72 = arith.constant 0 : i32
      %dma_wait3A_73 = arith.constant 0 : i32
      %dma_wait3A_74 = tpu.memref_slice %arg2[%dma_wait3A_72, %dma_wait3A_73] : memref<10240x128xf32, #tpu.memory_space<hbm>> -> memref<10240x128xf32, #tpu.memory_space<hbm>>
      %dma_wait3A_75 = tpu.memref_slice %arg12[%dma_wait3A_68] : memref<2x!tpu.dma_semaphore, #tpu.memory_space<semaphore_mem>> -> memref<1x!tpu.dma_semaphore, #tpu.memory_space<semaphore_mem>>
      %dma_wait3A_76 = tpu.memref_squeeze %dma_wait3A_75 : memref<1x!tpu.dma_semaphore, #tpu.memory_space<semaphore_mem>> -> memref<!tpu.dma_semaphore, #tpu.memory_space<semaphore_mem>>
      tpu.wait_indirect_dma semaphore(%dma_wait3A_76 : memref<!tpu.dma_semaphore, #tpu.memory_space<semaphore_mem>>) src(%dma_wait3A_74 : memref<10240x128xf32, #tpu.memory_space<hbm>>) dst(%arg9 : memref<128x128xf32, #tpu.memory_space<vmem>>)
      "tpu.region"() ({
        %run_scoped3A = tpu.sem_alloc : memref<!tpu.dma_semaphore, #tpu.memory_space<semaphore_mem>>
        %dma_start3A_101 = arith.constant 0 : i32
        %dma_start3A_102 = tpu.memref_slice %arg8[%mul3A_55, %dma_start3A_101] : memref<40x128xi32, #tpu.memory_space<vmem>> -> memref<1x128xi32, #tpu.memory_space<vmem>>
        %dma_start3A_103 = tpu.memref_squeeze %dma_start3A_102 : memref<1x128xi32, #tpu.memory_space<vmem>> -> memref<128xi32, #tpu.memory_space<vmem>>
        %dma_start3A_104 = arith.constant 0 : i32
        %dma_start3A_105 = arith.constant 0 : i32
        %dma_start3A_106 = tpu.memref_slice %arg11[%dma_start3A_104, %dma_start3A_105] : memref<10240x128xf32, #tpu.memory_space<vmem_shared>> -> memref<10240x128xf32, #tpu.memory_space<vmem_shared>>
        tpu.enqueue_indirect_dma source(%arg9 : memref<128x128xf32, #tpu.memory_space<vmem>>) target(%dma_start3A_106 : memref<10240x128xf32, #tpu.memory_space<vmem_shared>>) offsets(%dma_start3A_103 : memref<128xi32, #tpu.memory_space<vmem>>) semaphore(%run_scoped3A : memref<!tpu.dma_semaphore, #tpu.memory_space<semaphore_mem>>) {add = true}
        %dma_wait3A_107 = arith.constant 0 : i32
        %dma_wait3A_108 = tpu.memref_slice %arg8[%mul3A_55, %dma_wait3A_107] : memref<40x128xi32, #tpu.memory_space<vmem>> -> memref<1x128xi32, #tpu.memory_space<vmem>>
        %dma_wait3A_109 = tpu.memref_squeeze %dma_wait3A_108 : memref<1x128xi32, #tpu.memory_space<vmem>> -> memref<128xi32, #tpu.memory_space<vmem>>
        %dma_wait3A_110 = arith.constant 0 : i32
        %dma_wait3A_111 = arith.constant 0 : i32
        %dma_wait3A_112 = tpu.memref_slice %arg11[%dma_wait3A_110, %dma_wait3A_111] : memref<10240x128xf32, #tpu.memory_space<vmem_shared>> -> memref<10240x128xf32, #tpu.memory_space<vmem_shared>>
        tpu.wait_indirect_dma semaphore(%run_scoped3A : memref<!tpu.dma_semaphore, #tpu.memory_space<semaphore_mem>>) src(%arg9 : memref<128x128xf32, #tpu.memory_space<vmem>>) dst(%dma_wait3A_112 : memref<10240x128xf32, #tpu.memory_space<vmem_shared>>)
        tpu.yield
      }) : () -> ()
      %add3A_77 = arith.constant 2 : i32
      %add3A_78 = arith.addi %mul3A_55, %add3A_77 : i32
      %rem3A = arith.constant 40 : i32
      %rem3A_79 = arith.remsi %add3A_78, %rem3A : i32
      %dma_start3A_80 = arith.constant 0 : i32
      %dma_start3A_81 = arith.constant 0 : i32
      %dma_start3A_82 = tpu.memref_slice %arg7[%rem3A_79, %dma_start3A_81] : memref<40x128xi32, #tpu.memory_space<vmem>> -> memref<1x128xi32, #tpu.memory_space<vmem>>
      %dma_start3A_83 = tpu.memref_squeeze %dma_start3A_82 : memref<1x128xi32, #tpu.memory_space<vmem>> -> memref<128xi32, #tpu.memory_space<vmem>>
      %dma_start3A_84 = arith.constant 0 : i32
      %dma_start3A_85 = arith.constant 0 : i32
      %dma_start3A_86 = tpu.memref_slice %arg2[%dma_start3A_84, %dma_start3A_85] : memref<10240x128xf32, #tpu.memory_space<hbm>> -> memref<10240x128xf32, #tpu.memory_space<hbm>>
      %dma_start3A_87 = tpu.memref_slice %arg12[%dma_start3A_80] : memref<2x!tpu.dma_semaphore, #tpu.memory_space<semaphore_mem>> -> memref<1x!tpu.dma_semaphore, #tpu.memory_space<semaphore_mem>>
      %dma_start3A_88 = tpu.memref_squeeze %dma_start3A_87 : memref<1x!tpu.dma_semaphore, #tpu.memory_space<semaphore_mem>> -> memref<!tpu.dma_semaphore, #tpu.memory_space<semaphore_mem>>
      tpu.enqueue_indirect_dma source(%dma_start3A_86 : memref<10240x128xf32, #tpu.memory_space<hbm>>) target(%arg9 : memref<128x128xf32, #tpu.memory_space<vmem>>) offsets(%dma_start3A_83 : memref<128xi32, #tpu.memory_space<vmem>>) semaphore(%dma_start3A_88 : memref<!tpu.dma_semaphore, #tpu.memory_space<semaphore_mem>>)
      %dma_wait3A_89 = arith.constant 0 : i32
      %dma_wait3A_90 = arith.constant 1 : i32
      %dma_wait3A_91 = arith.constant 0 : i32
      %dma_wait3A_92 = tpu.memref_slice %arg7[%dma_wait3A_89, %dma_wait3A_91] : memref<40x128xi32, #tpu.memory_space<vmem>> -> memref<1x128xi32, #tpu.memory_space<vmem>>
      %dma_wait3A_93 = tpu.memref_squeeze %dma_wait3A_92 : memref<1x128xi32, #tpu.memory_space<vmem>> -> memref<128xi32, #tpu.memory_space<vmem>>
      %dma_wait3A_94 = arith.constant 0 : i32
      %dma_wait3A_95 = arith.constant 0 : i32
      %dma_wait3A_96 = tpu.memref_slice %arg2[%dma_wait3A_94, %dma_wait3A_95] : memref<10240x128xf32, #tpu.memory_space<hbm>> -> memref<10240x128xf32, #tpu.memory_space<hbm>>
      %dma_wait3A_97 = tpu.memref_slice %arg12[%dma_wait3A_90] : memref<2x!tpu.dma_semaphore, #tpu.memory_space<semaphore_mem>> -> memref<1x!tpu.dma_semaphore, #tpu.memory_space<semaphore_mem>>
      %dma_wait3A_98 = tpu.memref_squeeze %dma_wait3A_97 : memref<1x!tpu.dma_semaphore, #tpu.memory_space<semaphore_mem>> -> memref<!tpu.dma_semaphore, #tpu.memory_space<semaphore_mem>>
      tpu.wait_indirect_dma semaphore(%dma_wait3A_98 : memref<!tpu.dma_semaphore, #tpu.memory_space<semaphore_mem>>) src(%dma_wait3A_96 : memref<10240x128xf32, #tpu.memory_space<hbm>>) dst(%arg10 : memref<128x128xf32, #tpu.memory_space<vmem>>)
      %add3A_99 = arith.constant 1 : i32
      %add3A_100 = arith.addi %mul3A_55, %add3A_99 : i32
      "tpu.region"() ({
        %run_scoped3A = tpu.sem_alloc : memref<!tpu.dma_semaphore, #tpu.memory_space<semaphore_mem>>
        %dma_start3A_101 = arith.constant 0 : i32
        %dma_start3A_102 = tpu.memref_slice %arg8[%add3A_100, %dma_start3A_101] : memref<40x128xi32, #tpu.memory_space<vmem>> -> memref<1x128xi32, #tpu.memory_space<vmem>>
        %dma_start3A_103 = tpu.memref_squeeze %dma_start3A_102 : memref<1x128xi32, #tpu.memory_space<vmem>> -> memref<128xi32, #tpu.memory_space<vmem>>
        %dma_start3A_104 = arith.constant 0 : i32
        %dma_start3A_105 = arith.constant 0 : i32
        %dma_start3A_106 = tpu.memref_slice %arg11[%dma_start3A_104, %dma_start3A_105] : memref<10240x128xf32, #tpu.memory_space<vmem_shared>> -> memref<10240x128xf32, #tpu.memory_space<vmem_shared>>
        tpu.enqueue_indirect_dma source(%arg10 : memref<128x128xf32, #tpu.memory_space<vmem>>) target(%dma_start3A_106 : memref<10240x128xf32, #tpu.memory_space<vmem_shared>>) offsets(%dma_start3A_103 : memref<128xi32, #tpu.memory_space<vmem>>) semaphore(%run_scoped3A : memref<!tpu.dma_semaphore, #tpu.memory_space<semaphore_mem>>) {add = true}
        %dma_wait3A_107 = arith.constant 0 : i32
        %dma_wait3A_108 = tpu.memref_slice %arg8[%add3A_100, %dma_wait3A_107] : memref<40x128xi32, #tpu.memory_space<vmem>> -> memref<1x128xi32, #tpu.memory_space<vmem>>
        %dma_wait3A_109 = tpu.memref_squeeze %dma_wait3A_108 : memref<1x128xi32, #tpu.memory_space<vmem>> -> memref<128xi32, #tpu.memory_space<vmem>>
        %dma_wait3A_110 = arith.constant 0 : i32
        %dma_wait3A_111 = arith.constant 0 : i32
        %dma_wait3A_112 = tpu.memref_slice %arg11[%dma_wait3A_110, %dma_wait3A_111] : memref<10240x128xf32, #tpu.memory_space<vmem_shared>> -> memref<10240x128xf32, #tpu.memory_space<vmem_shared>>
        tpu.wait_indirect_dma semaphore(%run_scoped3A : memref<!tpu.dma_semaphore, #tpu.memory_space<semaphore_mem>>) src(%arg10 : memref<128x128xf32, #tpu.memory_space<vmem>>) dst(%dma_wait3A_112 : memref<10240x128xf32, #tpu.memory_space<vmem_shared>>)
        tpu.yield
      }) : () -> ()
    }
    %scan3A_41 = arith.constant 20 : i32
    %dma_wait3A_42 = arith.constant 0 : i32
    %dma_wait3A_43 = arith.constant 0 : i32
    %dma_wait3A_44 = arith.constant 0 : i32
    %dma_wait3A_45 = tpu.memref_slice %arg7[%dma_wait3A_42, %dma_wait3A_44] : memref<40x128xi32, #tpu.memory_space<vmem>> -> memref<1x128xi32, #tpu.memory_space<vmem>>
    %dma_wait3A_46 = tpu.memref_squeeze %dma_wait3A_45 : memref<1x128xi32, #tpu.memory_space<vmem>> -> memref<128xi32, #tpu.memory_space<vmem>>
    %dma_wait3A_47 = arith.constant 0 : i32
    %dma_wait3A_48 = arith.constant 0 : i32
    %dma_wait3A_49 = tpu.memref_slice %arg2[%dma_wait3A_47, %dma_wait3A_48] : memref<10240x128xf32, #tpu.memory_space<hbm>> -> memref<10240x128xf32, #tpu.memory_space<hbm>>
    %dma_wait3A_50 = tpu.memref_slice %arg12[%dma_wait3A_43] : memref<2x!tpu.dma_semaphore, #tpu.memory_space<semaphore_mem>> -> memref<1x!tpu.dma_semaphore, #tpu.memory_space<semaphore_mem>>
    %dma_wait3A_51 = tpu.memref_squeeze %dma_wait3A_50 : memref<1x!tpu.dma_semaphore, #tpu.memory_space<semaphore_mem>> -> memref<!tpu.dma_semaphore, #tpu.memory_space<semaphore_mem>>
    tpu.wait_indirect_dma semaphore(%dma_wait3A_51 : memref<!tpu.dma_semaphore, #tpu.memory_space<semaphore_mem>>) src(%dma_wait3A_49 : memref<10240x128xf32, #tpu.memory_space<hbm>>) dst(%arg9 : memref<128x128xf32, #tpu.memory_space<vmem>>)
    %barrier3A_52 = arith.constant 0 : index
    tpu.barrier barrier_id(%barrier3A_52)
    "tpu.region"() ({
      %run_scoped3A = tpu.sem_alloc : memref<!tpu.dma_semaphore, #tpu.memory_space<semaphore_mem>>
      %dma_start3A_53 = arith.constant 0 : i32
      %dma_start3A_54 = tpu.memref_slice %arg6[%arg0, %mul3A_2, %dma_start3A_53] : memref<2x10240x128xf32, #tpu.memory_space<hbm>> -> memref<1x640x128xf32, #tpu.memory_space<hbm>>
      %dma_start3A_55 = tpu.memref_squeeze %dma_start3A_54 : memref<1x640x128xf32, #tpu.memory_space<hbm>> -> memref<640x128xf32, #tpu.memory_space<hbm>>
      %dma_start3A_56 = arith.constant 0 : i32
      %dma_start3A_57 = tpu.memref_slice %arg11[%mul3A_2, %dma_start3A_56] : memref<10240x128xf32, #tpu.memory_space<vmem_shared>> -> memref<640x128xf32, #tpu.memory_space<vmem_shared>>
      tpu.enqueue_dma source(%dma_start3A_57 : memref<640x128xf32, #tpu.memory_space<vmem_shared>>) target(%dma_start3A_55 : memref<640x128xf32, #tpu.memory_space<hbm>>) target_semaphore(%run_scoped3A : memref<!tpu.dma_semaphore, #tpu.memory_space<semaphore_mem>>)
      %dma_wait3A_58 = arith.constant 0 : i32
      %dma_wait3A_59 = tpu.memref_slice %arg6[%arg0, %mul3A_2, %dma_wait3A_58] : memref<2x10240x128xf32, #tpu.memory_space<hbm>> -> memref<1x640x128xf32, #tpu.memory_space<hbm>>
      %dma_wait3A_60 = tpu.memref_squeeze %dma_wait3A_59 : memref<1x640x128xf32, #tpu.memory_space<hbm>> -> memref<640x128xf32, #tpu.memory_space<hbm>>
      %dma_wait3A_61 = arith.constant 0 : i32
      %dma_wait3A_62 = tpu.memref_slice %arg11[%mul3A_2, %dma_wait3A_61] : memref<10240x128xf32, #tpu.memory_space<vmem_shared>> -> memref<640x128xf32, #tpu.memory_space<vmem_shared>>
      tpu.wait_dma2 semaphore(%run_scoped3A : memref<!tpu.dma_semaphore, #tpu.memory_space<semaphore_mem>>) src(%dma_wait3A_62 : memref<640x128xf32, #tpu.memory_space<vmem_shared>>) dst(%dma_wait3A_60 : memref<640x128xf32, #tpu.memory_space<hbm>>)
      tpu.yield
    }) : () -> ()
    return
  }
}

module attributes {stable_mosaic.version = 14 : i64} {
  func.func @_conv1_body(%arg0: i32, %arg1: memref<512x128xf32, #tpu.memory_space<vmem>>, %arg2: memref<1x512x128xf32, #tpu.memory_space<vmem>>, %arg3: memref<1x512x128xf32, #tpu.memory_space<vmem>>, %arg4: memref<128x128xf32, #tpu.memory_space<vmem>>, %arg5: memref<128x128xf32, #tpu.memory_space<vmem>>, %arg6: memref<1x128xf32, #tpu.memory_space<vmem>>, %arg7: memref<128x1xf32, #tpu.memory_space<vmem>>, %arg8: memref<512x128xf32, #tpu.memory_space<vmem>>, %arg9: memref<512x1xf32, #tpu.memory_space<vmem>>) attributes {dimension_semantics = [#tpu.dimension_semantics<arbitrary>], iteration_bounds = array<i64: 20>, scalar_prefetch = 0 : i64, scratch_operands = 0 : i64, tpu.core_type = #tpu.core_type<tc>, window_params = [{transform_indices = @transform_0, window_bounds = array<i64: 512, 128>}, {transform_indices = @transform_1, window_bounds = array<i64: 1, 512, 128>}, {transform_indices = @transform_2, window_bounds = array<i64: 1, 512, 128>}, {pipeline_mode = #tpu.pipeline_mode<synchronous>, transform_indices = @transform_3, window_bounds = array<i64: 128, 128>}, {pipeline_mode = #tpu.pipeline_mode<synchronous>, transform_indices = @transform_4, window_bounds = array<i64: 128, 128>}, {pipeline_mode = #tpu.pipeline_mode<synchronous>, transform_indices = @transform_5, window_bounds = array<i64: 1, 128>}, {pipeline_mode = #tpu.pipeline_mode<synchronous>, transform_indices = @transform_6, window_bounds = array<i64: 128, 1>}, {transform_indices = @transform_7, window_bounds = array<i64: 512, 128>}, {transform_indices = @transform_8, window_bounds = array<i64: 512, 1>}]} {
    %get3A = arith.constant 0 : index
    %get3A_0 = arith.constant 0 : index
    %get3A_1 = arith.constant 0 : index
    %get3A_2 = vector.load %arg2[%get3A, %get3A_0, %get3A_1] : memref<1x512x128xf32, #tpu.memory_space<vmem>>, vector<1x512x128xf32>
    %get3A_3 = vector.shape_cast %get3A_2 : vector<1x512x128xf32> to vector<512x128xf32>
    %get3A_4 = arith.constant 0 : index
    %get3A_5 = arith.constant 0 : index
    %get3A_6 = arith.constant 0 : index
    %get3A_7 = vector.load %arg3[%get3A_4, %get3A_5, %get3A_6] : memref<1x512x128xf32, #tpu.memory_space<vmem>>, vector<1x512x128xf32>
    %get3A_8 = vector.shape_cast %get3A_7 : vector<1x512x128xf32> to vector<512x128xf32>
    %add3A = arith.addf %get3A_3, %get3A_8 : vector<512x128xf32>
    %get3A_9 = arith.constant 0 : index
    %get3A_10 = arith.constant 0 : index
    %get3A_11 = vector.load %arg4[%get3A_9, %get3A_10] : memref<128x128xf32, #tpu.memory_space<vmem>>, vector<128x128xf32>
    %dot_general3A = arith.constant dense<0.000000e+00> : vector<512x128xf32>
    %dot_general3A_12 = tpu.matmul %add3A, %get3A_11, %dot_general3A {dimension_numbers = #tpu.dot_dimension_numbers<[1], [0], [0], [1], [0, 0, 1, 1], [], []>, transpose_lhs_hint = false} : vector<512x128xf32>, vector<128x128xf32>, vector<512x128xf32> -> vector<512x128xf32>
    %get3A_13 = arith.constant 0 : index
    %get3A_14 = arith.constant 0 : index
    %get3A_15 = vector.load %arg1[%get3A_13, %get3A_14] : memref<512x128xf32, #tpu.memory_space<vmem>>, vector<512x128xf32>
    %get3A_16 = arith.constant 0 : index
    %get3A_17 = arith.constant 0 : index
    %get3A_18 = vector.load %arg5[%get3A_16, %get3A_17] : memref<128x128xf32, #tpu.memory_space<vmem>>, vector<128x128xf32>
    %dot_general3A_19 = arith.constant dense<0.000000e+00> : vector<512x128xf32>
    %dot_general3A_20 = tpu.matmul %get3A_15, %get3A_18, %dot_general3A_19 {dimension_numbers = #tpu.dot_dimension_numbers<[1], [0], [0], [1], [0, 0, 1, 1], [], []>, transpose_lhs_hint = false} : vector<512x128xf32>, vector<128x128xf32>, vector<512x128xf32> -> vector<512x128xf32>
    %add3A_21 = arith.addf %dot_general3A_12, %dot_general3A_20 : vector<512x128xf32>
    %get3A_22 = arith.constant 0 : index
    %get3A_23 = arith.constant 0 : index
    %get3A_24 = vector.load %arg6[%get3A_22, %get3A_23] : memref<1x128xf32, #tpu.memory_space<vmem>>, vector<1x128xf32>
    %add3A_25 = vector.broadcast %get3A_24 : vector<1x128xf32> to vector<512x128xf32>
    %add3A_26 = arith.addf %add3A_21, %add3A_25 : vector<512x128xf32>
    %max3A = arith.constant 0.000000e+00 : f32
    %max3A_27 = vector.broadcast %max3A : f32 to vector<512x128xf32>
    %max3A_28 = arith.maximumf %add3A_26, %max3A_27 : vector<512x128xf32>
    %get3A_29 = arith.constant 0 : index
    %get3A_30 = arith.constant 0 : index
    %get3A_31 = vector.load %arg7[%get3A_29, %get3A_30] : memref<128x1xf32, #tpu.memory_space<vmem>>, vector<128x1xf32>
    %mul3A = arith.mulf %get3A_31, %get3A_31 : vector<128x1xf32>
    %reduce_sum3A = vector.shape_cast %mul3A : vector<128x1xf32> to vector<1x128x1xf32>
    %reduce_sum3A_32 = arith.constant dense<0.000000e+00> : vector<1xf32>
    %reduce_sum3A_33 = vector.multi_reduction <add>, %reduce_sum3A, %reduce_sum3A_32 [1, 2] : vector<1x128x1xf32> to vector<1xf32>
    %reduce_sum3A_34 = vector.shape_cast %reduce_sum3A_33 : vector<1xf32> to vector<1x1x1xf32>
    %reduce_sum3A_35 = vector.extract %reduce_sum3A_34[0, 0, 0] : f32 from vector<1x1x1xf32>
    %sqrt3A = math.sqrt %reduce_sum3A_35 : f32
    %dot_general3A_36 = arith.constant dense<0.000000e+00> : vector<512x1xf32>
    %dot_general3A_37 = tpu.matmul %max3A_28, %get3A_31, %dot_general3A_36 {dimension_numbers = #tpu.dot_dimension_numbers<[1], [0], [0], [1], [0, 0, 1, 1], [], []>, transpose_lhs_hint = false} : vector<512x128xf32>, vector<128x1xf32>, vector<512x1xf32> -> vector<512x1xf32>
    %div3A = vector.broadcast %sqrt3A : f32 to vector<512x1xf32>
    %div3A_38 = arith.divf %dot_general3A_37, %div3A : vector<512x1xf32>
    %tanh3A = math.tanh %div3A_38 : vector<512x1xf32>
    %swap3A = arith.constant 0 : index
    %swap3A_39 = arith.constant 0 : index
    %swap3A_40 = vector.load %arg9[%swap3A, %swap3A_39] : memref<512x1xf32, #tpu.memory_space<vmem>>, vector<512x1xf32>
    tpu.vector_store %arg9[%swap3A, %swap3A_39], %tanh3A {strides = array<i32>} : memref<512x1xf32, #tpu.memory_space<vmem>>, vector<512x1xf32>,
    %mul3A_41 = vector.broadcast %tanh3A : vector<512x1xf32> to vector<512x128xf32>
    %mul3A_42 = arith.mulf %max3A_28, %mul3A_41 : vector<512x128xf32>
    %swap3A_43 = arith.constant 0 : index
    %swap3A_44 = arith.constant 0 : index
    %swap3A_45 = vector.load %arg8[%swap3A_43, %swap3A_44] : memref<512x128xf32, #tpu.memory_space<vmem>>, vector<512x128xf32>
    tpu.vector_store %arg8[%swap3A_43, %swap3A_44], %mul3A_42 {strides = array<i32>} : memref<512x128xf32, #tpu.memory_space<vmem>>, vector<512x128xf32>,
    return
  }
  func.func @transform_0(%arg0: i32) -> (i32, i32) {
    %c0_i32 = arith.constant 0 : i32
    %c0_i32_0 = arith.constant 0 : i32
    return %arg0, %c0_i32 : i32, i32
  }
  func.func @transform_1(%arg0: i32) -> (i32, i32, i32) {
    %c0_i32 = arith.constant 0 : i32
    %c0_i32_0 = arith.constant 0 : i32
    %c0_i32_1 = arith.constant 0 : i32
    return %c0_i32, %arg0, %c0_i32_0 : i32, i32, i32
  }
  func.func @transform_2(%arg0: i32) -> (i32, i32, i32) {
    %c1_i32 = arith.constant 1 : i32
    %c0_i32 = arith.constant 0 : i32
    %c0_i32_0 = arith.constant 0 : i32
    return %c1_i32, %arg0, %c0_i32 : i32, i32, i32
  }
  func.func @transform_3(%arg0: i32) -> (i32, i32) {
    %c0_i32 = arith.constant 0 : i32
    %c0_i32_0 = arith.constant 0 : i32
    %c0_i32_1 = arith.constant 0 : i32
    return %c0_i32, %c0_i32_0 : i32, i32
  }
  func.func @transform_4(%arg0: i32) -> (i32, i32) {
    %c0_i32 = arith.constant 0 : i32
    %c0_i32_0 = arith.constant 0 : i32
    %c0_i32_1 = arith.constant 0 : i32
    return %c0_i32, %c0_i32_0 : i32, i32
  }
  func.func @transform_5(%arg0: i32) -> (i32, i32) {
    %c0_i32 = arith.constant 0 : i32
    %c0_i32_0 = arith.constant 0 : i32
    %c0_i32_1 = arith.constant 0 : i32
    return %c0_i32, %c0_i32_0 : i32, i32
  }
  func.func @transform_6(%arg0: i32) -> (i32, i32) {
    %c0_i32 = arith.constant 0 : i32
    %c0_i32_0 = arith.constant 0 : i32
    %c0_i32_1 = arith.constant 0 : i32
    return %c0_i32, %c0_i32_0 : i32, i32
  }
  func.func @transform_7(%arg0: i32) -> (i32, i32) {
    %c0_i32 = arith.constant 0 : i32
    %c0_i32_0 = arith.constant 0 : i32
    return %arg0, %c0_i32 : i32, i32
  }
  func.func @transform_8(%arg0: i32) -> (i32, i32) {
    %c0_i32 = arith.constant 0 : i32
    %c0_i32_0 = arith.constant 0 : i32
    return %arg0, %c0_i32 : i32, i32
  }
}

module attributes {stable_mosaic.version = 14 : i64} {
  func.func @_rank1_body(%arg0: i32, %arg1: memref<512x1xf32, #tpu.memory_space<vmem>>, %arg2: memref<512x1xi32, #tpu.memory_space<vmem>>, %arg3: memref<1x10240xf32, #tpu.memory_space<vmem>>, %arg4: memref<1x10240xi32, #tpu.memory_space<vmem>>, %arg5: memref<512x128xf32, #tpu.memory_space<vmem>>, %arg6: memref<1x128xi32, #tpu.memory_space<vmem>>, %arg7: memref<1x128xi32, #tpu.memory_space<vmem>>, %arg8: memref<512x1xf32, #tpu.memory_space<vmem>>, %arg9: memref<512x1xf32, #tpu.memory_space<vmem>>, %arg10: memref<512x1xf32, #tpu.memory_space<vmem>>, %arg11: memref<512x128xf32, #tpu.memory_space<vmem>>) attributes {dimension_semantics = [#tpu.dimension_semantics<arbitrary>], iteration_bounds = array<i64: 20>, scalar_prefetch = 0 : i64, scratch_operands = 0 : i64, tpu.core_type = #tpu.core_type<tc>, window_params = [{transform_indices = @transform_0, window_bounds = array<i64: 512, 1>}, {transform_indices = @transform_1, window_bounds = array<i64: 512, 1>}, {pipeline_mode = #tpu.pipeline_mode<synchronous>, transform_indices = @transform_2, window_bounds = array<i64: 1, 10240>}, {pipeline_mode = #tpu.pipeline_mode<synchronous>, transform_indices = @transform_3, window_bounds = array<i64: 1, 10240>}, {transform_indices = @transform_4, window_bounds = array<i64: 512, 128>}, {pipeline_mode = #tpu.pipeline_mode<synchronous>, transform_indices = @transform_5, window_bounds = array<i64: 1, 128>}, {pipeline_mode = #tpu.pipeline_mode<synchronous>, transform_indices = @transform_6, window_bounds = array<i64: 1, 128>}, {transform_indices = @transform_7, window_bounds = array<i64: 512, 1>}, {transform_indices = @transform_8, window_bounds = array<i64: 512, 1>}, {transform_indices = @transform_9, window_bounds = array<i64: 512, 1>}, {transform_indices = @transform_10, window_bounds = array<i64: 512, 128>}]} {
    %get3A = arith.constant 0 : index
    %get3A_0 = arith.constant 0 : index
    %get3A_1 = vector.load %arg1[%get3A, %get3A_0] : memref<512x1xf32, #tpu.memory_space<vmem>>, vector<512x1xf32>
    %get3A_2 = arith.constant 0 : index
    %get3A_3 = arith.constant 0 : index
    %get3A_4 = vector.load %arg2[%get3A_2, %get3A_3] : memref<512x1xi32, #tpu.memory_space<vmem>>, vector<512x1xi32>
    %mul3A = arith.constant 512 : i32
    %mul3A_5 = arith.muli %arg0, %mul3A : i32
    %iota3A = tpu.iota {dimensions = array<i32: 0>} : vector<512x1xi32>
    %add3A = vector.broadcast %mul3A_5 : i32 to vector<512x1xi32>
    %add3A_6 = arith.addi %add3A, %iota3A : vector<512x1xi32>
    %get3A_7 = arith.constant 0 : index
    %get3A_8 = arith.constant 0 : index
    %get3A_9 = vector.load %arg2[%get3A_7, %get3A_8] : memref<512x1xi32, #tpu.memory_space<vmem>>, vector<1x1xi32>
    %get3A_10 = vector.extract %get3A_9[0, 0] : i32 from vector<1x1xi32>
    %get3A_11 = arith.constant 511 : index
    %get3A_12 = arith.constant 0 : index
    %get3A_13 = vector.load %arg2[%get3A_11, %get3A_12] : memref<512x1xi32, #tpu.memory_space<vmem>>, vector<1x1xi32>
    %get3A_14 = vector.extract %get3A_13[0, 0] : i32 from vector<1x1xi32>
    %get3A_15 = arith.constant 0 : index
    %get3A_16 = arith.constant 0 : index
    %get3A_17 = vector.load %arg6[%get3A_15, %get3A_16] : memref<1x128xi32, #tpu.memory_space<vmem>>, vector<1x128xi32>
    %get3A_18 = arith.constant 0 : index
    %get3A_19 = arith.constant 0 : index
    %get3A_20 = vector.load %arg7[%get3A_18, %get3A_19] : memref<1x128xi32, #tpu.memory_space<vmem>>, vector<1x128xi32>
    %iota3A_21 = tpu.iota {dimensions = array<i32: 1>} : vector<1x128xi32>
    %lt3A = arith.constant 20 : i32
    %lt3A_22 = vector.broadcast %lt3A : i32 to vector<1x128xi32>
    %lt3A_23 = arith.cmpi slt, %iota3A_21, %lt3A_22 : vector<1x128xi32>
    %lt3A_24 = vector.broadcast %get3A_10 : i32 to vector<1x128xi32>
    %lt3A_25 = arith.cmpi slt, %get3A_20, %lt3A_24 : vector<1x128xi32>
    %and3A = arith.andi %lt3A_23, %lt3A_25 : vector<1x128xi1>
    %jit3A = arith.constant 1 : i32
    %jit3A_26 = arith.constant 0 : i32
    %broadcast_in_dim3A = vector.broadcast %jit3A : i32 to vector<1x128xi32>
    %broadcast_in_dim3A_27 = vector.broadcast %jit3A_26 : i32 to vector<1x128xi32>
    %select_n3A = arith.select %and3A, %broadcast_in_dim3A, %broadcast_in_dim3A_27 : vector<1x128xi1>, vector<1x128xi32>
    %reduce_sum3A = vector.shape_cast %select_n3A : vector<1x128xi32> to vector<1x1x128xi32>
    %reduce_sum3A_28 = arith.constant dense<0> : vector<1xi32>
    %reduce_sum3A_29 = vector.multi_reduction <add>, %reduce_sum3A, %reduce_sum3A_28 [1, 2] : vector<1x1x128xi32> to vector<1xi32>
    %reduce_sum3A_30 = vector.shape_cast %reduce_sum3A_29 : vector<1xi32> to vector<1x1x1xi32>
    %reduce_sum3A_31 = vector.extract %reduce_sum3A_30[0, 0, 0] : i32 from vector<1x1x1xi32>
    %le3A = vector.broadcast %get3A_14 : i32 to vector<1x128xi32>
    %le3A_32 = arith.cmpi sle, %get3A_17, %le3A : vector<1x128xi32>
    %and3A_33 = arith.andi %lt3A_23, %le3A_32 : vector<1x128xi1>
    %jit3A_34 = arith.constant 1 : i32
    %jit3A_35 = arith.constant 0 : i32
    %broadcast_in_dim3A_36 = vector.broadcast %jit3A_34 : i32 to vector<1x128xi32>
    %broadcast_in_dim3A_37 = vector.broadcast %jit3A_35 : i32 to vector<1x128xi32>
    %select_n3A_38 = arith.select %and3A_33, %broadcast_in_dim3A_36, %broadcast_in_dim3A_37 : vector<1x128xi1>, vector<1x128xi32>
    %reduce_sum3A_39 = vector.shape_cast %select_n3A_38 : vector<1x128xi32> to vector<1x1x128xi32>
    %reduce_sum3A_40 = arith.constant dense<0> : vector<1xi32>
    %reduce_sum3A_41 = vector.multi_reduction <add>, %reduce_sum3A_39, %reduce_sum3A_40 [1, 2] : vector<1x1x128xi32> to vector<1xi32>
    %reduce_sum3A_42 = vector.shape_cast %reduce_sum3A_41 : vector<1xi32> to vector<1x1x1xi32>
    %reduce_sum3A_43 = vector.extract %reduce_sum3A_42[0, 0, 0] : i32 from vector<1x1x1xi32>
    %broadcast_in_dim3A_44 = arith.constant 0.000000e+00 : f32
    %broadcast_in_dim3A_45 = vector.broadcast %broadcast_in_dim3A_44 : f32 to vector<512x1xf32>
    %broadcast_in_dim3A_46 = arith.constant 0.000000e+00 : f32
    %broadcast_in_dim3A_47 = vector.broadcast %broadcast_in_dim3A_46 : f32 to vector<512x1xf32>
    %while3A = arith.subi %reduce_sum3A_43, %reduce_sum3A_31 : i32
    %while3A_48 = arith.addi %reduce_sum3A_31, %while3A : i32
    %while3A_49 = arith.constant 1 : i32
    %while3A_50 = arith.divsi %while3A, %while3A_49 : i32
    %while3A_51 = arith.muli %while3A_50, %while3A_49 : i32
    %while3A_52 = arith.addi %reduce_sum3A_31, %while3A_51 : i32
    %while3A_53 = arith.constant 1 : i32
    %while3A_54:2 = scf.for %while3A_82 = %reduce_sum3A_31 to %while3A_52 step %while3A_53 iter_args(%while3A_83 = %broadcast_in_dim3A_45, %while3A_84 = %broadcast_in_dim3A_47) -> (vector<512x1xf32>, vector<512x1xf32>)  : i32 {
      %mul3A_85 = arith.constant 512 : i32
      %mul3A_86 = arith.muli %while3A_82, %mul3A_85 : i32
      %get3A_87 = arith.constant 0 : index
      %get3A_88 = arith.index_cast %mul3A_86 : i32 to index
      %get3A_89 = vector.load %arg3[%get3A_87, %get3A_88] : memref<1x10240xf32, #tpu.memory_space<vmem>>, vector<1x512xf32>
      %mul3A_90 = arith.constant 512 : i32
      %mul3A_91 = arith.muli %while3A_82, %mul3A_90 : i32
      %get3A_92 = arith.constant 0 : index
      %get3A_93 = arith.index_cast %mul3A_91 : i32 to index
      %get3A_94 = vector.load %arg4[%get3A_92, %get3A_93] : memref<1x10240xi32, #tpu.memory_space<vmem>>, vector<1x512xi32>
      %mul3A_95 = arith.constant 512 : i32
      %mul3A_96 = arith.muli %while3A_82, %mul3A_95 : i32
      %iota3A_97 = tpu.iota {dimensions = array<i32: 1>} : vector<1x512xi32>
      %add3A_98 = vector.broadcast %mul3A_96 : i32 to vector<1x512xi32>
      %add3A_99 = arith.addi %add3A_98, %iota3A_97 : vector<1x512xi32>
      %eq3A = vector.broadcast %get3A_4 : vector<512x1xi32> to vector<512x512xi32>
      %eq3A_100 = vector.broadcast %get3A_94 : vector<1x512xi32> to vector<512x512xi32>
      %eq3A_101 = arith.cmpi eq, %eq3A, %eq3A_100 : vector<512x512xi32>
      %gt3A = vector.broadcast %get3A_89 : vector<1x512xf32> to vector<512x512xf32>
      %gt3A_102 = vector.broadcast %get3A_1 : vector<512x1xf32> to vector<512x512xf32>
      %gt3A_103 = arith.cmpf ogt, %gt3A, %gt3A_102 : vector<512x512xf32>
      %eq3A_104 = vector.broadcast %get3A_89 : vector<1x512xf32> to vector<512x512xf32>
      %eq3A_105 = vector.broadcast %get3A_1 : vector<512x1xf32> to vector<512x512xf32>
      %eq3A_106 = arith.cmpf oeq, %eq3A_104, %eq3A_105 : vector<512x512xf32>
      %lt3A_107 = vector.broadcast %add3A_99 : vector<1x512xi32> to vector<512x512xi32>
      %lt3A_108 = vector.broadcast %add3A_6 : vector<512x1xi32> to vector<512x512xi32>
      %lt3A_109 = arith.cmpi slt, %lt3A_107, %lt3A_108 : vector<512x512xi32>
      %and3A_110 = arith.andi %eq3A_106, %lt3A_109 : vector<512x512xi1>
      %or3A = arith.ori %gt3A_103, %and3A_110 : vector<512x512xi1>
      %and3A_111 = arith.andi %eq3A_101, %or3A : vector<512x512xi1>
      %jit3A_112 = arith.constant 1.000000e+00 : f32
      %jit3A_113 = arith.constant 0.000000e+00 : f32
      %broadcast_in_dim3A_114 = vector.broadcast %jit3A_112 : f32 to vector<512x512xf32>
      %broadcast_in_dim3A_115 = vector.broadcast %jit3A_113 : f32 to vector<512x512xf32>
      %select_n3A_116 = arith.select %and3A_111, %broadcast_in_dim3A_114, %broadcast_in_dim3A_115 : vector<512x512xi1>, vector<512x512xf32>
      %reduce_sum3A_117 = arith.constant dense<0.000000e+00> : vector<512xf32>
      %reduce_sum3A_118 = vector.multi_reduction <add>, %select_n3A_116, %reduce_sum3A_117 [1] : vector<512x512xf32> to vector<512xf32>
      %broadcast_in_dim3A_119 = vector.shape_cast %reduce_sum3A_118 : vector<512xf32> to vector<512x1xf32>
      %add3A_120 = arith.addf %while3A_83, %broadcast_in_dim3A_119 : vector<512x1xf32>
      %jit3A_121 = arith.constant 1.000000e+00 : f32
      %jit3A_122 = arith.constant 0.000000e+00 : f32
      %broadcast_in_dim3A_123 = vector.broadcast %jit3A_121 : f32 to vector<512x512xf32>
      %broadcast_in_dim3A_124 = vector.broadcast %jit3A_122 : f32 to vector<512x512xf32>
      %select_n3A_125 = arith.select %eq3A_101, %broadcast_in_dim3A_123, %broadcast_in_dim3A_124 : vector<512x512xi1>, vector<512x512xf32>
      %reduce_sum3A_126 = arith.constant dense<0.000000e+00> : vector<512xf32>
      %reduce_sum3A_127 = vector.multi_reduction <add>, %select_n3A_125, %reduce_sum3A_126 [1] : vector<512x512xf32> to vector<512xf32>
      %broadcast_in_dim3A_128 = vector.shape_cast %reduce_sum3A_127 : vector<512xf32> to vector<512x1xf32>
      %add3A_129 = arith.addf %while3A_84, %broadcast_in_dim3A_128 : vector<512x1xf32>
      scf.yield %add3A_120, %add3A_129 : vector<512x1xf32>, vector<512x1xf32>
    }
    %while3A_55 = arith.constant 1 : i32
    %while3A_56:2 = scf.for %while3A_82 = %while3A_52 to %while3A_48 step %while3A_55 iter_args(%while3A_83 = %while3A_54#0, %while3A_84 = %while3A_54#1) -> (vector<512x1xf32>, vector<512x1xf32>)  : i32 {
      %mul3A_85 = arith.constant 512 : i32
      %mul3A_86 = arith.muli %while3A_82, %mul3A_85 : i32
      %get3A_87 = arith.constant 0 : index
      %get3A_88 = arith.index_cast %mul3A_86 : i32 to index
      %get3A_89 = vector.load %arg3[%get3A_87, %get3A_88] : memref<1x10240xf32, #tpu.memory_space<vmem>>, vector<1x512xf32>
      %mul3A_90 = arith.constant 512 : i32
      %mul3A_91 = arith.muli %while3A_82, %mul3A_90 : i32
      %get3A_92 = arith.constant 0 : index
      %get3A_93 = arith.index_cast %mul3A_91 : i32 to index
      %get3A_94 = vector.load %arg4[%get3A_92, %get3A_93] : memref<1x10240xi32, #tpu.memory_space<vmem>>, vector<1x512xi32>
      %mul3A_95 = arith.constant 512 : i32
      %mul3A_96 = arith.muli %while3A_82, %mul3A_95 : i32
      %iota3A_97 = tpu.iota {dimensions = array<i32: 1>} : vector<1x512xi32>
      %add3A_98 = vector.broadcast %mul3A_96 : i32 to vector<1x512xi32>
      %add3A_99 = arith.addi %add3A_98, %iota3A_97 : vector<1x512xi32>
      %eq3A = vector.broadcast %get3A_4 : vector<512x1xi32> to vector<512x512xi32>
      %eq3A_100 = vector.broadcast %get3A_94 : vector<1x512xi32> to vector<512x512xi32>
      %eq3A_101 = arith.cmpi eq, %eq3A, %eq3A_100 : vector<512x512xi32>
      %gt3A = vector.broadcast %get3A_89 : vector<1x512xf32> to vector<512x512xf32>
      %gt3A_102 = vector.broadcast %get3A_1 : vector<512x1xf32> to vector<512x512xf32>
      %gt3A_103 = arith.cmpf ogt, %gt3A, %gt3A_102 : vector<512x512xf32>
      %eq3A_104 = vector.broadcast %get3A_89 : vector<1x512xf32> to vector<512x512xf32>
      %eq3A_105 = vector.broadcast %get3A_1 : vector<512x1xf32> to vector<512x512xf32>
      %eq3A_106 = arith.cmpf oeq, %eq3A_104, %eq3A_105 : vector<512x512xf32>
      %lt3A_107 = vector.broadcast %add3A_99 : vector<1x512xi32> to vector<512x512xi32>
      %lt3A_108 = vector.broadcast %add3A_6 : vector<512x1xi32> to vector<512x512xi32>
      %lt3A_109 = arith.cmpi slt, %lt3A_107, %lt3A_108 : vector<512x512xi32>
      %and3A_110 = arith.andi %eq3A_106, %lt3A_109 : vector<512x512xi1>
      %or3A = arith.ori %gt3A_103, %and3A_110 : vector<512x512xi1>
      %and3A_111 = arith.andi %eq3A_101, %or3A : vector<512x512xi1>
      %jit3A_112 = arith.constant 1.000000e+00 : f32
      %jit3A_113 = arith.constant 0.000000e+00 : f32
      %broadcast_in_dim3A_114 = vector.broadcast %jit3A_112 : f32 to vector<512x512xf32>
      %broadcast_in_dim3A_115 = vector.broadcast %jit3A_113 : f32 to vector<512x512xf32>
      %select_n3A_116 = arith.select %and3A_111, %broadcast_in_dim3A_114, %broadcast_in_dim3A_115 : vector<512x512xi1>, vector<512x512xf32>
      %reduce_sum3A_117 = arith.constant dense<0.000000e+00> : vector<512xf32>
      %reduce_sum3A_118 = vector.multi_reduction <add>, %select_n3A_116, %reduce_sum3A_117 [1] : vector<512x512xf32> to vector<512xf32>
      %broadcast_in_dim3A_119 = vector.shape_cast %reduce_sum3A_118 : vector<512xf32> to vector<512x1xf32>
      %add3A_120 = arith.addf %while3A_83, %broadcast_in_dim3A_119 : vector<512x1xf32>
      %jit3A_121 = arith.constant 1.000000e+00 : f32
      %jit3A_122 = arith.constant 0.000000e+00 : f32
      %broadcast_in_dim3A_123 = vector.broadcast %jit3A_121 : f32 to vector<512x512xf32>
      %broadcast_in_dim3A_124 = vector.broadcast %jit3A_122 : f32 to vector<512x512xf32>
      %select_n3A_125 = arith.select %eq3A_101, %broadcast_in_dim3A_123, %broadcast_in_dim3A_124 : vector<512x512xi1>, vector<512x512xf32>
      %reduce_sum3A_126 = arith.constant dense<0.000000e+00> : vector<512xf32>
      %reduce_sum3A_127 = vector.multi_reduction <add>, %select_n3A_125, %reduce_sum3A_126 [1] : vector<512x512xf32> to vector<512xf32>
      %broadcast_in_dim3A_128 = vector.shape_cast %reduce_sum3A_127 : vector<512xf32> to vector<512x1xf32>
      %add3A_129 = arith.addf %while3A_84, %broadcast_in_dim3A_128 : vector<512x1xf32>
      scf.yield %add3A_120, %add3A_129 : vector<512x1xf32>, vector<512x1xf32>
    }
    %mul3A_57 = arith.constant 8.000000e-01 : f32
    %mul3A_58 = vector.broadcast %mul3A_57 : f32 to vector<512x1xf32>
    %mul3A_59 = arith.mulf %mul3A_58, %while3A_56#1 : vector<512x1xf32>
    %ceil3A = math.ceil %mul3A_59 : vector<512x1xf32>
    %lt3A_60 = arith.cmpf olt, %while3A_56#0, %ceil3A : vector<512x1xf32>
    %jit3A_61 = arith.constant 1.000000e+00 : f32
    %jit3A_62 = arith.constant 0.000000e+00 : f32
    %broadcast_in_dim3A_63 = vector.broadcast %jit3A_61 : f32 to vector<512x1xf32>
    %broadcast_in_dim3A_64 = vector.broadcast %jit3A_62 : f32 to vector<512x1xf32>
    %select_n3A_65 = arith.select %lt3A_60, %broadcast_in_dim3A_63, %broadcast_in_dim3A_64 : vector<512x1xi1>, vector<512x1xf32>
    %swap3A = arith.constant 0 : index
    %swap3A_66 = arith.constant 0 : index
    %swap3A_67 = vector.load %arg8[%swap3A, %swap3A_66] : memref<512x1xf32, #tpu.memory_space<vmem>>, vector<512x1xf32>
    tpu.vector_store %arg8[%swap3A, %swap3A_66], %select_n3A_65 {strides = array<i32>} : memref<512x1xf32, #tpu.memory_space<vmem>>, vector<512x1xf32>,
    %swap3A_68 = arith.constant 0 : index
    %swap3A_69 = arith.constant 0 : index
    %swap3A_70 = vector.load %arg9[%swap3A_68, %swap3A_69] : memref<512x1xf32, #tpu.memory_space<vmem>>, vector<512x1xf32>
    tpu.vector_store %arg9[%swap3A_68, %swap3A_69], %while3A_56#0 {strides = array<i32>} : memref<512x1xf32, #tpu.memory_space<vmem>>, vector<512x1xf32>,
    %swap3A_71 = arith.constant 0 : index
    %swap3A_72 = arith.constant 0 : index
    %swap3A_73 = vector.load %arg10[%swap3A_71, %swap3A_72] : memref<512x1xf32, #tpu.memory_space<vmem>>, vector<512x1xf32>
    tpu.vector_store %arg10[%swap3A_71, %swap3A_72], %ceil3A {strides = array<i32>} : memref<512x1xf32, #tpu.memory_space<vmem>>, vector<512x1xf32>,
    %get3A_74 = arith.constant 0 : index
    %get3A_75 = arith.constant 0 : index
    %get3A_76 = vector.load %arg5[%get3A_74, %get3A_75] : memref<512x128xf32, #tpu.memory_space<vmem>>, vector<512x128xf32>
    %mul3A_77 = vector.broadcast %select_n3A_65 : vector<512x1xf32> to vector<512x128xf32>
    %mul3A_78 = arith.mulf %get3A_76, %mul3A_77 : vector<512x128xf32>
    %swap3A_79 = arith.constant 0 : index
    %swap3A_80 = arith.constant 0 : index
    %swap3A_81 = vector.load %arg11[%swap3A_79, %swap3A_80] : memref<512x128xf32, #tpu.memory_space<vmem>>, vector<512x128xf32>
    tpu.vector_store %arg11[%swap3A_79, %swap3A_80], %mul3A_78 {strides = array<i32>} : memref<512x128xf32, #tpu.memory_space<vmem>>, vector<512x128xf32>,
    return
  }
  func.func @transform_0(%arg0: i32) -> (i32, i32) {
    %c0_i32 = arith.constant 0 : i32
    %c0_i32_0 = arith.constant 0 : i32
    return %arg0, %c0_i32 : i32, i32
  }
  func.func @transform_1(%arg0: i32) -> (i32, i32) {
    %c0_i32 = arith.constant 0 : i32
    %c0_i32_0 = arith.constant 0 : i32
    return %arg0, %c0_i32 : i32, i32
  }
  func.func @transform_2(%arg0: i32) -> (i32, i32) {
    %c0_i32 = arith.constant 0 : i32
    %c0_i32_0 = arith.constant 0 : i32
    %c0_i32_1 = arith.constant 0 : i32
    return %c0_i32, %c0_i32_0 : i32, i32
  }
  func.func @transform_3(%arg0: i32) -> (i32, i32) {
    %c0_i32 = arith.constant 0 : i32
    %c0_i32_0 = arith.constant 0 : i32
    %c0_i32_1 = arith.constant 0 : i32
    return %c0_i32, %c0_i32_0 : i32, i32
  }
  func.func @transform_4(%arg0: i32) -> (i32, i32) {
    %c0_i32 = arith.constant 0 : i32
    %c0_i32_0 = arith.constant 0 : i32
    return %arg0, %c0_i32 : i32, i32
  }
  func.func @transform_5(%arg0: i32) -> (i32, i32) {
    %c0_i32 = arith.constant 0 : i32
    %c0_i32_0 = arith.constant 0 : i32
    %c0_i32_1 = arith.constant 0 : i32
    return %c0_i32, %c0_i32_0 : i32, i32
  }
  func.func @transform_6(%arg0: i32) -> (i32, i32) {
    %c0_i32 = arith.constant 0 : i32
    %c0_i32_0 = arith.constant 0 : i32
    %c0_i32_1 = arith.constant 0 : i32
    return %c0_i32, %c0_i32_0 : i32, i32
  }
  func.func @transform_7(%arg0: i32) -> (i32, i32) {
    %c0_i32 = arith.constant 0 : i32
    %c0_i32_0 = arith.constant 0 : i32
    return %arg0, %c0_i32 : i32, i32
  }
  func.func @transform_8(%arg0: i32) -> (i32, i32) {
    %c0_i32 = arith.constant 0 : i32
    %c0_i32_0 = arith.constant 0 : i32
    return %arg0, %c0_i32 : i32, i32
  }
  func.func @transform_9(%arg0: i32) -> (i32, i32) {
    %c0_i32 = arith.constant 0 : i32
    %c0_i32_0 = arith.constant 0 : i32
    return %arg0, %c0_i32 : i32, i32
  }
  func.func @transform_10(%arg0: i32) -> (i32, i32) {
    %c0_i32 = arith.constant 0 : i32
    %c0_i32_0 = arith.constant 0 : i32
    return %arg0, %c0_i32 : i32, i32
  }
}

module attributes {stable_mosaic.version = 14 : i64} {
  func.func @_conv2_body(%arg0: i32, %arg1: memref<512x128xf32, #tpu.memory_space<vmem>>, %arg2: memref<1x512x128xf32, #tpu.memory_space<vmem>>, %arg3: memref<1x512x128xf32, #tpu.memory_space<vmem>>, %arg4: memref<512x1xf32, #tpu.memory_space<vmem>>, %arg5: memref<128x128xf32, #tpu.memory_space<vmem>>, %arg6: memref<128x128xf32, #tpu.memory_space<vmem>>, %arg7: memref<1x128xf32, #tpu.memory_space<vmem>>, %arg8: memref<128x1xf32, #tpu.memory_space<vmem>>, %arg9: memref<512x128xf32, #tpu.memory_space<vmem>>, %arg10: memref<512x1xf32, #tpu.memory_space<vmem>>) attributes {dimension_semantics = [#tpu.dimension_semantics<arbitrary>], iteration_bounds = array<i64: 20>, scalar_prefetch = 0 : i64, scratch_operands = 0 : i64, tpu.core_type = #tpu.core_type<tc>, window_params = [{transform_indices = @transform_0, window_bounds = array<i64: 512, 128>}, {transform_indices = @transform_1, window_bounds = array<i64: 1, 512, 128>}, {transform_indices = @transform_2, window_bounds = array<i64: 1, 512, 128>}, {transform_indices = @transform_3, window_bounds = array<i64: 512, 1>}, {pipeline_mode = #tpu.pipeline_mode<synchronous>, transform_indices = @transform_4, window_bounds = array<i64: 128, 128>}, {pipeline_mode = #tpu.pipeline_mode<synchronous>, transform_indices = @transform_5, window_bounds = array<i64: 128, 128>}, {pipeline_mode = #tpu.pipeline_mode<synchronous>, transform_indices = @transform_6, window_bounds = array<i64: 1, 128>}, {pipeline_mode = #tpu.pipeline_mode<synchronous>, transform_indices = @transform_7, window_bounds = array<i64: 128, 1>}, {transform_indices = @transform_8, window_bounds = array<i64: 512, 128>}, {transform_indices = @transform_9, window_bounds = array<i64: 512, 1>}]} {
    %get3A = arith.constant 0 : index
    %get3A_0 = arith.constant 0 : index
    %get3A_1 = arith.constant 0 : index
    %get3A_2 = vector.load %arg2[%get3A, %get3A_0, %get3A_1] : memref<1x512x128xf32, #tpu.memory_space<vmem>>, vector<1x512x128xf32>
    %get3A_3 = vector.shape_cast %get3A_2 : vector<1x512x128xf32> to vector<512x128xf32>
    %get3A_4 = arith.constant 0 : index
    %get3A_5 = arith.constant 0 : index
    %get3A_6 = arith.constant 0 : index
    %get3A_7 = vector.load %arg3[%get3A_4, %get3A_5, %get3A_6] : memref<1x512x128xf32, #tpu.memory_space<vmem>>, vector<1x512x128xf32>
    %get3A_8 = vector.shape_cast %get3A_7 : vector<1x512x128xf32> to vector<512x128xf32>
    %add3A = arith.addf %get3A_3, %get3A_8 : vector<512x128xf32>
    %get3A_9 = arith.constant 0 : index
    %get3A_10 = arith.constant 0 : index
    %get3A_11 = vector.load %arg4[%get3A_9, %get3A_10] : memref<512x1xf32, #tpu.memory_space<vmem>>, vector<512x1xf32>
    %mul3A = vector.broadcast %get3A_11 : vector<512x1xf32> to vector<512x128xf32>
    %mul3A_12 = arith.mulf %add3A, %mul3A : vector<512x128xf32>
    %get3A_13 = arith.constant 0 : index
    %get3A_14 = arith.constant 0 : index
    %get3A_15 = vector.load %arg5[%get3A_13, %get3A_14] : memref<128x128xf32, #tpu.memory_space<vmem>>, vector<128x128xf32>
    %dot_general3A = arith.constant dense<0.000000e+00> : vector<512x128xf32>
    %dot_general3A_16 = tpu.matmul %mul3A_12, %get3A_15, %dot_general3A {dimension_numbers = #tpu.dot_dimension_numbers<[1], [0], [0], [1], [0, 0, 1, 1], [], []>, transpose_lhs_hint = false} : vector<512x128xf32>, vector<128x128xf32>, vector<512x128xf32> -> vector<512x128xf32>
    %get3A_17 = arith.constant 0 : index
    %get3A_18 = arith.constant 0 : index
    %get3A_19 = vector.load %arg1[%get3A_17, %get3A_18] : memref<512x128xf32, #tpu.memory_space<vmem>>, vector<512x128xf32>
    %get3A_20 = arith.constant 0 : index
    %get3A_21 = arith.constant 0 : index
    %get3A_22 = vector.load %arg6[%get3A_20, %get3A_21] : memref<128x128xf32, #tpu.memory_space<vmem>>, vector<128x128xf32>
    %dot_general3A_23 = arith.constant dense<0.000000e+00> : vector<512x128xf32>
    %dot_general3A_24 = tpu.matmul %get3A_19, %get3A_22, %dot_general3A_23 {dimension_numbers = #tpu.dot_dimension_numbers<[1], [0], [0], [1], [0, 0, 1, 1], [], []>, transpose_lhs_hint = false} : vector<512x128xf32>, vector<128x128xf32>, vector<512x128xf32> -> vector<512x128xf32>
    %add3A_25 = arith.addf %dot_general3A_16, %dot_general3A_24 : vector<512x128xf32>
    %get3A_26 = arith.constant 0 : index
    %get3A_27 = arith.constant 0 : index
    %get3A_28 = vector.load %arg7[%get3A_26, %get3A_27] : memref<1x128xf32, #tpu.memory_space<vmem>>, vector<1x128xf32>
    %add3A_29 = vector.broadcast %get3A_28 : vector<1x128xf32> to vector<512x128xf32>
    %add3A_30 = arith.addf %add3A_25, %add3A_29 : vector<512x128xf32>
    %max3A = arith.constant 0.000000e+00 : f32
    %max3A_31 = vector.broadcast %max3A : f32 to vector<512x128xf32>
    %max3A_32 = arith.maximumf %add3A_30, %max3A_31 : vector<512x128xf32>
    %get3A_33 = arith.constant 0 : index
    %get3A_34 = arith.constant 0 : index
    %get3A_35 = vector.load %arg8[%get3A_33, %get3A_34] : memref<128x1xf32, #tpu.memory_space<vmem>>, vector<128x1xf32>
    %mul3A_36 = arith.mulf %get3A_35, %get3A_35 : vector<128x1xf32>
    %reduce_sum3A = vector.shape_cast %mul3A_36 : vector<128x1xf32> to vector<1x128x1xf32>
    %reduce_sum3A_37 = arith.constant dense<0.000000e+00> : vector<1xf32>
    %reduce_sum3A_38 = vector.multi_reduction <add>, %reduce_sum3A, %reduce_sum3A_37 [1, 2] : vector<1x128x1xf32> to vector<1xf32>
    %reduce_sum3A_39 = vector.shape_cast %reduce_sum3A_38 : vector<1xf32> to vector<1x1x1xf32>
    %reduce_sum3A_40 = vector.extract %reduce_sum3A_39[0, 0, 0] : f32 from vector<1x1x1xf32>
    %sqrt3A = math.sqrt %reduce_sum3A_40 : f32
    %dot_general3A_41 = arith.constant dense<0.000000e+00> : vector<512x1xf32>
    %dot_general3A_42 = tpu.matmul %max3A_32, %get3A_35, %dot_general3A_41 {dimension_numbers = #tpu.dot_dimension_numbers<[1], [0], [0], [1], [0, 0, 1, 1], [], []>, transpose_lhs_hint = false} : vector<512x128xf32>, vector<128x1xf32>, vector<512x1xf32> -> vector<512x1xf32>
    %div3A = vector.broadcast %sqrt3A : f32 to vector<512x1xf32>
    %div3A_43 = arith.divf %dot_general3A_42, %div3A : vector<512x1xf32>
    %tanh3A = math.tanh %div3A_43 : vector<512x1xf32>
    %swap3A = arith.constant 0 : index
    %swap3A_44 = arith.constant 0 : index
    %swap3A_45 = vector.load %arg10[%swap3A, %swap3A_44] : memref<512x1xf32, #tpu.memory_space<vmem>>, vector<512x1xf32>
    tpu.vector_store %arg10[%swap3A, %swap3A_44], %tanh3A {strides = array<i32>} : memref<512x1xf32, #tpu.memory_space<vmem>>, vector<512x1xf32>,
    %mul3A_46 = vector.broadcast %tanh3A : vector<512x1xf32> to vector<512x128xf32>
    %mul3A_47 = arith.mulf %max3A_32, %mul3A_46 : vector<512x128xf32>
    %swap3A_48 = arith.constant 0 : index
    %swap3A_49 = arith.constant 0 : index
    %swap3A_50 = vector.load %arg9[%swap3A_48, %swap3A_49] : memref<512x128xf32, #tpu.memory_space<vmem>>, vector<512x128xf32>
    tpu.vector_store %arg9[%swap3A_48, %swap3A_49], %mul3A_47 {strides = array<i32>} : memref<512x128xf32, #tpu.memory_space<vmem>>, vector<512x128xf32>,
    return
  }
  func.func @transform_0(%arg0: i32) -> (i32, i32) {
    %c0_i32 = arith.constant 0 : i32
    %c0_i32_0 = arith.constant 0 : i32
    return %arg0, %c0_i32 : i32, i32
  }
  func.func @transform_1(%arg0: i32) -> (i32, i32, i32) {
    %c0_i32 = arith.constant 0 : i32
    %c0_i32_0 = arith.constant 0 : i32
    %c0_i32_1 = arith.constant 0 : i32
    return %c0_i32, %arg0, %c0_i32_0 : i32, i32, i32
  }
  func.func @transform_2(%arg0: i32) -> (i32, i32, i32) {
    %c1_i32 = arith.constant 1 : i32
    %c0_i32 = arith.constant 0 : i32
    %c0_i32_0 = arith.constant 0 : i32
    return %c1_i32, %arg0, %c0_i32 : i32, i32, i32
  }
  func.func @transform_3(%arg0: i32) -> (i32, i32) {
    %c0_i32 = arith.constant 0 : i32
    %c0_i32_0 = arith.constant 0 : i32
    return %arg0, %c0_i32 : i32, i32
  }
  func.func @transform_4(%arg0: i32) -> (i32, i32) {
    %c0_i32 = arith.constant 0 : i32
    %c0_i32_0 = arith.constant 0 : i32
    %c0_i32_1 = arith.constant 0 : i32
    return %c0_i32, %c0_i32_0 : i32, i32
  }
  func.func @transform_5(%arg0: i32) -> (i32, i32) {
    %c0_i32 = arith.constant 0 : i32
    %c0_i32_0 = arith.constant 0 : i32
    %c0_i32_1 = arith.constant 0 : i32
    return %c0_i32, %c0_i32_0 : i32, i32
  }
  func.func @transform_6(%arg0: i32) -> (i32, i32) {
    %c0_i32 = arith.constant 0 : i32
    %c0_i32_0 = arith.constant 0 : i32
    %c0_i32_1 = arith.constant 0 : i32
    return %c0_i32, %c0_i32_0 : i32, i32
  }
  func.func @transform_7(%arg0: i32) -> (i32, i32) {
    %c0_i32 = arith.constant 0 : i32
    %c0_i32_0 = arith.constant 0 : i32
    %c0_i32_1 = arith.constant 0 : i32
    return %c0_i32, %c0_i32_0 : i32, i32
  }
  func.func @transform_8(%arg0: i32) -> (i32, i32) {
    %c0_i32 = arith.constant 0 : i32
    %c0_i32_0 = arith.constant 0 : i32
    return %arg0, %c0_i32 : i32, i32
  }
  func.func @transform_9(%arg0: i32) -> (i32, i32) {
    %c0_i32 = arith.constant 0 : i32
    %c0_i32_0 = arith.constant 0 : i32
    return %arg0, %c0_i32 : i32, i32
  }
}

module attributes {stable_mosaic.version = 14 : i64} {
  func.func @_rank2_pool_body(%arg0: i32, %arg1: memref<512x1xf32, #tpu.memory_space<vmem>>, %arg2: memref<512x1xf32, #tpu.memory_space<vmem>>, %arg3: memref<512x1xf32, #tpu.memory_space<vmem>>, %arg4: memref<512x1xi32, #tpu.memory_space<vmem>>, %arg5: memref<512x1xf32, #tpu.memory_space<vmem>>, %arg6: memref<1x10240xf32, #tpu.memory_space<vmem>>, %arg7: memref<1x10240xf32, #tpu.memory_space<vmem>>, %arg8: memref<1x10240xf32, #tpu.memory_space<vmem>>, %arg9: memref<1x10240xi32, #tpu.memory_space<vmem>>, %arg10: memref<1x128xi32, #tpu.memory_space<vmem>>, %arg11: memref<1x128xi32, #tpu.memory_space<vmem>>, %arg12: memref<512x128xf32, #tpu.memory_space<vmem>>, %arg13: memref<512x128xf32, #tpu.memory_space<vmem>>, %arg14: memref<1x512xi32, #tpu.memory_space<vmem>>, %arg15: memref<128x32xf32, #tpu.memory_space<vmem>>, %arg16: memref<128x32xf32, #tpu.memory_space<vmem>>, %arg17: memref<1x32xf32, #tpu.memory_space<vmem>>, %arg18: memref<32x128xf32, #tpu.memory_space<vmem>>, %arg19: memref<1x128xf32, #tpu.memory_space<vmem>>, %arg20: memref<64x128xf32, #tpu.memory_space<vmem>>, %arg21: memref<64x128xf32, #tpu.memory_space<vmem>>, %arg22: memref<64x128xf32, #tpu.memory_space<vmem>>, %arg23: memref<64x128xf32, #tpu.memory_space<vmem>>, %arg24: memref<64x128xf32, #tpu.memory_space<vmem>>, %arg25: memref<64x128xf32, #tpu.memory_space<vmem>>) attributes {dimension_semantics = [#tpu.dimension_semantics<arbitrary>], iteration_bounds = array<i64: 20>, scalar_prefetch = 0 : i64, scratch_operands = 5 : i64, tpu.core_type = #tpu.core_type<tc>, window_params = [{transform_indices = @transform_0, window_bounds = array<i64: 512, 1>}, {transform_indices = @transform_1, window_bounds = array<i64: 512, 1>}, {transform_indices = @transform_2, window_bounds = array<i64: 512, 1>}, {transform_indices = @transform_3, window_bounds = array<i64: 512, 1>}, {transform_indices = @transform_4, window_bounds = array<i64: 512, 1>}, {pipeline_mode = #tpu.pipeline_mode<synchronous>, transform_indices = @transform_5, window_bounds = array<i64: 1, 10240>}, {pipeline_mode = #tpu.pipeline_mode<synchronous>, transform_indices = @transform_6, window_bounds = array<i64: 1, 10240>}, {pipeline_mode = #tpu.pipeline_mode<synchronous>, transform_indices = @transform_7, window_bounds = array<i64: 1, 10240>}, {pipeline_mode = #tpu.pipeline_mode<synchronous>, transform_indices = @transform_8, window_bounds = array<i64: 1, 10240>}, {pipeline_mode = #tpu.pipeline_mode<synchronous>, transform_indices = @transform_9, window_bounds = array<i64: 1, 128>}, {pipeline_mode = #tpu.pipeline_mode<synchronous>, transform_indices = @transform_10, window_bounds = array<i64: 1, 128>}, {transform_indices = @transform_11, window_bounds = array<i64: 512, 128>}, {transform_indices = @transform_12, window_bounds = array<i64: 512, 128>}, {transform_indices = @transform_13, window_bounds = array<i64: 1, 512>}, {pipeline_mode = #tpu.pipeline_mode<synchronous>, transform_indices = @transform_14, window_bounds = array<i64: 128, 32>}, {pipeline_mode = #tpu.pipeline_mode<synchronous>, transform_indices = @transform_15, window_bounds = array<i64: 128, 32>}, {pipeline_mode = #tpu.pipeline_mode<synchronous>, transform_indices = @transform_16, window_bounds = array<i64: 1, 32>}, {pipeline_mode = #tpu.pipeline_mode<synchronous>, transform_indices = @transform_17, window_bounds = array<i64: 32, 128>}, {pipeline_mode = #tpu.pipeline_mode<synchronous>, transform_indices = @transform_18, window_bounds = array<i64: 1, 128>}, {pipeline_mode = #tpu.pipeline_mode<synchronous>, transform_indices = @transform_19, window_bounds = array<i64: 64, 128>}]} {
    %eq3A = arith.constant 0 : i32
    %eq3A_0 = arith.cmpi eq, %arg0, %eq3A : i32
    %convert_element_type3A = arith.extui %eq3A_0 : i1 to i32
    %cond3A = arith.constant -3.000000e+38 : f32
    %cond3A_1 = arith.constant 0 : i32
    %cond3A_2 = arith.cmpi ne, %convert_element_type3A, %cond3A_1 : i32
    scf.if %cond3A_2 {
      %broadcast_in_dim3A_152 = arith.constant 0.000000e+00 : f32
      %broadcast_in_dim3A_153 = vector.broadcast %broadcast_in_dim3A_152 : f32 to vector<64x128xf32>
      %swap3A_154 = arith.constant 0 : index
      %swap3A_155 = arith.constant 0 : index
      %swap3A_156 = vector.load %arg21[%swap3A_154, %swap3A_155] : memref<64x128xf32, #tpu.memory_space<vmem>>, vector<64x128xf32>
      tpu.vector_store %arg21[%swap3A_154, %swap3A_155], %broadcast_in_dim3A_153 {strides = array<i32>} : memref<64x128xf32, #tpu.memory_space<vmem>>, vector<64x128xf32>,
      %broadcast_in_dim3A_157 = arith.constant 0.000000e+00 : f32
      %broadcast_in_dim3A_158 = vector.broadcast %broadcast_in_dim3A_157 : f32 to vector<64x128xf32>
      %swap3A_159 = arith.constant 0 : index
      %swap3A_160 = arith.constant 0 : index
      %swap3A_161 = vector.load %arg22[%swap3A_159, %swap3A_160] : memref<64x128xf32, #tpu.memory_space<vmem>>, vector<64x128xf32>
      tpu.vector_store %arg22[%swap3A_159, %swap3A_160], %broadcast_in_dim3A_158 {strides = array<i32>} : memref<64x128xf32, #tpu.memory_space<vmem>>, vector<64x128xf32>,
      %broadcast_in_dim3A_162 = vector.broadcast %cond3A : f32 to vector<64x128xf32>
      %swap3A_163 = arith.constant 0 : index
      %swap3A_164 = arith.constant 0 : index
      %swap3A_165 = vector.load %arg23[%swap3A_163, %swap3A_164] : memref<64x128xf32, #tpu.memory_space<vmem>>, vector<64x128xf32>
      tpu.vector_store %arg23[%swap3A_163, %swap3A_164], %broadcast_in_dim3A_162 {strides = array<i32>} : memref<64x128xf32, #tpu.memory_space<vmem>>, vector<64x128xf32>,
      %broadcast_in_dim3A_166 = vector.broadcast %cond3A : f32 to vector<64x128xf32>
      %swap3A_167 = arith.constant 0 : index
      %swap3A_168 = arith.constant 0 : index
      %swap3A_169 = vector.load %arg24[%swap3A_167, %swap3A_168] : memref<64x128xf32, #tpu.memory_space<vmem>>, vector<64x128xf32>
      tpu.vector_store %arg24[%swap3A_167, %swap3A_168], %broadcast_in_dim3A_166 {strides = array<i32>} : memref<64x128xf32, #tpu.memory_space<vmem>>, vector<64x128xf32>,
      %broadcast_in_dim3A_170 = arith.constant 0.000000e+00 : f32
      %broadcast_in_dim3A_171 = vector.broadcast %broadcast_in_dim3A_170 : f32 to vector<64x128xf32>
      %swap3A_172 = arith.constant 0 : index
      %swap3A_173 = arith.constant 0 : index
      %swap3A_174 = vector.load %arg25[%swap3A_172, %swap3A_173] : memref<64x128xf32, #tpu.memory_space<vmem>>, vector<64x128xf32>
      tpu.vector_store %arg25[%swap3A_172, %swap3A_173], %broadcast_in_dim3A_171 {strides = array<i32>} : memref<64x128xf32, #tpu.memory_space<vmem>>, vector<64x128xf32>,
    } else {
    }
    %get3A = arith.constant 0 : index
    %get3A_3 = arith.constant 0 : index
    %get3A_4 = vector.load %arg2[%get3A, %get3A_3] : memref<512x1xf32, #tpu.memory_space<vmem>>, vector<512x1xf32>
    %gt3A = arith.constant 0.000000e+00 : f32
    %gt3A_5 = vector.broadcast %gt3A : f32 to vector<512x1xf32>
    %gt3A_6 = arith.cmpf ogt, %get3A_4, %gt3A_5 : vector<512x1xf32>
    %get3A_7 = arith.constant 0 : index
    %get3A_8 = arith.constant 0 : index
    %get3A_9 = vector.load %arg1[%get3A_7, %get3A_8] : memref<512x1xf32, #tpu.memory_space<vmem>>, vector<512x1xf32>
    %neg3A = arith.constant 0.000000e+00 : f32
    %neg3A_10 = vector.broadcast %neg3A : f32 to vector<512x1xf32>
    %neg3A_11 = arith.subf %neg3A_10, %get3A_9 : vector<512x1xf32>
    %jit3A = arith.constant 0x7F800000 : f32
    %broadcast_in_dim3A = vector.broadcast %jit3A : f32 to vector<512x1xf32>
    %select_n3A = arith.select %gt3A_6, %neg3A_11, %broadcast_in_dim3A : vector<512x1xi1>, vector<512x1xf32>
    %get3A_12 = arith.constant 0 : index
    %get3A_13 = arith.constant 0 : index
    %get3A_14 = vector.load %arg3[%get3A_12, %get3A_13] : memref<512x1xf32, #tpu.memory_space<vmem>>, vector<512x1xf32>
    %get3A_15 = arith.constant 0 : index
    %get3A_16 = arith.constant 0 : index
    %get3A_17 = vector.load %arg4[%get3A_15, %get3A_16] : memref<512x1xi32, #tpu.memory_space<vmem>>, vector<512x1xi32>
    %get3A_18 = arith.constant 0 : index
    %get3A_19 = arith.constant 0 : index
    %get3A_20 = vector.load %arg4[%get3A_18, %get3A_19] : memref<512x1xi32, #tpu.memory_space<vmem>>, vector<1x1xi32>
    %get3A_21 = vector.extract %get3A_20[0, 0] : i32 from vector<1x1xi32>
    %get3A_22 = arith.constant 511 : index
    %get3A_23 = arith.constant 0 : index
    %get3A_24 = vector.load %arg4[%get3A_22, %get3A_23] : memref<512x1xi32, #tpu.memory_space<vmem>>, vector<1x1xi32>
    %get3A_25 = vector.extract %get3A_24[0, 0] : i32 from vector<1x1xi32>
    %get3A_26 = arith.constant 0 : index
    %get3A_27 = arith.constant 0 : index
    %get3A_28 = vector.load %arg10[%get3A_26, %get3A_27] : memref<1x128xi32, #tpu.memory_space<vmem>>, vector<1x128xi32>
    %get3A_29 = arith.constant 0 : index
    %get3A_30 = arith.constant 0 : index
    %get3A_31 = vector.load %arg11[%get3A_29, %get3A_30] : memref<1x128xi32, #tpu.memory_space<vmem>>, vector<1x128xi32>
    %iota3A = tpu.iota {dimensions = array<i32: 1>} : vector<1x128xi32>
    %lt3A = arith.constant 20 : i32
    %lt3A_32 = vector.broadcast %lt3A : i32 to vector<1x128xi32>
    %lt3A_33 = arith.cmpi slt, %iota3A, %lt3A_32 : vector<1x128xi32>
    %lt3A_34 = vector.broadcast %get3A_21 : i32 to vector<1x128xi32>
    %lt3A_35 = arith.cmpi slt, %get3A_31, %lt3A_34 : vector<1x128xi32>
    %and3A = arith.andi %lt3A_33, %lt3A_35 : vector<1x128xi1>
    %jit3A_36 = arith.constant 1 : i32
    %jit3A_37 = arith.constant 0 : i32
    %broadcast_in_dim3A_38 = vector.broadcast %jit3A_36 : i32 to vector<1x128xi32>
    %broadcast_in_dim3A_39 = vector.broadcast %jit3A_37 : i32 to vector<1x128xi32>
    %select_n3A_40 = arith.select %and3A, %broadcast_in_dim3A_38, %broadcast_in_dim3A_39 : vector<1x128xi1>, vector<1x128xi32>
    %reduce_sum3A = vector.shape_cast %select_n3A_40 : vector<1x128xi32> to vector<1x1x128xi32>
    %reduce_sum3A_41 = arith.constant dense<0> : vector<1xi32>
    %reduce_sum3A_42 = vector.multi_reduction <add>, %reduce_sum3A, %reduce_sum3A_41 [1, 2] : vector<1x1x128xi32> to vector<1xi32>
    %reduce_sum3A_43 = vector.shape_cast %reduce_sum3A_42 : vector<1xi32> to vector<1x1x1xi32>
    %reduce_sum3A_44 = vector.extract %reduce_sum3A_43[0, 0, 0] : i32 from vector<1x1x1xi32>
    %le3A = vector.broadcast %get3A_25 : i32 to vector<1x128xi32>
    %le3A_45 = arith.cmpi sle, %get3A_28, %le3A : vector<1x128xi32>
    %and3A_46 = arith.andi %lt3A_33, %le3A_45 : vector<1x128xi1>
    %jit3A_47 = arith.constant 1 : i32
    %jit3A_48 = arith.constant 0 : i32
    %broadcast_in_dim3A_49 = vector.broadcast %jit3A_47 : i32 to vector<1x128xi32>
    %broadcast_in_dim3A_50 = vector.broadcast %jit3A_48 : i32 to vector<1x128xi32>
    %select_n3A_51 = arith.select %and3A_46, %broadcast_in_dim3A_49, %broadcast_in_dim3A_50 : vector<1x128xi1>, vector<1x128xi32>
    %reduce_sum3A_52 = vector.shape_cast %select_n3A_51 : vector<1x128xi32> to vector<1x1x128xi32>
    %reduce_sum3A_53 = arith.constant dense<0> : vector<1xi32>
    %reduce_sum3A_54 = vector.multi_reduction <add>, %reduce_sum3A_52, %reduce_sum3A_53 [1, 2] : vector<1x1x128xi32> to vector<1xi32>
    %reduce_sum3A_55 = vector.shape_cast %reduce_sum3A_54 : vector<1xi32> to vector<1x1x1xi32>
    %reduce_sum3A_56 = vector.extract %reduce_sum3A_55[0, 0, 0] : i32 from vector<1x1x1xi32>
    %broadcast_in_dim3A_57 = arith.constant 0.000000e+00 : f32
    %broadcast_in_dim3A_58 = vector.broadcast %broadcast_in_dim3A_57 : f32 to vector<512x1xf32>
    %while3A = arith.constant 0x7F800000 : f32
    %while3A_59 = arith.subi %reduce_sum3A_56, %reduce_sum3A_44 : i32
    %while3A_60 = arith.addi %reduce_sum3A_44, %while3A_59 : i32
    %while3A_61 = arith.constant 1 : i32
    %while3A_62 = arith.divsi %while3A_59, %while3A_61 : i32
    %while3A_63 = arith.muli %while3A_62, %while3A_61 : i32
    %while3A_64 = arith.addi %reduce_sum3A_44, %while3A_63 : i32
    %while3A_65 = arith.constant 1 : i32
    %while3A_66 = scf.for %while3A_152 = %reduce_sum3A_44 to %while3A_64 step %while3A_65 iter_args(%while3A_153 = %broadcast_in_dim3A_58) -> (vector<512x1xf32>)  : i32 {
      %mul3A_154 = arith.constant 512 : i32
      %mul3A_155 = arith.muli %while3A_152, %mul3A_154 : i32
      %get3A_156 = arith.constant 0 : index
      %get3A_157 = arith.index_cast %mul3A_155 : i32 to index
      %get3A_158 = vector.load %arg6[%get3A_156, %get3A_157] : memref<1x10240xf32, #tpu.memory_space<vmem>>, vector<1x512xf32>
      %mul3A_159 = arith.constant 512 : i32
      %mul3A_160 = arith.muli %while3A_152, %mul3A_159 : i32
      %get3A_161 = arith.constant 0 : index
      %get3A_162 = arith.index_cast %mul3A_160 : i32 to index
      %get3A_163 = vector.load %arg7[%get3A_161, %get3A_162] : memref<1x10240xf32, #tpu.memory_space<vmem>>, vector<1x512xf32>
      %mul3A_164 = arith.constant 512 : i32
      %mul3A_165 = arith.muli %while3A_152, %mul3A_164 : i32
      %get3A_166 = arith.constant 0 : index
      %get3A_167 = arith.index_cast %mul3A_165 : i32 to index
      %get3A_168 = vector.load %arg8[%get3A_166, %get3A_167] : memref<1x10240xf32, #tpu.memory_space<vmem>>, vector<1x512xf32>
      %mul3A_169 = arith.constant 512 : i32
      %mul3A_170 = arith.muli %while3A_152, %mul3A_169 : i32
      %get3A_171 = arith.constant 0 : index
      %get3A_172 = arith.index_cast %mul3A_170 : i32 to index
      %get3A_173 = vector.load %arg9[%get3A_171, %get3A_172] : memref<1x10240xi32, #tpu.memory_space<vmem>>, vector<1x512xi32>
      %gt3A_174 = arith.constant 0.000000e+00 : f32
      %gt3A_175 = vector.broadcast %gt3A_174 : f32 to vector<1x512xf32>
      %gt3A_176 = arith.cmpf ogt, %get3A_163, %gt3A_175 : vector<1x512xf32>
      %neg3A_177 = arith.constant 0.000000e+00 : f32
      %neg3A_178 = vector.broadcast %neg3A_177 : f32 to vector<1x512xf32>
      %neg3A_179 = arith.subf %neg3A_178, %get3A_158 : vector<1x512xf32>
      %broadcast_in_dim3A_180 = vector.broadcast %while3A : f32 to vector<1x512xf32>
      %select_n3A_181 = arith.select %gt3A_176, %neg3A_179, %broadcast_in_dim3A_180 : vector<1x512xi1>, vector<1x512xf32>
      %eq3A_182 = vector.broadcast %get3A_17 : vector<512x1xi32> to vector<512x512xi32>
      %eq3A_183 = vector.broadcast %get3A_173 : vector<1x512xi32> to vector<512x512xi32>
      %eq3A_184 = arith.cmpi eq, %eq3A_182, %eq3A_183 : vector<512x512xi32>
      %lt3A_185 = vector.broadcast %select_n3A_181 : vector<1x512xf32> to vector<512x512xf32>
      %lt3A_186 = vector.broadcast %select_n3A : vector<512x1xf32> to vector<512x512xf32>
      %lt3A_187 = arith.cmpf olt, %lt3A_185, %lt3A_186 : vector<512x512xf32>
      %eq3A_188 = vector.broadcast %select_n3A_181 : vector<1x512xf32> to vector<512x512xf32>
      %eq3A_189 = vector.broadcast %select_n3A : vector<512x1xf32> to vector<512x512xf32>
      %eq3A_190 = arith.cmpf oeq, %eq3A_188, %eq3A_189 : vector<512x512xf32>
      %lt3A_191 = vector.broadcast %get3A_168 : vector<1x512xf32> to vector<512x512xf32>
      %lt3A_192 = vector.broadcast %get3A_14 : vector<512x1xf32> to vector<512x512xf32>
      %lt3A_193 = arith.cmpf olt, %lt3A_191, %lt3A_192 : vector<512x512xf32>
      %and3A_194 = arith.andi %eq3A_190, %lt3A_193 : vector<512x512xi1>
      %or3A = arith.ori %lt3A_187, %and3A_194 : vector<512x512xi1>
      %and3A_195 = arith.andi %eq3A_184, %or3A : vector<512x512xi1>
      %jit3A_196 = arith.constant 1.000000e+00 : f32
      %jit3A_197 = arith.constant 0.000000e+00 : f32
      %broadcast_in_dim3A_198 = vector.broadcast %jit3A_196 : f32 to vector<512x512xf32>
      %broadcast_in_dim3A_199 = vector.broadcast %jit3A_197 : f32 to vector<512x512xf32>
      %select_n3A_200 = arith.select %and3A_195, %broadcast_in_dim3A_198, %broadcast_in_dim3A_199 : vector<512x512xi1>, vector<512x512xf32>
      %reduce_sum3A_201 = arith.constant dense<0.000000e+00> : vector<512xf32>
      %reduce_sum3A_202 = vector.multi_reduction <add>, %select_n3A_200, %reduce_sum3A_201 [1] : vector<512x512xf32> to vector<512xf32>
      %broadcast_in_dim3A_203 = vector.shape_cast %reduce_sum3A_202 : vector<512xf32> to vector<512x1xf32>
      %add3A_204 = arith.addf %while3A_153, %broadcast_in_dim3A_203 : vector<512x1xf32>
      scf.yield %add3A_204 : vector<512x1xf32>
    }
    %while3A_67 = arith.constant 1 : i32
    %while3A_68 = scf.for %while3A_152 = %while3A_64 to %while3A_60 step %while3A_67 iter_args(%while3A_153 = %while3A_66) -> (vector<512x1xf32>)  : i32 {
      %mul3A_154 = arith.constant 512 : i32
      %mul3A_155 = arith.muli %while3A_152, %mul3A_154 : i32
      %get3A_156 = arith.constant 0 : index
      %get3A_157 = arith.index_cast %mul3A_155 : i32 to index
      %get3A_158 = vector.load %arg6[%get3A_156, %get3A_157] : memref<1x10240xf32, #tpu.memory_space<vmem>>, vector<1x512xf32>
      %mul3A_159 = arith.constant 512 : i32
      %mul3A_160 = arith.muli %while3A_152, %mul3A_159 : i32
      %get3A_161 = arith.constant 0 : index
      %get3A_162 = arith.index_cast %mul3A_160 : i32 to index
      %get3A_163 = vector.load %arg7[%get3A_161, %get3A_162] : memref<1x10240xf32, #tpu.memory_space<vmem>>, vector<1x512xf32>
      %mul3A_164 = arith.constant 512 : i32
      %mul3A_165 = arith.muli %while3A_152, %mul3A_164 : i32
      %get3A_166 = arith.constant 0 : index
      %get3A_167 = arith.index_cast %mul3A_165 : i32 to index
      %get3A_168 = vector.load %arg8[%get3A_166, %get3A_167] : memref<1x10240xf32, #tpu.memory_space<vmem>>, vector<1x512xf32>
      %mul3A_169 = arith.constant 512 : i32
      %mul3A_170 = arith.muli %while3A_152, %mul3A_169 : i32
      %get3A_171 = arith.constant 0 : index
      %get3A_172 = arith.index_cast %mul3A_170 : i32 to index
      %get3A_173 = vector.load %arg9[%get3A_171, %get3A_172] : memref<1x10240xi32, #tpu.memory_space<vmem>>, vector<1x512xi32>
      %gt3A_174 = arith.constant 0.000000e+00 : f32
      %gt3A_175 = vector.broadcast %gt3A_174 : f32 to vector<1x512xf32>
      %gt3A_176 = arith.cmpf ogt, %get3A_163, %gt3A_175 : vector<1x512xf32>
      %neg3A_177 = arith.constant 0.000000e+00 : f32
      %neg3A_178 = vector.broadcast %neg3A_177 : f32 to vector<1x512xf32>
      %neg3A_179 = arith.subf %neg3A_178, %get3A_158 : vector<1x512xf32>
      %broadcast_in_dim3A_180 = vector.broadcast %while3A : f32 to vector<1x512xf32>
      %select_n3A_181 = arith.select %gt3A_176, %neg3A_179, %broadcast_in_dim3A_180 : vector<1x512xi1>, vector<1x512xf32>
      %eq3A_182 = vector.broadcast %get3A_17 : vector<512x1xi32> to vector<512x512xi32>
      %eq3A_183 = vector.broadcast %get3A_173 : vector<1x512xi32> to vector<512x512xi32>
      %eq3A_184 = arith.cmpi eq, %eq3A_182, %eq3A_183 : vector<512x512xi32>
      %lt3A_185 = vector.broadcast %select_n3A_181 : vector<1x512xf32> to vector<512x512xf32>
      %lt3A_186 = vector.broadcast %select_n3A : vector<512x1xf32> to vector<512x512xf32>
      %lt3A_187 = arith.cmpf olt, %lt3A_185, %lt3A_186 : vector<512x512xf32>
      %eq3A_188 = vector.broadcast %select_n3A_181 : vector<1x512xf32> to vector<512x512xf32>
      %eq3A_189 = vector.broadcast %select_n3A : vector<512x1xf32> to vector<512x512xf32>
      %eq3A_190 = arith.cmpf oeq, %eq3A_188, %eq3A_189 : vector<512x512xf32>
      %lt3A_191 = vector.broadcast %get3A_168 : vector<1x512xf32> to vector<512x512xf32>
      %lt3A_192 = vector.broadcast %get3A_14 : vector<512x1xf32> to vector<512x512xf32>
      %lt3A_193 = arith.cmpf olt, %lt3A_191, %lt3A_192 : vector<512x512xf32>
      %and3A_194 = arith.andi %eq3A_190, %lt3A_193 : vector<512x512xi1>
      %or3A = arith.ori %lt3A_187, %and3A_194 : vector<512x512xi1>
      %and3A_195 = arith.andi %eq3A_184, %or3A : vector<512x512xi1>
      %jit3A_196 = arith.constant 1.000000e+00 : f32
      %jit3A_197 = arith.constant 0.000000e+00 : f32
      %broadcast_in_dim3A_198 = vector.broadcast %jit3A_196 : f32 to vector<512x512xf32>
      %broadcast_in_dim3A_199 = vector.broadcast %jit3A_197 : f32 to vector<512x512xf32>
      %select_n3A_200 = arith.select %and3A_195, %broadcast_in_dim3A_198, %broadcast_in_dim3A_199 : vector<512x512xi1>, vector<512x512xf32>
      %reduce_sum3A_201 = arith.constant dense<0.000000e+00> : vector<512xf32>
      %reduce_sum3A_202 = vector.multi_reduction <add>, %select_n3A_200, %reduce_sum3A_201 [1] : vector<512x512xf32> to vector<512xf32>
      %broadcast_in_dim3A_203 = vector.shape_cast %reduce_sum3A_202 : vector<512xf32> to vector<512x1xf32>
      %add3A_204 = arith.addf %while3A_153, %broadcast_in_dim3A_203 : vector<512x1xf32>
      scf.yield %add3A_204 : vector<512x1xf32>
    }
    %get3A_69 = arith.constant 0 : index
    %get3A_70 = arith.constant 0 : index
    %get3A_71 = vector.load %arg5[%get3A_69, %get3A_70] : memref<512x1xf32, #tpu.memory_space<vmem>>, vector<512x1xf32>
    %mul3A = arith.constant 8.000000e-01 : f32
    %mul3A_72 = vector.broadcast %mul3A : f32 to vector<512x1xf32>
    %mul3A_73 = arith.mulf %mul3A_72, %get3A_71 : vector<512x1xf32>
    %ceil3A = math.ceil %mul3A_73 : vector<512x1xf32>
    %lt3A_74 = arith.cmpf olt, %while3A_68, %ceil3A : vector<512x1xf32>
    %jit3A_75 = arith.constant 1.000000e+00 : f32
    %jit3A_76 = arith.constant 0.000000e+00 : f32
    %broadcast_in_dim3A_77 = vector.broadcast %jit3A_75 : f32 to vector<512x1xf32>
    %broadcast_in_dim3A_78 = vector.broadcast %jit3A_76 : f32 to vector<512x1xf32>
    %select_n3A_79 = arith.select %lt3A_74, %broadcast_in_dim3A_77, %broadcast_in_dim3A_78 : vector<512x1xi1>, vector<512x1xf32>
    %mul3A_80 = arith.mulf %get3A_4, %select_n3A_79 : vector<512x1xf32>
    %get3A_81 = arith.constant 0 : index
    %get3A_82 = arith.constant 0 : index
    %get3A_83 = vector.load %arg12[%get3A_81, %get3A_82] : memref<512x128xf32, #tpu.memory_space<vmem>>, vector<512x128xf32>
    %get3A_84 = arith.constant 0 : index
    %get3A_85 = arith.constant 0 : index
    %get3A_86 = vector.load %arg13[%get3A_84, %get3A_85] : memref<512x128xf32, #tpu.memory_space<vmem>>, vector<512x128xf32>
    %mul3A_87 = vector.broadcast %mul3A_80 : vector<512x1xf32> to vector<512x128xf32>
    %mul3A_88 = arith.mulf %get3A_86, %mul3A_87 : vector<512x128xf32>
    %get3A_89 = arith.constant 0 : index
    %get3A_90 = arith.constant 0 : index
    %get3A_91 = vector.load %arg14[%get3A_89, %get3A_90] : memref<1x512xi32, #tpu.memory_space<vmem>>, vector<1x512xi32>
    %iota3A_92 = tpu.iota {dimensions = array<i32: 0>} : vector<64x512xi32>
    %eq3A_93 = vector.broadcast %get3A_91 : vector<1x512xi32> to vector<64x512xi32>
    %eq3A_94 = arith.cmpi eq, %eq3A_93, %iota3A_92 : vector<64x512xi32>
    %jit3A_95 = arith.constant 1.000000e+00 : f32
    %jit3A_96 = arith.constant 0.000000e+00 : f32
    %broadcast_in_dim3A_97 = vector.broadcast %jit3A_95 : f32 to vector<64x512xf32>
    %broadcast_in_dim3A_98 = vector.broadcast %jit3A_96 : f32 to vector<64x512xf32>
    %select_n3A_99 = arith.select %eq3A_94, %broadcast_in_dim3A_97, %broadcast_in_dim3A_98 : vector<64x512xi1>, vector<64x512xf32>
    %get3A_100 = arith.constant 0 : index
    %get3A_101 = arith.constant 0 : index
    %get3A_102 = vector.load %arg21[%get3A_100, %get3A_101] : memref<64x128xf32, #tpu.memory_space<vmem>>, vector<64x128xf32>
    %dot_general3A = arith.constant dense<0.000000e+00> : vector<64x128xf32>
    %dot_general3A_103 = tpu.matmul %select_n3A_99, %get3A_83, %dot_general3A {dimension_numbers = #tpu.dot_dimension_numbers<[1], [0], [0], [1], [0, 0, 1, 1], [], []>, transpose_lhs_hint = false} : vector<64x512xf32>, vector<512x128xf32>, vector<64x128xf32> -> vector<64x128xf32>
    %add3A = arith.addf %get3A_102, %dot_general3A_103 : vector<64x128xf32>
    %swap3A = arith.constant 0 : index
    %swap3A_104 = arith.constant 0 : index
    %swap3A_105 = vector.load %arg21[%swap3A, %swap3A_104] : memref<64x128xf32, #tpu.memory_space<vmem>>, vector<64x128xf32>
    tpu.vector_store %arg21[%swap3A, %swap3A_104], %add3A {strides = array<i32>} : memref<64x128xf32, #tpu.memory_space<vmem>>, vector<64x128xf32>,
    %get3A_106 = arith.constant 0 : index
    %get3A_107 = arith.constant 0 : index
    %get3A_108 = vector.load %arg22[%get3A_106, %get3A_107] : memref<64x128xf32, #tpu.memory_space<vmem>>, vector<64x128xf32>
    %dot_general3A_109 = arith.constant dense<0.000000e+00> : vector<64x128xf32>
    %dot_general3A_110 = tpu.matmul %select_n3A_99, %mul3A_88, %dot_general3A_109 {dimension_numbers = #tpu.dot_dimension_numbers<[1], [0], [0], [1], [0, 0, 1, 1], [], []>, transpose_lhs_hint = false} : vector<64x512xf32>, vector<512x128xf32>, vector<64x128xf32> -> vector<64x128xf32>
    %add3A_111 = arith.addf %get3A_108, %dot_general3A_110 : vector<64x128xf32>
    %swap3A_112 = arith.constant 0 : index
    %swap3A_113 = arith.constant 0 : index
    %swap3A_114 = vector.load %arg22[%swap3A_112, %swap3A_113] : memref<64x128xf32, #tpu.memory_space<vmem>>, vector<64x128xf32>
    tpu.vector_store %arg22[%swap3A_112, %swap3A_113], %add3A_111 {strides = array<i32>} : memref<64x128xf32, #tpu.memory_space<vmem>>, vector<64x128xf32>,
    %get3A_115 = arith.constant 0 : index
    %get3A_116 = arith.constant 0 : index
    %get3A_117 = vector.load %arg25[%get3A_115, %get3A_116] : memref<64x128xf32, #tpu.memory_space<vmem>>, vector<64x128xf32>
    %reduce_sum3A_118 = arith.constant dense<0.000000e+00> : vector<64xf32>
    %reduce_sum3A_119 = vector.multi_reduction <add>, %select_n3A_99, %reduce_sum3A_118 [1] : vector<64x512xf32> to vector<64xf32>
    %broadcast_in_dim3A_120 = vector.shape_cast %reduce_sum3A_119 : vector<64xf32> to vector<64x1xf32>
    %add3A_121 = vector.broadcast %broadcast_in_dim3A_120 : vector<64x1xf32> to vector<64x128xf32>
    %add3A_122 = arith.addf %get3A_117, %add3A_121 : vector<64x128xf32>
    %swap3A_123 = arith.constant 0 : index
    %swap3A_124 = arith.constant 0 : index
    %swap3A_125 = vector.load %arg25[%swap3A_123, %swap3A_124] : memref<64x128xf32, #tpu.memory_space<vmem>>, vector<64x128xf32>
    tpu.vector_store %arg25[%swap3A_123, %swap3A_124], %add3A_122 {strides = array<i32>} : memref<64x128xf32, #tpu.memory_space<vmem>>, vector<64x128xf32>,
    %get3A_126 = arith.constant 0 : index
    %get3A_127 = arith.constant 0 : index
    %get3A_128 = vector.load %arg4[%get3A_126, %get3A_127] : memref<512x1xi32, #tpu.memory_space<vmem>>, vector<1x1xi32>
    %get3A_129 = vector.extract %get3A_128[0, 0] : i32 from vector<1x1xi32>
    %get3A_130 = arith.constant 511 : index
    %get3A_131 = arith.constant 0 : index
    %get3A_132 = vector.load %arg4[%get3A_130, %get3A_131] : memref<512x1xi32, #tpu.memory_space<vmem>>, vector<1x1xi32>
    %get3A_133 = vector.extract %get3A_132[0, 0] : i32 from vector<1x1xi32>
    %min3A = arith.constant 63 : i32
    %min3A_134 = arith.minsi %get3A_133, %min3A : i32
    %add3A_135 = arith.constant 1 : i32
    %add3A_136 = arith.addi %min3A_134, %add3A_135 : i32
    %while3A_137 = arith.constant 0 : i32
    %while3A_138 = arith.constant -3.000000e+38 : f32
    %while3A_139 = arith.subi %add3A_136, %get3A_129 : i32
    %while3A_140 = arith.addi %get3A_129, %while3A_139 : i32
    %while3A_141 = arith.constant 1 : i32
    %while3A_142 = arith.divsi %while3A_139, %while3A_141 : i32
    %while3A_143 = arith.muli %while3A_142, %while3A_141 : i32
    %while3A_144 = arith.addi %get3A_129, %while3A_143 : i32
    %while3A_145 = arith.constant 1 : i32
    scf.for %while3A_152 = %get3A_129 to %while3A_144 step %while3A_145  : i32 {
      %eq3A_153 = vector.broadcast %while3A_152 : i32 to vector<512x1xi32>
      %eq3A_154 = arith.cmpi eq, %get3A_17, %eq3A_153 : vector<512x1xi32>
      %gt3A_155 = arith.constant 0.000000e+00 : f32
      %gt3A_156 = vector.broadcast %gt3A_155 : f32 to vector<512x1xf32>
      %gt3A_157 = arith.cmpf ogt, %get3A_4, %gt3A_156 : vector<512x1xf32>
      %and3A_158 = arith.andi %eq3A_154, %gt3A_157 : vector<512x1xi1>
      %eq3A_159 = vector.broadcast %while3A_152 : i32 to vector<512x1xi32>
      %eq3A_160 = arith.cmpi eq, %get3A_17, %eq3A_159 : vector<512x1xi32>
      %gt3A_161 = arith.constant 0.000000e+00 : f32
      %gt3A_162 = vector.broadcast %gt3A_161 : f32 to vector<512x1xf32>
      %gt3A_163 = arith.cmpf ogt, %mul3A_80, %gt3A_162 : vector<512x1xf32>
      %and3A_164 = arith.andi %eq3A_160, %gt3A_163 : vector<512x1xi1>
      %broadcast_in_dim3A_165 = vector.shape_cast %and3A_158 : vector<512x1xi1> to vector<512x1xi1>
      %broadcast_in_dim3A_166 = vector.broadcast %broadcast_in_dim3A_165 : vector<512x1xi1> to vector<512x128xi1>
      %broadcast_in_dim3A_167 = vector.broadcast %while3A_138 : f32 to vector<512x128xf32>
      %select_n3A_168 = arith.select %broadcast_in_dim3A_166, %get3A_83, %broadcast_in_dim3A_167 : vector<512x128xi1>, vector<512x128xf32>
      %reduce_max3A = arith.constant dense<0xFF800000> : vector<128xf32>
      %reduce_max3A_169 = vector.multi_reduction <maximumf>, %select_n3A_168, %reduce_max3A [0] : vector<512x128xf32> to vector<128xf32>
      %broadcast_in_dim3A_170 = vector.shape_cast %reduce_max3A_169 : vector<128xf32> to vector<1x128xf32>
      %broadcast_in_dim3A_171 = vector.shape_cast %and3A_164 : vector<512x1xi1> to vector<512x1xi1>
      %broadcast_in_dim3A_172 = vector.broadcast %broadcast_in_dim3A_171 : vector<512x1xi1> to vector<512x128xi1>
      %broadcast_in_dim3A_173 = vector.broadcast %while3A_138 : f32 to vector<512x128xf32>
      %select_n3A_174 = arith.select %broadcast_in_dim3A_172, %mul3A_88, %broadcast_in_dim3A_173 : vector<512x128xi1>, vector<512x128xf32>
      %reduce_max3A_175 = arith.constant dense<0xFF800000> : vector<128xf32>
      %reduce_max3A_176 = vector.multi_reduction <maximumf>, %select_n3A_174, %reduce_max3A_175 [0] : vector<512x128xf32> to vector<128xf32>
      %broadcast_in_dim3A_177 = vector.shape_cast %reduce_max3A_176 : vector<128xf32> to vector<1x128xf32>
      %get3A_178 = arith.index_cast %while3A_152 : i32 to index
      %get3A_179 = arith.constant 0 : index
      %get3A_180 = vector.load %arg23[%get3A_178, %get3A_179] : memref<64x128xf32, #tpu.memory_space<vmem>>, vector<1x128xf32>
      %max3A = arith.maximumf %get3A_180, %broadcast_in_dim3A_170 : vector<1x128xf32>
      %swap3A_181 = arith.index_cast %while3A_152 : i32 to index
      %swap3A_182 = arith.constant 0 : index
      %swap3A_183 = vector.load %arg23[%swap3A_181, %swap3A_182] : memref<64x128xf32, #tpu.memory_space<vmem>>, vector<1x128xf32>
      tpu.vector_store %arg23[%swap3A_181, %swap3A_182], %max3A {strides = array<i32>} : memref<64x128xf32, #tpu.memory_space<vmem>>, vector<1x128xf32>,
      %get3A_184 = arith.index_cast %while3A_152 : i32 to index
      %get3A_185 = arith.constant 0 : index
      %get3A_186 = vector.load %arg24[%get3A_184, %get3A_185] : memref<64x128xf32, #tpu.memory_space<vmem>>, vector<1x128xf32>
      %max3A_187 = arith.maximumf %get3A_186, %broadcast_in_dim3A_177 : vector<1x128xf32>
      %swap3A_188 = arith.index_cast %while3A_152 : i32 to index
      %swap3A_189 = arith.constant 0 : index
      %swap3A_190 = vector.load %arg24[%swap3A_188, %swap3A_189] : memref<64x128xf32, #tpu.memory_space<vmem>>, vector<1x128xf32>
      tpu.vector_store %arg24[%swap3A_188, %swap3A_189], %max3A_187 {strides = array<i32>} : memref<64x128xf32, #tpu.memory_space<vmem>>, vector<1x128xf32>,
    }
    %while3A_146 = arith.constant 1 : i32
    scf.for %while3A_152 = %while3A_144 to %while3A_140 step %while3A_146  : i32 {
      %eq3A_153 = vector.broadcast %while3A_152 : i32 to vector<512x1xi32>
      %eq3A_154 = arith.cmpi eq, %get3A_17, %eq3A_153 : vector<512x1xi32>
      %gt3A_155 = arith.constant 0.000000e+00 : f32
      %gt3A_156 = vector.broadcast %gt3A_155 : f32 to vector<512x1xf32>
      %gt3A_157 = arith.cmpf ogt, %get3A_4, %gt3A_156 : vector<512x1xf32>
      %and3A_158 = arith.andi %eq3A_154, %gt3A_157 : vector<512x1xi1>
      %eq3A_159 = vector.broadcast %while3A_152 : i32 to vector<512x1xi32>
      %eq3A_160 = arith.cmpi eq, %get3A_17, %eq3A_159 : vector<512x1xi32>
      %gt3A_161 = arith.constant 0.000000e+00 : f32
      %gt3A_162 = vector.broadcast %gt3A_161 : f32 to vector<512x1xf32>
      %gt3A_163 = arith.cmpf ogt, %mul3A_80, %gt3A_162 : vector<512x1xf32>
      %and3A_164 = arith.andi %eq3A_160, %gt3A_163 : vector<512x1xi1>
      %broadcast_in_dim3A_165 = vector.shape_cast %and3A_158 : vector<512x1xi1> to vector<512x1xi1>
      %broadcast_in_dim3A_166 = vector.broadcast %broadcast_in_dim3A_165 : vector<512x1xi1> to vector<512x128xi1>
      %broadcast_in_dim3A_167 = vector.broadcast %while3A_138 : f32 to vector<512x128xf32>
      %select_n3A_168 = arith.select %broadcast_in_dim3A_166, %get3A_83, %broadcast_in_dim3A_167 : vector<512x128xi1>, vector<512x128xf32>
      %reduce_max3A = arith.constant dense<0xFF800000> : vector<128xf32>
      %reduce_max3A_169 = vector.multi_reduction <maximumf>, %select_n3A_168, %reduce_max3A [0] : vector<512x128xf32> to vector<128xf32>
      %broadcast_in_dim3A_170 = vector.shape_cast %reduce_max3A_169 : vector<128xf32> to vector<1x128xf32>
      %broadcast_in_dim3A_171 = vector.shape_cast %and3A_164 : vector<512x1xi1> to vector<512x1xi1>
      %broadcast_in_dim3A_172 = vector.broadcast %broadcast_in_dim3A_171 : vector<512x1xi1> to vector<512x128xi1>
      %broadcast_in_dim3A_173 = vector.broadcast %while3A_138 : f32 to vector<512x128xf32>
      %select_n3A_174 = arith.select %broadcast_in_dim3A_172, %mul3A_88, %broadcast_in_dim3A_173 : vector<512x128xi1>, vector<512x128xf32>
      %reduce_max3A_175 = arith.constant dense<0xFF800000> : vector<128xf32>
      %reduce_max3A_176 = vector.multi_reduction <maximumf>, %select_n3A_174, %reduce_max3A_175 [0] : vector<512x128xf32> to vector<128xf32>
      %broadcast_in_dim3A_177 = vector.shape_cast %reduce_max3A_176 : vector<128xf32> to vector<1x128xf32>
      %get3A_178 = arith.index_cast %while3A_152 : i32 to index
      %get3A_179 = arith.constant 0 : index
      %get3A_180 = vector.load %arg23[%get3A_178, %get3A_179] : memref<64x128xf32, #tpu.memory_space<vmem>>, vector<1x128xf32>
      %max3A = arith.maximumf %get3A_180, %broadcast_in_dim3A_170 : vector<1x128xf32>
      %swap3A_181 = arith.index_cast %while3A_152 : i32 to index
      %swap3A_182 = arith.constant 0 : index
      %swap3A_183 = vector.load %arg23[%swap3A_181, %swap3A_182] : memref<64x128xf32, #tpu.memory_space<vmem>>, vector<1x128xf32>
      tpu.vector_store %arg23[%swap3A_181, %swap3A_182], %max3A {strides = array<i32>} : memref<64x128xf32, #tpu.memory_space<vmem>>, vector<1x128xf32>,
      %get3A_184 = arith.index_cast %while3A_152 : i32 to index
      %get3A_185 = arith.constant 0 : index
      %get3A_186 = vector.load %arg24[%get3A_184, %get3A_185] : memref<64x128xf32, #tpu.memory_space<vmem>>, vector<1x128xf32>
      %max3A_187 = arith.maximumf %get3A_186, %broadcast_in_dim3A_177 : vector<1x128xf32>
      %swap3A_188 = arith.index_cast %while3A_152 : i32 to index
      %swap3A_189 = arith.constant 0 : index
      %swap3A_190 = vector.load %arg24[%swap3A_188, %swap3A_189] : memref<64x128xf32, #tpu.memory_space<vmem>>, vector<1x128xf32>
      tpu.vector_store %arg24[%swap3A_188, %swap3A_189], %max3A_187 {strides = array<i32>} : memref<64x128xf32, #tpu.memory_space<vmem>>, vector<1x128xf32>,
    }
    %eq3A_147 = arith.constant 19 : i32
    %eq3A_148 = arith.cmpi eq, %arg0, %eq3A_147 : i32
    %convert_element_type3A_149 = arith.extui %eq3A_148 : i1 to i32
    %cond3A_150 = arith.constant 0 : i32
    %cond3A_151 = arith.cmpi ne, %convert_element_type3A_149, %cond3A_150 : i32
    scf.if %cond3A_151 {
      %get3A_152 = arith.constant 0 : index
      %get3A_153 = arith.constant 0 : index
      %get3A_154 = vector.load %arg25[%get3A_152, %get3A_153] : memref<64x128xf32, #tpu.memory_space<vmem>>, vector<64x1xf32>
      %mul3A_155 = arith.constant 8.000000e-01 : f32
      %mul3A_156 = vector.broadcast %mul3A_155 : f32 to vector<64x1xf32>
      %mul3A_157 = arith.mulf %mul3A_156, %get3A_154 : vector<64x1xf32>
      %ceil3A_158 = math.ceil %mul3A_157 : vector<64x1xf32>
      %mul3A_159 = arith.constant 8.000000e-01 : f32
      %mul3A_160 = vector.broadcast %mul3A_159 : f32 to vector<64x1xf32>
      %mul3A_161 = arith.mulf %mul3A_160, %ceil3A_158 : vector<64x1xf32>
      %ceil3A_162 = math.ceil %mul3A_161 : vector<64x1xf32>
      %get3A_163 = arith.constant 0 : index
      %get3A_164 = arith.constant 0 : index
      %get3A_165 = vector.load %arg21[%get3A_163, %get3A_164] : memref<64x128xf32, #tpu.memory_space<vmem>>, vector<64x128xf32>
      %max3A = arith.constant 1.000000e+00 : f32
      %max3A_166 = vector.broadcast %max3A : f32 to vector<64x1xf32>
      %max3A_167 = arith.maximumf %ceil3A_158, %max3A_166 : vector<64x1xf32>
      %div3A = vector.broadcast %max3A_167 : vector<64x1xf32> to vector<64x128xf32>
      %div3A_168 = arith.divf %get3A_165, %div3A : vector<64x128xf32>
      %get3A_169 = arith.constant 0 : index
      %get3A_170 = arith.constant 0 : index
      %get3A_171 = vector.load %arg22[%get3A_169, %get3A_170] : memref<64x128xf32, #tpu.memory_space<vmem>>, vector<64x128xf32>
      %max3A_172 = arith.constant 1.000000e+00 : f32
      %max3A_173 = vector.broadcast %max3A_172 : f32 to vector<64x1xf32>
      %max3A_174 = arith.maximumf %ceil3A_162, %max3A_173 : vector<64x1xf32>
      %div3A_175 = vector.broadcast %max3A_174 : vector<64x1xf32> to vector<64x128xf32>
      %div3A_176 = arith.divf %get3A_171, %div3A_175 : vector<64x128xf32>
      %gt3A_177 = arith.constant 0.000000e+00 : f32
      %gt3A_178 = vector.broadcast %gt3A_177 : f32 to vector<64x1xf32>
      %gt3A_179 = arith.cmpf ogt, %ceil3A_158, %gt3A_178 : vector<64x1xf32>
      %get3A_180 = arith.constant 0 : index
      %get3A_181 = arith.constant 0 : index
      %get3A_182 = vector.load %arg23[%get3A_180, %get3A_181] : memref<64x128xf32, #tpu.memory_space<vmem>>, vector<64x128xf32>
      %jit3A_183 = arith.constant 0.000000e+00 : f32
      %broadcast_in_dim3A_184 = vector.shape_cast %gt3A_179 : vector<64x1xi1> to vector<64x1xi1>
      %broadcast_in_dim3A_185 = vector.broadcast %broadcast_in_dim3A_184 : vector<64x1xi1> to vector<64x128xi1>
      %broadcast_in_dim3A_186 = vector.broadcast %jit3A_183 : f32 to vector<64x128xf32>
      %select_n3A_187 = arith.select %broadcast_in_dim3A_185, %get3A_182, %broadcast_in_dim3A_186 : vector<64x128xi1>, vector<64x128xf32>
      %gt3A_188 = arith.constant 0.000000e+00 : f32
      %gt3A_189 = vector.broadcast %gt3A_188 : f32 to vector<64x1xf32>
      %gt3A_190 = arith.cmpf ogt, %ceil3A_162, %gt3A_189 : vector<64x1xf32>
      %get3A_191 = arith.constant 0 : index
      %get3A_192 = arith.constant 0 : index
      %get3A_193 = vector.load %arg24[%get3A_191, %get3A_192] : memref<64x128xf32, #tpu.memory_space<vmem>>, vector<64x128xf32>
      %jit3A_194 = arith.constant 0.000000e+00 : f32
      %broadcast_in_dim3A_195 = vector.shape_cast %gt3A_190 : vector<64x1xi1> to vector<64x1xi1>
      %broadcast_in_dim3A_196 = vector.broadcast %broadcast_in_dim3A_195 : vector<64x1xi1> to vector<64x128xi1>
      %broadcast_in_dim3A_197 = vector.broadcast %jit3A_194 : f32 to vector<64x128xf32>
      %select_n3A_198 = arith.select %broadcast_in_dim3A_196, %get3A_193, %broadcast_in_dim3A_197 : vector<64x128xi1>, vector<64x128xf32>
      %add3A_199 = arith.addf %div3A_168, %div3A_176 : vector<64x128xf32>
      %add3A_200 = arith.addf %select_n3A_187, %select_n3A_198 : vector<64x128xf32>
      %get3A_201 = arith.constant 0 : index
      %get3A_202 = arith.constant 0 : index
      %get3A_203 = vector.load %arg15[%get3A_201, %get3A_202] : memref<128x32xf32, #tpu.memory_space<vmem>>, vector<128x32xf32>
      %dot_general3A_204 = arith.constant dense<0.000000e+00> : vector<64x32xf32>
      %dot_general3A_205 = tpu.matmul %add3A_199, %get3A_203, %dot_general3A_204 {dimension_numbers = #tpu.dot_dimension_numbers<[1], [0], [0], [1], [0, 0, 1, 1], [], []>, transpose_lhs_hint = false} : vector<64x128xf32>, vector<128x32xf32>, vector<64x32xf32> -> vector<64x32xf32>
      %get3A_206 = arith.constant 0 : index
      %get3A_207 = arith.constant 0 : index
      %get3A_208 = vector.load %arg16[%get3A_206, %get3A_207] : memref<128x32xf32, #tpu.memory_space<vmem>>, vector<128x32xf32>
      %dot_general3A_209 = arith.constant dense<0.000000e+00> : vector<64x32xf32>
      %dot_general3A_210 = tpu.matmul %add3A_200, %get3A_208, %dot_general3A_209 {dimension_numbers = #tpu.dot_dimension_numbers<[1], [0], [0], [1], [0, 0, 1, 1], [], []>, transpose_lhs_hint = false} : vector<64x128xf32>, vector<128x32xf32>, vector<64x32xf32> -> vector<64x32xf32>
      %add3A_211 = arith.addf %dot_general3A_205, %dot_general3A_210 : vector<64x32xf32>
      %get3A_212 = arith.constant 0 : index
      %get3A_213 = arith.constant 0 : index
      %get3A_214 = vector.load %arg17[%get3A_212, %get3A_213] : memref<1x32xf32, #tpu.memory_space<vmem>>, vector<1x32xf32>
      %add3A_215 = vector.broadcast %get3A_214 : vector<1x32xf32> to vector<64x32xf32>
      %add3A_216 = arith.addf %add3A_211, %add3A_215 : vector<64x32xf32>
      %max3A_217 = arith.constant 0.000000e+00 : f32
      %max3A_218 = vector.broadcast %max3A_217 : f32 to vector<64x32xf32>
      %max3A_219 = arith.maximumf %add3A_216, %max3A_218 : vector<64x32xf32>
      %get3A_220 = arith.constant 0 : index
      %get3A_221 = arith.constant 0 : index
      %get3A_222 = vector.load %arg18[%get3A_220, %get3A_221] : memref<32x128xf32, #tpu.memory_space<vmem>>, vector<32x128xf32>
      %dot_general3A_223 = arith.constant dense<0.000000e+00> : vector<64x128xf32>
      %dot_general3A_224 = tpu.matmul %max3A_219, %get3A_222, %dot_general3A_223 {dimension_numbers = #tpu.dot_dimension_numbers<[1], [0], [0], [1], [0, 0, 1, 1], [], []>, transpose_lhs_hint = false} : vector<64x32xf32>, vector<32x128xf32>, vector<64x128xf32> -> vector<64x128xf32>
      %get3A_225 = arith.constant 0 : index
      %get3A_226 = arith.constant 0 : index
      %get3A_227 = vector.load %arg19[%get3A_225, %get3A_226] : memref<1x128xf32, #tpu.memory_space<vmem>>, vector<1x128xf32>
      %add3A_228 = vector.broadcast %get3A_227 : vector<1x128xf32> to vector<64x128xf32>
      %add3A_229 = arith.addf %dot_general3A_224, %add3A_228 : vector<64x128xf32>
      %max3A_230 = arith.constant 0.000000e+00 : f32
      %max3A_231 = vector.broadcast %max3A_230 : f32 to vector<64x128xf32>
      %max3A_232 = arith.maximumf %add3A_229, %max3A_231 : vector<64x128xf32>
      %swap3A_233 = arith.constant 0 : index
      %swap3A_234 = arith.constant 0 : index
      %swap3A_235 = vector.load %arg20[%swap3A_233, %swap3A_234] : memref<64x128xf32, #tpu.memory_space<vmem>>, vector<64x128xf32>
      tpu.vector_store %arg20[%swap3A_233, %swap3A_234], %max3A_232 {strides = array<i32>} : memref<64x128xf32, #tpu.memory_space<vmem>>, vector<64x128xf32>,
    } else {
    }
    return
  }
  func.func @transform_0(%arg0: i32) -> (i32, i32) {
    %c0_i32 = arith.constant 0 : i32
    %c0_i32_0 = arith.constant 0 : i32
    return %arg0, %c0_i32 : i32, i32
  }
  func.func @transform_1(%arg0: i32) -> (i32, i32) {
    %c0_i32 = arith.constant 0 : i32
    %c0_i32_0 = arith.constant 0 : i32
    return %arg0, %c0_i32 : i32, i32
  }
  func.func @transform_2(%arg0: i32) -> (i32, i32) {
    %c0_i32 = arith.constant 0 : i32
    %c0_i32_0 = arith.constant 0 : i32
    return %arg0, %c0_i32 : i32, i32
  }
  func.func @transform_3(%arg0: i32) -> (i32, i32) {
    %c0_i32 = arith.constant 0 : i32
    %c0_i32_0 = arith.constant 0 : i32
    return %arg0, %c0_i32 : i32, i32
  }
  func.func @transform_4(%arg0: i32) -> (i32, i32) {
    %c0_i32 = arith.constant 0 : i32
    %c0_i32_0 = arith.constant 0 : i32
    return %arg0, %c0_i32 : i32, i32
  }
  func.func @transform_5(%arg0: i32) -> (i32, i32) {
    %c0_i32 = arith.constant 0 : i32
    %c0_i32_0 = arith.constant 0 : i32
    %c0_i32_1 = arith.constant 0 : i32
    return %c0_i32, %c0_i32_0 : i32, i32
  }
  func.func @transform_6(%arg0: i32) -> (i32, i32) {
    %c0_i32 = arith.constant 0 : i32
    %c0_i32_0 = arith.constant 0 : i32
    %c0_i32_1 = arith.constant 0 : i32
    return %c0_i32, %c0_i32_0 : i32, i32
  }
  func.func @transform_7(%arg0: i32) -> (i32, i32) {
    %c0_i32 = arith.constant 0 : i32
    %c0_i32_0 = arith.constant 0 : i32
    %c0_i32_1 = arith.constant 0 : i32
    return %c0_i32, %c0_i32_0 : i32, i32
  }
  func.func @transform_8(%arg0: i32) -> (i32, i32) {
    %c0_i32 = arith.constant 0 : i32
    %c0_i32_0 = arith.constant 0 : i32
    %c0_i32_1 = arith.constant 0 : i32
    return %c0_i32, %c0_i32_0 : i32, i32
  }
  func.func @transform_9(%arg0: i32) -> (i32, i32) {
    %c0_i32 = arith.constant 0 : i32
    %c0_i32_0 = arith.constant 0 : i32
    %c0_i32_1 = arith.constant 0 : i32
    return %c0_i32, %c0_i32_0 : i32, i32
  }
  func.func @transform_10(%arg0: i32) -> (i32, i32) {
    %c0_i32 = arith.constant 0 : i32
    %c0_i32_0 = arith.constant 0 : i32
    %c0_i32_1 = arith.constant 0 : i32
    return %c0_i32, %c0_i32_0 : i32, i32
  }
  func.func @transform_11(%arg0: i32) -> (i32, i32) {
    %c0_i32 = arith.constant 0 : i32
    %c0_i32_0 = arith.constant 0 : i32
    return %arg0, %c0_i32 : i32, i32
  }
  func.func @transform_12(%arg0: i32) -> (i32, i32) {
    %c0_i32 = arith.constant 0 : i32
    %c0_i32_0 = arith.constant 0 : i32
    return %arg0, %c0_i32 : i32, i32
  }
  func.func @transform_13(%arg0: i32) -> (i32, i32) {
    %c0_i32 = arith.constant 0 : i32
    %c0_i32_0 = arith.constant 0 : i32
    return %c0_i32, %arg0 : i32, i32
  }
  func.func @transform_14(%arg0: i32) -> (i32, i32) {
    %c0_i32 = arith.constant 0 : i32
    %c0_i32_0 = arith.constant 0 : i32
    %c0_i32_1 = arith.constant 0 : i32
    return %c0_i32, %c0_i32_0 : i32, i32
  }
  func.func @transform_15(%arg0: i32) -> (i32, i32) {
    %c0_i32 = arith.constant 0 : i32
    %c0_i32_0 = arith.constant 0 : i32
    %c0_i32_1 = arith.constant 0 : i32
    return %c0_i32, %c0_i32_0 : i32, i32
  }
  func.func @transform_16(%arg0: i32) -> (i32, i32) {
    %c0_i32 = arith.constant 0 : i32
    %c0_i32_0 = arith.constant 0 : i32
    %c0_i32_1 = arith.constant 0 : i32
    return %c0_i32, %c0_i32_0 : i32, i32
  }
  func.func @transform_17(%arg0: i32) -> (i32, i32) {
    %c0_i32 = arith.constant 0 : i32
    %c0_i32_0 = arith.constant 0 : i32
    %c0_i32_1 = arith.constant 0 : i32
    return %c0_i32, %c0_i32_0 : i32, i32
  }
  func.func @transform_18(%arg0: i32) -> (i32, i32) {
    %c0_i32 = arith.constant 0 : i32
    %c0_i32_0 = arith.constant 0 : i32
    %c0_i32_1 = arith.constant 0 : i32
    return %c0_i32, %c0_i32_0 : i32, i32
  }
  func.func @transform_19(%arg0: i32) -> (i32, i32) {
    %c0_i32 = arith.constant 0 : i32
    %c0_i32_0 = arith.constant 0 : i32
    %c0_i32_1 = arith.constant 0 : i32
    return %c0_i32, %c0_i32_0 : i32, i32
  }
}

</mosaic_0001>

<sc_bundles>
// kernel: kernel.11.cloned.1.call-start
scs
__scs_entry_jumppad:
0x0: {  	(pc) =	sbr.rel $0x88, $3  }
0x1: {  	(tag) =	ssettag $0x0;
	lr =	simm.s32 $0x1  }
0x2: {  	[smem:$0x3F92] =	sst lr;
	_ =	strace $0xD0000000  }
0x3: {  	_ = 	snop  }
0x4: {  	_ = 	snop  }
0x5: {  	_ = 	snop  }
0x6: {  	_ = 	snop  }
0x7: {  	_ = 	snop  }
__scs_overlays_trampoline_lowered:
0x8: {  	[smem:$0x3FA1] =	sst s0  }
0x9: {  	[smem:$0x3FA2] =	sst s1  }
0xa: {  	[smem:$0x3FA3] =	sst s2  }
0xb: {  	[smem:$0x3FA4] =	sst s3  }
0xc: {  	[smem:$0x3FA5] =	sst s4  }
0xd: {  	[smem:$0x3FA6] =	sst s5  }
0xe: {  	[smem:$0x3FA7] =	sst s6  }
0xf: {  	[smem:$0x3FA8] =	sst s7  }
0x10: {  	[smem:$0x3FA9] =	sst s8  }
0x11: {  	[smem:$0x3FAA] =	sst s9;
	s0 =	simm.s32 @!p0 $0x0  }
0x12: {  	s1 =	sld [smem:$0x3F90];
	s0 =	simm.s32 @p0 $0x1  }
0x13: {  	[smem:$0x3FAB] =	sst s0;
	s0 =	simm.s32 @!p1 $0x0  }
0x14: {  	s2 =	sld [smem:$0x3F8F];
	s0 =	simm.s32 @p1 $0x1  }
0x15: {  	[smem:$0x3FAC] =	sst s0;
	s0 =	simm.s32 @!p2 $0x0  }
0x16: {  	s3 =	sld [smem:$0x3FDB];
	s0 =	simm.s32 @p2 $0x1  }
0x17: {  	s4 =	simm.s32 $0x1BF5;
	[smem:$0x3FAE] =	sst s0  }
0x18: {  	s0 =	sld [smem:$0x3F91];
	_ =	swait.ge [sflag:s4], $0x0  }
0x19: {  	s7 =	sld [smem:$0x3F92]  }
0x1a: {  	s8 =	sadd.s32 $0xFFFFE003, lr  }
0x1b: {  	s9 =	sadd.s32 $0xFFFFFEF7, lr;
	s5 =	simm.s32 $0xFFFFFFFF;
	p2 =	slt.u32 s8, $0xFFFFF086  }
0x1c: {  	p1 =	slt.u32 s9, $0xF7A;
	s5 =	simm.s32 @!p2 $0x0  }
0x1d: {  	s5 =	simm.s32 @p1 $0x1;
	p0 =	seq.s32 s7, s2  }
0x1e: {  	s7 =	smul.u32 @!p0 $0xF7A, s2;
	p2 =	seq.s32 @!p0 s5, $0x0  }
0x1f: {  	s9 =	smul.u32 $0xF7A, s1;
	s8 =	simm.s32 @!p0 $0x1BF5;
	p2 =	por !p2, p0  }
0x20: {  	[sflag:s8] =	ssyncset.s32 @!p0 $0xFFFFF086;
	s6 =	sadd.s32 @!p0 s3, s7;
	s7 =	simm.s32 @!p0 $0x108  }
0x21: {  	s3 =	sadd.s32 s3, s9;
	s6 =	sadd.s32 @!p0 $0x88, s6;
	s7 =	simm.s32 @p2 $0x1082  }
0x22: {  	[simem:s7], [sflag:s8] =	dma.local @!p0 [hbm:s6], $0xF7A  }
0x23: {  	s9 =	sor.u32 $0xD0000000, s2;
	s6 =	simm.s32 $0x108;
	_ =	swait.ge @!p0 [sflag:s8], $0x0  }
0x24: {  	s3 =	sadd.s32 $0x88, s3;
	s6 =	simm.s32 @!p1 $0x1082;
	[sflag:s4] =	ssyncset.s32 $0xFFFFF086  }
0x25: {  	[simem:s6], [sflag:s4] =	dma.local [hbm:s3], $0xF7A  }
0x26: {  	[smem:$0x3F92] =	sst s1;
	(tag) =	ssettag s2;
	_ =	strace s9  }
0x27: {  	s1 =	sld [smem:$0x3FA2]  }
0x28: {  	s2 =	sld [smem:$0x3FA3]  }
0x29: {  	s4 =	sld [smem:$0x3FA5]  }
0x2a: {  	p0 =	seq.s32 s5, $0x0;
	s5 =	sld [smem:$0x3FA6]  }
0x2b: {  	s6 =	sld [smem:$0x3FA7]  }
0x2c: {  	s7 =	sld [smem:$0x3FA8]  }
0x2d: {  	s3 =	simm.s32 $0x108;
	s8 =	sld [smem:$0x3FA9]  }
0x2e: {  	s3 =	simm.s32 @!p0 $0x1082;
	s9 =	sld [smem:$0x3FAA]  }
0x2f: {  	lr =	sadd.s32 s0, s3;
	s0 =	sld [smem:$0x3FA1]  }
0x30: {  	s3 =	sld [smem:$0x3FA4]  }
0x31: {  	[smem:$0x3FAD] =	sst s10  }
0x32: {  	s10 =	sld [smem:$0x3FAB];
	_ =	sdelay $0x3  }
0x33: {  	p0 =	seq.s32 s10, $0x1;
	s10 =	sld [smem:$0x3FAD];
	_ =	sdelay $0x3  }
0x34: {  	[smem:$0x3FAD] =	sst s10  }
0x35: {  	s10 =	sld [smem:$0x3FAC];
	_ =	sdelay $0x3  }
0x36: {  	p1 =	seq.s32 s10, $0x1;
	s10 =	sld [smem:$0x3FAD];
	_ =	sdelay $0x3  }
0x37: {  	[smem:$0x3FAD] =	sst s10  }
0x38: {  	s10 =	sld [smem:$0x3FAE]  }
0x39: {  	_ = 	snop;
	(pc) =	sbr.ind lr, $3  }
0x3a: {  	_ = 	snop  }
0x3b: {  	_ = 	snop  }
0x3c: {  	p2 =	seq.s32 s10, $0x1;
	s10 =	sld [smem:$0x3FAD]  }
0x3d: {  	_ =	shalt  }
0x3e: {  	_ =	shalt  }
0x3f: {  	_ =	shalt  }
0x40: {  	_ =	shalt  }
0x41: {  	_ =	shalt  }
0x42: {  	_ =	shalt  }
0x43: {  	_ =	shalt  }
0x44: {  	_ =	shalt  }
0x45: {  	_ =	shalt  }
0x46: {  	_ =	shalt  }
0x47: {  	_ =	shalt  }
0x48: {  	_ =	shalt  }
0x49: {  	_ =	shalt  }
0x4a: {  	_ =	shalt  }
0x4b: {  	_ =	shalt  }
0x4c: {  	_ =	shalt  }
0x4d: {  	_ =	shalt  }
0x4e: {  	_ =	shalt  }
0x4f: {  	_ =	shalt  }
0x50: {  	_ =	shalt  }
0x51: {  	_ =	shalt  }
0x52: {  	_ =	shalt  }
0x53: {  	_ =	shalt  }
0x54: {  	_ =	shalt  }
0x55: {  	_ =	shalt  }
0x56: {  	_ =	shalt  }
0x57: {  	_ =	shalt  }
0x58: {  	_ =	shalt  }
0x59: {  	_ =	shalt  }
0x5a: {  	_ =	shalt  }
0x5b: {  	_ =	shalt  }
0x5c: {  	_ =	shalt  }
0x5d: {  	_ =	shalt  }
0x5e: {  	_ =	shalt  }
0x5f: {  	_ =	shalt  }
0x60: {  	_ =	shalt  }
0x61: {  	_ =	shalt  }
0x62: {  	_ =	shalt  }
0x63: {  	_ =	shalt  }
0x64: {  	_ =	shalt  }
0x65: {  	_ =	shalt  }
0x66: {  	_ =	shalt  }
0x67: {  	_ =	shalt  }
0x68: {  	_ =	shalt  }
0x69: {  	_ =	shalt  }
0x6a: {  	_ =	shalt  }
0x6b: {  	_ =	shalt  }
0x6c: {  	_ =	shalt  }
0x6d: {  	_ =	shalt  }
0x6e: {  	_ =	shalt  }
0x6f: {  	_ =	shalt  }
0x70: {  	_ =	shalt  }
0x71: {  	_ =	shalt  }
0x72: {  	_ =	shalt  }
0x73: {  	_ =	shalt  }
0x74: {  	_ =	shalt  }
0x75: {  	_ =	shalt  }
0x76: {  	_ =	shalt  }
0x77: {  	_ =	shalt  }
0x78: {  	_ =	shalt  }
0x79: {  	_ =	shalt  }
0x7a: {  	_ =	shalt  }
0x7b: {  	_ =	shalt  }
0x7c: {  	_ =	shalt  }
0x7d: {  	_ =	shalt  }
0x7e: {  	_ =	shalt  }
0x7f: {  	_ =	shalt  }
0x80: {  	_ =	shalt  }
0x81: {  	_ =	shalt  }
0x82: {  	_ =	shalt  }
0x83: {  	_ =	shalt  }
0x84: {  	_ =	shalt  }
0x85: {  	_ =	shalt  }
0x86: {  	_ =	shalt  }
0x87: {  	_ =	shalt  }
.Lfunc_end0:
.L_simem_size_0:
called_computation.1_lowered:
.L_overlay_start_0:
0x88: {  	s2 =	sld [smem:$0x3FD9]  }
0x89: {  	s3 =	sld [smem:$0x3FFE];
	_ =	sdelay $0x1  }
0x8a: {  	s1 =	srdreg.scid  }
0x8b: {  	s0 =	sand.u32 $0x1, s1  }
0x8c: {  	s16 =	sshll.u32 s0, $0xA;
	s2 =	sadd.s32 s3, s2  }
0x8d: {  	s2 =	sadd.s32 s2, s16  }
0x8e: {  	[smem:$0x3FB9] =	sst s2  }
0x8f: {  	_ = 	snop  }
0x90: {  	(tm) =	ssettm $0x1  }
0x91: {  	s17 =	sld [smem:$0x3FFB];
	_ =	sdelay $0x3  }
0x92: {  	_ =	strace s17  }
0x93: {  	s2 =	sld [smem:$0x3FFC];
	_ =	sdelay $0x3  }
0x94: {  	_ =	strace s2  }
0x95: {  	s2 =	sld [smem:$0x3FFD];
	_ =	sdelay $0x3  }
0x96: {  	_ =	strace s2  }
0x97: {  	_ =	strace $0x8FFFFFFF  }
0x98: {  	s18 =	sld [smem:$0x3FDB];
	_ =	sdelay $0x1  }
0x99: {  	s19 =	simm.s32 $_scs_section_size  }
0x9a: {  	s4 =	simm.s32 $_size__tile_overlayer_lowered;
	s5 =	simm.s32 $_tile_overlayer_lowered  }
0x9b: {  	s22 =	simm.s32 $0x1BFF;
	s21 =	sshll.u32 s5, $0x1;
	s2 =	sadd.s32 s19, s18  }
0x9c: {  	s6 =	simm.s32 $0x0;
	s20 =	sshll.u32 s4, $0x1;
	s4 =	sadd.s32 s21, s2  }
0x9d: {  	[timem:s6], [sflag:s22] =	dma.local [hbm:s4], s20  }
0x9e: {  	_ =	swait.ge [sflag:s22], s20  }
0x9f: {  	s3 =	ssub.s32 $0x0, s20;
	[sflag:s22] =	ssyncset.done $0x0  }
0xa0: {  	[sflag:s22] =	ssyncadd.s32 s3;
	_ =	sdelay $0x1  }
0xa1: {  	s23 =	simm.s32 $0x1B8B  }
0xa2: {  	_ =	swait.ge [sflag:s23], $0x1  }
0xa3: {  	[sflag:s23] =	ssyncset.done $0x0  }
0xa4: {  	s25 =	simm.s32 $0x1B8E;
	s24 =	sld [smem:$0x3FFE];
	[sflag:s23] =	ssyncadd.s32 $0xFFFFFFFF  }
0xa5: {  	s26 =	simm.s32 $execute0_lowered;
	[smem:$0x3FD2] =	sst s25  }
0xa6: {  	s4 =	sshll.u32 s26, $0x1;
	_ =	strace $0x80000049;
	[dreg:$0x1] =	wrdreg $0xFFFFFFFF  }
0xa7: {  	s28 =	simm.s32 $_size_execute0_lowered;
	s2 =	sadd.s32 s2, s4;
	[dreg:$0x0] =	wrdreg $0x0  }
0xa8: {  	s4 =	sshll.u32 s28, $0x1;
	[dreg:$0x2] =	wrdreg s2  }
0xa9: {  	[dreg:$0x3] =	wrdreg s4  }
0xaa: {  	[dreg:$0x4] =	wrdreg $0xC0  }
0xab: {  	_ =	task [dreg:s6], $0x5FFFF  }
0xac: {  	[dreg:$0x1] =	wrdreg $0xFFFFFFFF  }
0xad: {  	[dreg:$0x0] =	wrdreg $0x60  }
0xae: {  	[dreg:$0x2] =	wrdreg s24  }
0xaf: {  	[dreg:$0x3] =	wrdreg $0xA8000  }
0xb0: {  	[dreg:$0x4] =	wrdreg $0x9  }
0xb1: {  	_ =	task.clear_ibuf [dreg:s6], $0x5FFFF;
	_ =	strace $0x90000049  }
0xb2: {  	s29 =	simm.s32 $0x9;
	_ =	strace $0x8000004B  }
0xb3: {  	_ =	swait.ge [sflag:s29], $0x1  }
0xb4: {  	[sflag:s29] =	ssyncadd.s32 $0xFFFFFFFF  }
0xb5: {  	_ =	strace $0x9000004B  }
0xb6: {  	_ =	sfence  }
0xb7: {  	s30 =	sld [smem:$0x0];
	_ =	sdelay $0x2  }
0xb8: {  	s31 =	sshll.u32 s1, $0xD;
	s1 =	sshrl.u32 s1, $0x2  }
0xb9: {  	s3 =	sand.u32 $0x4000, s31;
	s1 =	sadd.s32 s1, s30  }
0xba: {  	s0 =	sor.u32 s3, s0;
	s1 =	sshll.u32 s1, $0x11  }
0xbb: {  	s0 =	sor.u32 s1, s0  }
0xbc: {  	s0 =	sadd.s32 $0x8F2B, s0  }
0xbd: {  	[sflag:s0] =	ssyncadd.remote.s32 $0x1  }
0xbe: {  	_ =	sfence.sel $0xFFFF  }
0xbf: {  	[dreg:$0x0] =	wrdreg $0xFFFFFFFF;
	(pc) =	sbr.abs _section_cstart, $3  }
0xc0: {  	[dreg:$0x1] =	wrdreg $0xFFFFFFFF  }
0xc1: {  	_ =	task.clear_ibuf [dreg:s6], $0x2FFFF;
	_ =	strace $0x9FFFFFFF  }
0xc2: {  	(tm) =	ssettm $0x7FFFFFFF  }
0xc3: {  	_ =	shalt  }
tec
execute0_lowered:
.L_overlay_start_1:
0x0: {  	(tag) =	ssettag $0x1  }
0x1: {  	s5 =	rddreg [dreg:$0x0]  }
0x2: {  	s2 =	rddreg [dreg:$0x1]  }
0x3: {  	s0 =	rddreg [dreg:$0x2]  }
0x4: {  	s3 =	simm.s32 $0x0;
	s1 =	stileid.u32;
	s4 =	srdreg.scid  }
0x5: {  	s16 =	simm.s32 $0x80;
	s17 =	simm.s32 $0x2800;
	s18 =	simm.s32 $0x6800  }
0x6: {  	s19 =	simm.s32 $0x1;
	s20 =	simm.s32 $0x2;
	s21 =	simm.s32 $0x1380  }
0x7: {  	s22 =	simm.s32 $0x2700;
	s23 =	simm.s32 $0x2780;
	s24 =	simm.s32 $0x0  }
0x8: {  	[smem:$0x7FF] =	sst s3;
	s6 =	smul.u32 $0x14000, s1;
	s7 =	sand.u32 $0x1, s4  }
0x9: {  	s4 =	sadd.s32 $0x66E00, s5;
	s9 =	sadd.s32 $0x34E00, s5;
	s10 =	sadd.s32 $0x2AE00, s5  }
0xa: {  	s12 =	smul.u32 $0x50000, s1;
	s30 =	sshll.u32 s1, $0x6;
	_ =	strace $0x8000004A  }
0xb: {  	s8 =	smul.u32 $0x140000, s7;
	s28 =	sshll.u32 s7, $0x4;
	s7 =	ssub.s32 $0x2, s7  }
0xc: {  	s11 =	sshrl.u32 s6, $0x3;
	s13 =	sshrl.u32 s7, $0x1;
	s29 =	sshrl.u32 s12, $0x2  }
0xd: {  	s11 =	sadd.s32 s11, s5;
	s6 =	sadd.s32 s6, s8;
	s8 =	sor.u32 s1, s28  }
0xe: {  	s13 =	ssub.s32 s7, s13;
	s15 =	sadd.s32 s29, s2;
	s6 =	sshrl.u32 s6, $0x3  }
0xf: {  	s8 =	smul.u32 $0x2800, s8;
	s12 =	smax.u32 s13, $0x1;
	s13 =	sshrl.u32 s15, $0x3  }
0x10: {  	s15 =	simm.s32 $0x1400;
	s14 =	sadd.s32 s6, s5;
	s5 =	sadd.s32 $0x3EE00, s11  }
0x11: {  	s6 =	sor.u32 $0x1C03, s30;
	s8 =	sshrl.u32 s8, $0x3;
	s11 =	sadd.s32 $0x106E00, s14  }
0x12: {  	s14 =	simm.s32 $0x3;
	s31 =	sadd.s32 $0x280, s8;
	s7 =	sadd.s32 s9, s8  }
0x13: {  	s8 =	sadd.s32 s10, s8;
	s9 =	sadd.s32 s9, s31;
	s10 =	sadd.s32 s10, s31  }
.LBB2_1:
0x14: {  	[spmem:s13], [sflag:s6] =	dma.local [hbm:s5], $0x2800  }
0x15: {  	_ =	swait.ge [sflag:s14], $0x2800  }
0x16: {  	[sflag:s14] =	ssyncset.done $0x0  }
0x17: {  	[sflag:s14] =	ssyncadd.s32 $0xFFFFD800  }
0x18: {  	[bflag:$0x0] =	sbarrier.arrive $0xFFFF  }
0x19: {  	[tilespmem:s3], [sflag:$0x3] =	stream.linear.gather [hbm4b:s7+s3], $0x1400, $0x38;
	[tilespmem:$0x1E800] =	vst v63  }
0x1a: {  	_ =	swait.ge [sflag:s14], $0x1400  }
0x1b: {  	[sflag:s14] =	ssyncset.done $0x0  }
0x1c: {  	[sflag:s14] =	ssyncadd.s32 $0xFFFFEC00  }
0x1d: {  	[tilespmem:s15], [sflag:$0x3] =	stream.linear.gather [hbm4b:s8+s3], $0x1400, $0x38;
	[tilespmem:$0x1E800] =	vst v63  }
0x1e: {  	_ =	swait.ge [sflag:s14], $0x1400  }
0x1f: {  	[sflag:s14] =	ssyncset.done $0x0  }
0x20: {  	[sflag:s14] =	ssyncadd.s32 $0xFFFFEC00  }
0x21: {  	[tilespmem:s17], [sflag:$0x1] =	stream.indirect.gather [hbm4b:s4+s16], $0x80, s3, s16, $0xb8;
	[tilespmem:$0x1E800] =	vst v63  }
0x22: {  	s25 =	simm.s32 $0x80  }
0x23: {  	[tilespmem:s18], [sflag:$0x2] =	stream.indirect.gather [hbm4b:s4+s16], $0x80, s25, s16, $0xb8;
	[tilespmem:$0x1E800] =	vst v63  }
0x24: {  	_ =	swait.ge [sflag:s19], $0x4000  }
0x25: {  	[sflag:s19] =	ssyncset.done $0x0  }
0x26: {  	s29 =	simm.s32 $0x1400;
	[sflag:s19] =	ssyncadd.s32 $0xFFFFC000  }
0x27: {  	[spmem:s2] =	stream.indirect.scatter.add.f32 [tilespmem:s17], [sflag:$0x3], $0x80, s29, s16, $0xb8;
	[tilespmem:$0x1E800] =	vst v63  }
0x28: {  	_ =	swait.ge [sflag:s14], $0x4000  }
0x29: {  	[sflag:s14] =	ssyncset.done $0x0  }
0x2a: {  	s30 =	simm.s32 $0x100;
	[sflag:s14] =	ssyncadd.s32 $0xFFFFC000  }
0x2b: {  	[tilespmem:s17], [sflag:$0x1] =	stream.indirect.gather [hbm4b:s4+s16], $0x80, s30, s16, $0xb8;
	[tilespmem:$0x1E800] =	vst v63  }
0x2c: {  	_ =	swait.ge [sflag:s20], $0x4000  }
0x2d: {  	[sflag:s20] =	ssyncset.done $0x0  }
0x2e: {  	s31 =	simm.s32 $0x1480;
	[sflag:s20] =	ssyncadd.s32 $0xFFFFC000  }
0x2f: {  	[spmem:s2] =	stream.indirect.scatter.add.f32 [tilespmem:s18], [sflag:$0x3], $0x80, s31, s16, $0xb8;
	[tilespmem:$0x1E800] =	vst v63  }
0x30: {  	_ =	swait.ge [sflag:s14], $0x4000  }
0x31: {  	s26 =	simm.s32 $0x800;
	s25 =	simm.s32 $0x100;
	[sflag:s14] =	ssyncset.done $0x0  }
.LBB2_2:
0x32: {  	s28 =	sadd.s32 $0x80, s25  }
0x33: {  	[sflag:s14] =	ssyncadd.s32 $0xFFFFC000;
	s29 =	smov.u32 s26;
	s30 =	sadd.s32 $0x400, s26  }
0x34: {  	[tilespmem:s18], [sflag:$0x2] =	stream.indirect.gather [hbm4b:s4+s16], $0x80, s28, s16, $0xb8;
	[tilespmem:$0x1E800] =	vst v63  }
0x35: {  	p0 =	sne.s32 s26, $0x4800;
	_ =	swait.ge [sflag:s19], $0x4000  }
0x36: {  	[sflag:s19] =	ssyncset.done $0x0  }
0x37: {  	s26 =	sadd.s32 $0x1400, s25;
	[sflag:s19] =	ssyncadd.s32 $0xFFFFC000  }
0x38: {  	[spmem:s2] =	stream.indirect.scatter.add.f32 [tilespmem:s17], [sflag:$0x3], $0x80, s26, s16, $0xb8;
	[tilespmem:$0x1E800] =	vst v63  }
0x39: {  	_ =	swait.ge [sflag:s14], $0x4000  }
0x3a: {  	[sflag:s14] =	ssyncset.done $0x0  }
0x3b: {  	s26 =	sadd.s32 $0x100, s25;
	[sflag:s14] =	ssyncadd.s32 $0xFFFFC000  }
0x3c: {  	[tilespmem:s17], [sflag:$0x1] =	stream.indirect.gather [hbm4b:s4+s16], $0x80, s26, s16, $0xb8;
	[tilespmem:$0x1E800] =	vst v63  }
0x3d: {  	_ =	swait.ge [sflag:s20], $0x4000  }
.Ltmp0:
0x3e: {  	[sflag:s20] =	ssyncset.done $0x0;
	(pc) =	sbr.rel @p0 .LBB2_2-.Ltmp0, $4  }
0x3f: {  	s25 =	sadd.s32 $0x1480, s25;
	[sflag:s20] =	ssyncadd.s32 $0xFFFFC000  }
0x40: {  	[spmem:s2] =	stream.indirect.scatter.add.f32 [tilespmem:s18], [sflag:$0x3], $0x80, s25, s16, $0xb8;
	[tilespmem:$0x1E800] =	vst v63  }
0x41: {  	_ =	swait.ge [sflag:s14], $0x4000  }
0x42: {  	s26 =	smov.u32 s30;
	s25 =	sshra.s32 s29, $0x2;
	[sflag:s14] =	ssyncset.done $0x0  }
0x43: {  	s26 =	sadd.s32 $0x80, s25;
	[sflag:s14] =	ssyncadd.s32 $0xFFFFC000  }
0x44: {  	[tilespmem:s18], [sflag:$0x2] =	stream.indirect.gather [hbm4b:s4+s16], $0x80, s26, s16, $0xb8;
	[tilespmem:$0x1E800] =	vst v63  }
0x45: {  	_ =	swait.ge [sflag:s19], $0x4000  }
0x46: {  	[sflag:s19] =	ssyncset.done $0x0  }
0x47: {  	s29 =	sadd.s32 $0x1400, s25;
	[sflag:s19] =	ssyncadd.s32 $0xFFFFC000  }
0x48: {  	[spmem:s2] =	stream.indirect.scatter.add.f32 [tilespmem:s17], [sflag:$0x3], $0x80, s29, s16, $0xb8;
	[tilespmem:$0x1E800] =	vst v63  }
0x49: {  	_ =	swait.ge [sflag:s14], $0x4000  }
0x4a: {  	[sflag:s14] =	ssyncset.done $0x0  }
0x4b: {  	s30 =	sadd.s32 $0x100, s25;
	[sflag:s14] =	ssyncadd.s32 $0xFFFFC000  }
0x4c: {  	[tilespmem:s17], [sflag:$0x1] =	stream.indirect.gather [hbm4b:s4+s16], $0x80, s30, s16, $0xb8;
	[tilespmem:$0x1E800] =	vst v63  }
0x4d: {  	_ =	swait.ge [sflag:s20], $0x4000  }
0x4e: {  	[sflag:s20] =	ssyncset.done $0x0  }
0x4f: {  	s31 =	sadd.s32 $0x1480, s25;
	[sflag:s20] =	ssyncadd.s32 $0xFFFFC000  }
0x50: {  	[spmem:s2] =	stream.indirect.scatter.add.f32 [tilespmem:s18], [sflag:$0x3], $0x80, s31, s16, $0xb8;
	[tilespmem:$0x1E800] =	vst v63  }
0x51: {  	_ =	swait.ge [sflag:s14], $0x4000  }
0x52: {  	[sflag:s14] =	ssyncset.done $0x0  }
0x53: {  	[sflag:s14] =	ssyncadd.s32 $0xFFFFC000  }
0x54: {  	[tilespmem:s18], [sflag:$0x2] =	stream.indirect.gather [hbm4b:s4+s16], $0x80, s21, s16, $0xb8;
	[tilespmem:$0x1E800] =	vst v63  }
0x55: {  	_ =	swait.ge [sflag:s19], $0x4000  }
0x56: {  	[sflag:s19] =	ssyncset.done $0x0  }
0x57: {  	[sflag:s19] =	ssyncadd.s32 $0xFFFFC000  }
0x58: {  	[spmem:s2] =	stream.indirect.scatter.add.f32 [tilespmem:s17], [sflag:$0x3], $0x80, s22, s16, $0xb8;
	[tilespmem:$0x1E800] =	vst v63  }
0x59: {  	_ =	swait.ge [sflag:s14], $0x4000  }
0x5a: {  	[sflag:s14] =	ssyncset.done $0x0  }
0x5b: {  	s26 =	simm.s32 $0x0;
	[sflag:s14] =	ssyncadd.s32 $0xFFFFC000  }
0x5c: {  	[tilespmem:s17], [sflag:$0x1] =	stream.indirect.gather [hbm4b:s4+s16], $0x80, s26, s16, $0xb8;
	[tilespmem:$0x1E800] =	vst v63  }
0x5d: {  	_ =	swait.ge [sflag:s20], $0x4000  }
0x5e: {  	[sflag:s20] =	ssyncset.done $0x0  }
0x5f: {  	[sflag:s20] =	ssyncadd.s32 $0xFFFFC000  }
0x60: {  	[spmem:s2] =	stream.indirect.scatter.add.f32 [tilespmem:s18], [sflag:$0x3], $0x80, s23, s16, $0xb8;
	[tilespmem:$0x1E800] =	vst v63  }
0x61: {  	_ =	swait.ge [sflag:s14], $0x4000  }
0x62: {  	[sflag:s14] =	ssyncset.done $0x0  }
0x63: {  	[sflag:s14] =	ssyncadd.s32 $0xFFFFC000  }
0x64: {  	_ =	swait.ge [sflag:s19], $0x4000  }
0x65: {  	[sflag:s19] =	ssyncset.done $0x0  }
0x66: {  	[sflag:s19] =	ssyncadd.s32 $0xFFFFC000  }
0x67: {  	[tilespmem:s26], [sflag:$0x3] =	stream.linear.gather [hbm4b:s9+s26], $0x1400, $0x38;
	[tilespmem:$0x1E800] =	vst v63  }
0x68: {  	_ =	swait.ge [sflag:s14], $0x1400  }
0x69: {  	[sflag:s14] =	ssyncset.done $0x0  }
0x6a: {  	[sflag:s14] =	ssyncadd.s32 $0xFFFFEC00  }
0x6b: {  	[tilespmem:s15], [sflag:$0x3] =	stream.linear.gather [hbm4b:s10+s26], $0x1400, $0x38;
	[tilespmem:$0x1E800] =	vst v63  }
0x6c: {  	_ =	swait.ge [sflag:s14], $0x1400  }
0x6d: {  	[sflag:s14] =	ssyncset.done $0x0  }
0x6e: {  	[sflag:s14] =	ssyncadd.s32 $0xFFFFEC00  }
0x6f: {  	[tilespmem:s17], [sflag:$0x1] =	stream.indirect.gather [hbm4b:s4+s16], $0x80, s26, s16, $0xb8;
	[tilespmem:$0x1E800] =	vst v63  }
0x70: {  	s28 =	simm.s32 $0x80  }
0x71: {  	[tilespmem:s18], [sflag:$0x2] =	stream.indirect.gather [hbm4b:s4+s16], $0x80, s28, s16, $0xb8;
	[tilespmem:$0x1E800] =	vst v63  }
0x72: {  	_ =	swait.ge [sflag:s19], $0x4000  }
0x73: {  	[sflag:s19] =	ssyncset.done $0x0  }
0x74: {  	s29 =	simm.s32 $0x1400;
	[sflag:s19] =	ssyncadd.s32 $0xFFFFC000  }
0x75: {  	[spmem:s2] =	stream.indirect.scatter.add.f32 [tilespmem:s17], [sflag:$0x3], $0x80, s29, s16, $0xb8;
	[tilespmem:$0x1E800] =	vst v63  }
0x76: {  	_ =	swait.ge [sflag:s14], $0x4000  }
0x77: {  	[sflag:s14] =	ssyncset.done $0x0  }
0x78: {  	s30 =	simm.s32 $0x100;
	[sflag:s14] =	ssyncadd.s32 $0xFFFFC000  }
0x79: {  	[tilespmem:s17], [sflag:$0x1] =	stream.indirect.gather [hbm4b:s4+s16], $0x80, s30, s16, $0xb8;
	[tilespmem:$0x1E800] =	vst v63  }
0x7a: {  	_ =	swait.ge [sflag:s20], $0x4000  }
0x7b: {  	[sflag:s20] =	ssyncset.done $0x0  }
0x7c: {  	s31 =	simm.s32 $0x1480;
	[sflag:s20] =	ssyncadd.s32 $0xFFFFC000  }
0x7d: {  	[spmem:s2] =	stream.indirect.scatter.add.f32 [tilespmem:s18], [sflag:$0x3], $0x80, s31, s16, $0xb8;
	[tilespmem:$0x1E800] =	vst v63  }
0x7e: {  	_ =	swait.ge [sflag:s14], $0x4000  }
0x7f: {  	s25 =	simm.s32 $0x100;
	s26 =	simm.s32 $0x800;
	[sflag:s14] =	ssyncset.done $0x0  }
.LBB2_4:
0x80: {  	s28 =	sadd.s32 $0x80, s25  }
0x81: {  	[sflag:s14] =	ssyncadd.s32 $0xFFFFC000;
	s29 =	smov.u32 s26;
	s30 =	sadd.s32 $0x400, s26  }
0x82: {  	[tilespmem:s18], [sflag:$0x2] =	stream.indirect.gather [hbm4b:s4+s16], $0x80, s28, s16, $0xb8;
	[tilespmem:$0x1E800] =	vst v63  }
0x83: {  	p0 =	sne.s32 s26, $0x4800;
	_ =	swait.ge [sflag:s19], $0x4000  }
0x84: {  	[sflag:s19] =	ssyncset.done $0x0  }
0x85: {  	s26 =	sadd.s32 $0x1400, s25;
	[sflag:s19] =	ssyncadd.s32 $0xFFFFC000  }
0x86: {  	[spmem:s2] =	stream.indirect.scatter.add.f32 [tilespmem:s17], [sflag:$0x3], $0x80, s26, s16, $0xb8;
	[tilespmem:$0x1E800] =	vst v63  }
0x87: {  	_ =	swait.ge [sflag:s14], $0x4000  }
0x88: {  	[sflag:s14] =	ssyncset.done $0x0  }
0x89: {  	s26 =	sadd.s32 $0x100, s25;
	[sflag:s14] =	ssyncadd.s32 $0xFFFFC000  }
0x8a: {  	[tilespmem:s17], [sflag:$0x1] =	stream.indirect.gather [hbm4b:s4+s16], $0x80, s26, s16, $0xb8;
	[tilespmem:$0x1E800] =	vst v63  }
0x8b: {  	_ =	swait.ge [sflag:s20], $0x4000  }
.Ltmp1:
0x8c: {  	[sflag:s20] =	ssyncset.done $0x0;
	(pc) =	sbr.rel @p0 .LBB2_4-.Ltmp1, $4  }
0x8d: {  	s25 =	sadd.s32 $0x1480, s25;
	[sflag:s20] =	ssyncadd.s32 $0xFFFFC000  }
0x8e: {  	[spmem:s2] =	stream.indirect.scatter.add.f32 [tilespmem:s18], [sflag:$0x3], $0x80, s25, s16, $0xb8;
	[tilespmem:$0x1E800] =	vst v63  }
0x8f: {  	_ =	swait.ge [sflag:s14], $0x4000  }
0x90: {  	s26 =	smov.u32 s30;
	s25 =	sshra.s32 s29, $0x2;
	[sflag:s14] =	ssyncset.done $0x0  }
0x91: {  	s26 =	sadd.s32 $0x80, s25;
	[sflag:s14] =	ssyncadd.s32 $0xFFFFC000  }
0x92: {  	[tilespmem:s18], [sflag:$0x2] =	stream.indirect.gather [hbm4b:s4+s16], $0x80, s26, s16, $0xb8;
	[tilespmem:$0x1E800] =	vst v63  }
0x93: {  	_ =	swait.ge [sflag:s19], $0x4000  }
0x94: {  	[sflag:s19] =	ssyncset.done $0x0  }
0x95: {  	s29 =	sadd.s32 $0x1400, s25;
	[sflag:s19] =	ssyncadd.s32 $0xFFFFC000  }
0x96: {  	[spmem:s2] =	stream.indirect.scatter.add.f32 [tilespmem:s17], [sflag:$0x3], $0x80, s29, s16, $0xb8;
	[tilespmem:$0x1E800] =	vst v63  }
0x97: {  	_ =	swait.ge [sflag:s14], $0x4000  }
0x98: {  	[sflag:s14] =	ssyncset.done $0x0  }
0x99: {  	s30 =	sadd.s32 $0x100, s25;
	[sflag:s14] =	ssyncadd.s32 $0xFFFFC000  }
0x9a: {  	[tilespmem:s17], [sflag:$0x1] =	stream.indirect.gather [hbm4b:s4+s16], $0x80, s30, s16, $0xb8;
	[tilespmem:$0x1E800] =	vst v63  }
0x9b: {  	_ =	swait.ge [sflag:s20], $0x4000  }
0x9c: {  	[sflag:s20] =	ssyncset.done $0x0  }
0x9d: {  	s31 =	sadd.s32 $0x1480, s25;
	[sflag:s20] =	ssyncadd.s32 $0xFFFFC000  }
0x9e: {  	[spmem:s2] =	stream.indirect.scatter.add.f32 [tilespmem:s18], [sflag:$0x3], $0x80, s31, s16, $0xb8;
	[tilespmem:$0x1E800] =	vst v63  }
0x9f: {  	_ =	swait.ge [sflag:s14], $0x4000  }
0xa0: {  	[sflag:s14] =	ssyncset.done $0x0  }
0xa1: {  	[sflag:s14] =	ssyncadd.s32 $0xFFFFC000  }
0xa2: {  	[tilespmem:s18], [sflag:$0x2] =	stream.indirect.gather [hbm4b:s4+s16], $0x80, s21, s16, $0xb8;
	[tilespmem:$0x1E800] =	vst v63  }
0xa3: {  	_ =	swait.ge [sflag:s19], $0x4000  }
0xa4: {  	[sflag:s19] =	ssyncset.done $0x0  }
0xa5: {  	[sflag:s19] =	ssyncadd.s32 $0xFFFFC000  }
0xa6: {  	[spmem:s2] =	stream.indirect.scatter.add.f32 [tilespmem:s17], [sflag:$0x3], $0x80, s22, s16, $0xb8;
	[tilespmem:$0x1E800] =	vst v63  }
0xa7: {  	_ =	swait.ge [sflag:s14], $0x4000  }
0xa8: {  	[sflag:s14] =	ssyncset.done $0x0  }
0xa9: {  	[sflag:s14] =	ssyncadd.s32 $0xFFFFC000  }
0xaa: {  	[tilespmem:s17], [sflag:$0x1] =	stream.indirect.gather [hbm4b:s4+s16], $0x80, s3, s16, $0xb8;
	[tilespmem:$0x1E800] =	vst v63  }
0xab: {  	_ =	swait.ge [sflag:s20], $0x4000  }
0xac: {  	[sflag:s20] =	ssyncset.done $0x0  }
0xad: {  	[sflag:s20] =	ssyncadd.s32 $0xFFFFC000  }
0xae: {  	[spmem:s2] =	stream.indirect.scatter.add.f32 [tilespmem:s18], [sflag:$0x3], $0x80, s23, s16, $0xb8;
	[tilespmem:$0x1E800] =	vst v63  }
0xaf: {  	_ =	swait.ge [sflag:s14], $0x4000  }
0xb0: {  	[sflag:s14] =	ssyncset.done $0x0  }
0xb1: {  	[sflag:s14] =	ssyncadd.s32 $0xFFFFC000  }
0xb2: {  	_ =	swait.ge [sflag:s19], $0x4000  }
0xb3: {  	s24 =	sadd.s32 $0x1, s24;
	[sflag:s19] =	ssyncset.done $0x0  }
0xb4: {  	p0 =	sne.s32 s24, s12;
	[sflag:s19] =	ssyncadd.s32 $0xFFFFC000  }
.Ltmp2:
0xb5: {  	[bflag:$0x0] =	sbarrier.arrive $0xFFFF;
	(pc) =	sbr.rel @p0 .LBB2_1-.Ltmp2, $4  }
0xb6: {  	[hbm:s11], [sflag:s6] =	dma.local [spmem:s13], $0x2800  }
0xb7: {  	_ =	swait.ge [sflag:s14], $0x2800  }
0xb8: {  	[sflag:s14] =	ssyncset.done $0x0  }
0xb9: {  	[sflag:s14] =	ssyncadd.s32 $0xFFFFD800  }
0xba: {  	_ =	sfence.sel $0x180000  }
0xbb: {  	[bflag:$0x0] =	sbarrier.arrive $0xFFFF  }
0xbc: {  	p0 =	sne.s32 s1, $0x0;
	_ =	strace $0x9000004A  }
0xbd: {  	s0 =	sadd.s32 @!p0 $0x100000, s0;
	[bflag:$0x2] =	sbarrier.arrive $0xFFFF  }
0xbe: {  	[sflag:s0] =	ssyncadd.tile.s32 @!p0 $0x1;
	_ =	shalt  }
.Lfunc_end2:
_tile_overlayer_lowered:
.L_overlay_start_2:
0xbf: {  	(tag) =	ssettag $0x2  }
0xc0: {  	s0 =	rddreg [dreg:$0x0];
	s2 =	stileid.u32  }
0xc1: {  	s1 =	rddreg [dreg:$0x1];
	p0 =	sne.s32 s2, $0x0  }
0xc2: {  	s3 =	rddreg [dreg:$0x2];
	[bflag:$0x3] =	sbarrier.arrive $0xFFFF;
	s2 =	simm.s32 @!p0 $0x1C03  }
0xc3: {  	[timem:s3], [sflag:s2] =	dma.local @!p0 [hbm:s0], s1  }
0xc4: {  	s0 =	simm.s32 @!p0 $0x3  }
0xc5: {  	_ =	swait.ge @!p0 [sflag:s0], s1  }
0xc6: {  	s1 =	ssub.s32 @!p0 $0x0, s1;
	[sflag:s0] =	ssyncset.done @!p0 $0x0  }
0xc7: {  	[sflag:s0] =	ssyncadd.s32 @!p0 s1  }
0xc8: {  	[bflag:$0x3] =	sbarrier.arrive $0xFFFF  }
0xc9: {  	_ =	shalt  }

// kernel: kernel.8.cloned.1.call-start
scs
__scs_entry_jumppad:
0x0: {  	(pc) =	sbr.rel $0x88, $3  }
0x1: {  	(tag) =	ssettag $0x0;
	lr =	simm.s32 $0x1  }
0x2: {  	[smem:$0x3F92] =	sst lr;
	_ =	strace $0xD0000000  }
0x3: {  	_ = 	snop  }
0x4: {  	_ = 	snop  }
0x5: {  	_ = 	snop  }
0x6: {  	_ = 	snop  }
0x7: {  	_ = 	snop  }
__scs_overlays_trampoline_lowered:
0x8: {  	[smem:$0x3FA1] =	sst s0  }
0x9: {  	[smem:$0x3FA2] =	sst s1  }
0xa: {  	[smem:$0x3FA3] =	sst s2  }
0xb: {  	[smem:$0x3FA4] =	sst s3  }
0xc: {  	[smem:$0x3FA5] =	sst s4  }
0xd: {  	[smem:$0x3FA6] =	sst s5  }
0xe: {  	[smem:$0x3FA7] =	sst s6  }
0xf: {  	[smem:$0x3FA8] =	sst s7  }
0x10: {  	[smem:$0x3FA9] =	sst s8  }
0x11: {  	[smem:$0x3FAA] =	sst s9;
	s0 =	simm.s32 @!p0 $0x0  }
0x12: {  	s1 =	sld [smem:$0x3F90];
	s0 =	simm.s32 @p0 $0x1  }
0x13: {  	[smem:$0x3FAB] =	sst s0;
	s0 =	simm.s32 @!p1 $0x0  }
0x14: {  	s2 =	sld [smem:$0x3F8F];
	s0 =	simm.s32 @p1 $0x1  }
0x15: {  	[smem:$0x3FAC] =	sst s0;
	s0 =	simm.s32 @!p2 $0x0  }
0x16: {  	s3 =	sld [smem:$0x3FDB];
	s0 =	simm.s32 @p2 $0x1  }
0x17: {  	s4 =	simm.s32 $0x1BF5;
	[smem:$0x3FAE] =	sst s0  }
0x18: {  	s0 =	sld [smem:$0x3F91];
	_ =	swait.ge [sflag:s4], $0x0  }
0x19: {  	s7 =	sld [smem:$0x3F92]  }
0x1a: {  	s8 =	sadd.s32 $0xFFFFE003, lr  }
0x1b: {  	s9 =	sadd.s32 $0xFFFFFEF7, lr;
	s5 =	simm.s32 $0xFFFFFFFF;
	p2 =	slt.u32 s8, $0xFFFFF086  }
0x1c: {  	p1 =	slt.u32 s9, $0xF7A;
	s5 =	simm.s32 @!p2 $0x0  }
0x1d: {  	s5 =	simm.s32 @p1 $0x1;
	p0 =	seq.s32 s7, s2  }
0x1e: {  	s7 =	smul.u32 @!p0 $0xF7A, s2;
	p2 =	seq.s32 @!p0 s5, $0x0  }
0x1f: {  	s9 =	smul.u32 $0xF7A, s1;
	s8 =	simm.s32 @!p0 $0x1BF5;
	p2 =	por !p2, p0  }
0x20: {  	[sflag:s8] =	ssyncset.s32 @!p0 $0xFFFFF086;
	s6 =	sadd.s32 @!p0 s3, s7;
	s7 =	simm.s32 @!p0 $0x108  }
0x21: {  	s3 =	sadd.s32 s3, s9;
	s6 =	sadd.s32 @!p0 $0x88, s6;
	s7 =	simm.s32 @p2 $0x1082  }
0x22: {  	[simem:s7], [sflag:s8] =	dma.local @!p0 [hbm:s6], $0xF7A  }
0x23: {  	s9 =	sor.u32 $0xD0000000, s2;
	s6 =	simm.s32 $0x108;
	_ =	swait.ge @!p0 [sflag:s8], $0x0  }
0x24: {  	s3 =	sadd.s32 $0x88, s3;
	s6 =	simm.s32 @!p1 $0x1082;
	[sflag:s4] =	ssyncset.s32 $0xFFFFF086  }
0x25: {  	[simem:s6], [sflag:s4] =	dma.local [hbm:s3], $0xF7A  }
0x26: {  	[smem:$0x3F92] =	sst s1;
	(tag) =	ssettag s2;
	_ =	strace s9  }
0x27: {  	s1 =	sld [smem:$0x3FA2]  }
0x28: {  	s2 =	sld [smem:$0x3FA3]  }
0x29: {  	s4 =	sld [smem:$0x3FA5]  }
0x2a: {  	p0 =	seq.s32 s5, $0x0;
	s5 =	sld [smem:$0x3FA6]  }
0x2b: {  	s6 =	sld [smem:$0x3FA7]  }
0x2c: {  	s7 =	sld [smem:$0x3FA8]  }
0x2d: {  	s3 =	simm.s32 $0x108;
	s8 =	sld [smem:$0x3FA9]  }
0x2e: {  	s3 =	simm.s32 @!p0 $0x1082;
	s9 =	sld [smem:$0x3FAA]  }
0x2f: {  	lr =	sadd.s32 s0, s3;
	s0 =	sld [smem:$0x3FA1]  }
0x30: {  	s3 =	sld [smem:$0x3FA4]  }
0x31: {  	[smem:$0x3FAD] =	sst s10  }
0x32: {  	s10 =	sld [smem:$0x3FAB];
	_ =	sdelay $0x3  }
0x33: {  	p0 =	seq.s32 s10, $0x1;
	s10 =	sld [smem:$0x3FAD];
	_ =	sdelay $0x3  }
0x34: {  	[smem:$0x3FAD] =	sst s10  }
0x35: {  	s10 =	sld [smem:$0x3FAC];
	_ =	sdelay $0x3  }
0x36: {  	p1 =	seq.s32 s10, $0x1;
	s10 =	sld [smem:$0x3FAD];
	_ =	sdelay $0x3  }
0x37: {  	[smem:$0x3FAD] =	sst s10  }
0x38: {  	s10 =	sld [smem:$0x3FAE]  }
0x39: {  	_ = 	snop;
	(pc) =	sbr.ind lr, $3  }
0x3a: {  	_ = 	snop  }
0x3b: {  	_ = 	snop  }
0x3c: {  	p2 =	seq.s32 s10, $0x1;
	s10 =	sld [smem:$0x3FAD]  }
0x3d: {  	_ =	shalt  }
0x3e: {  	_ =	shalt  }
0x3f: {  	_ =	shalt  }
0x40: {  	_ =	shalt  }
0x41: {  	_ =	shalt  }
0x42: {  	_ =	shalt  }
0x43: {  	_ =	shalt  }
0x44: {  	_ =	shalt  }
0x45: {  	_ =	shalt  }
0x46: {  	_ =	shalt  }
0x47: {  	_ =	shalt  }
0x48: {  	_ =	shalt  }
0x49: {  	_ =	shalt  }
0x4a: {  	_ =	shalt  }
0x4b: {  	_ =	shalt  }
0x4c: {  	_ =	shalt  }
0x4d: {  	_ =	shalt  }
0x4e: {  	_ =	shalt  }
0x4f: {  	_ =	shalt  }
0x50: {  	_ =	shalt  }
0x51: {  	_ =	shalt  }
0x52: {  	_ =	shalt  }
0x53: {  	_ =	shalt  }
0x54: {  	_ =	shalt  }
0x55: {  	_ =	shalt  }
0x56: {  	_ =	shalt  }
0x57: {  	_ =	shalt  }
0x58: {  	_ =	shalt  }
0x59: {  	_ =	shalt  }
0x5a: {  	_ =	shalt  }
0x5b: {  	_ =	shalt  }
0x5c: {  	_ =	shalt  }
0x5d: {  	_ =	shalt  }
0x5e: {  	_ =	shalt  }
0x5f: {  	_ =	shalt  }
0x60: {  	_ =	shalt  }
0x61: {  	_ =	shalt  }
0x62: {  	_ =	shalt  }
0x63: {  	_ =	shalt  }
0x64: {  	_ =	shalt  }
0x65: {  	_ =	shalt  }
0x66: {  	_ =	shalt  }
0x67: {  	_ =	shalt  }
0x68: {  	_ =	shalt  }
0x69: {  	_ =	shalt  }
0x6a: {  	_ =	shalt  }
0x6b: {  	_ =	shalt  }
0x6c: {  	_ =	shalt  }
0x6d: {  	_ =	shalt  }
0x6e: {  	_ =	shalt  }
0x6f: {  	_ =	shalt  }
0x70: {  	_ =	shalt  }
0x71: {  	_ =	shalt  }
0x72: {  	_ =	shalt  }
0x73: {  	_ =	shalt  }
0x74: {  	_ =	shalt  }
0x75: {  	_ =	shalt  }
0x76: {  	_ =	shalt  }
0x77: {  	_ =	shalt  }
0x78: {  	_ =	shalt  }
0x79: {  	_ =	shalt  }
0x7a: {  	_ =	shalt  }
0x7b: {  	_ =	shalt  }
0x7c: {  	_ =	shalt  }
0x7d: {  	_ =	shalt  }
0x7e: {  	_ =	shalt  }
0x7f: {  	_ =	shalt  }
0x80: {  	_ =	shalt  }
0x81: {  	_ =	shalt  }
0x82: {  	_ =	shalt  }
0x83: {  	_ =	shalt  }
0x84: {  	_ =	shalt  }
0x85: {  	_ =	shalt  }
0x86: {  	_ =	shalt  }
0x87: {  	_ =	shalt  }
.Lfunc_end0:
.L_simem_size_0:
called_computation_lowered:
.L_overlay_start_0:
0x88: {  	s2 =	sld [smem:$0x3FD9]  }
0x89: {  	s3 =	sld [smem:$0x3FFE];
	_ =	sdelay $0x1  }
0x8a: {  	s1 =	srdreg.scid  }
0x8b: {  	s0 =	sand.u32 $0x1, s1  }
0x8c: {  	s16 =	sshll.u32 s0, $0xA;
	s2 =	sadd.s32 s3, s2  }
0x8d: {  	s2 =	sadd.s32 s2, s16  }
0x8e: {  	[smem:$0x3FB9] =	sst s2  }
0x8f: {  	_ = 	snop  }
0x90: {  	(tm) =	ssettm $0x1  }
0x91: {  	s17 =	sld [smem:$0x3FFB];
	_ =	sdelay $0x3  }
0x92: {  	_ =	strace s17  }
0x93: {  	s2 =	sld [smem:$0x3FFC];
	_ =	sdelay $0x3  }
0x94: {  	_ =	strace s2  }
0x95: {  	s2 =	sld [smem:$0x3FFD];
	_ =	sdelay $0x3  }
0x96: {  	_ =	strace s2  }
0x97: {  	_ =	strace $0x8FFFFFFF  }
0x98: {  	s18 =	sld [smem:$0x3FDB];
	_ =	sdelay $0x1  }
0x99: {  	s19 =	simm.s32 $_scs_section_size  }
0x9a: {  	s4 =	simm.s32 $_size__tile_overlayer_lowered;
	s5 =	simm.s32 $_tile_overlayer_lowered  }
0x9b: {  	s22 =	simm.s32 $0x1BFF;
	s21 =	sshll.u32 s5, $0x1;
	s2 =	sadd.s32 s19, s18  }
0x9c: {  	s6 =	simm.s32 $0x0;
	s20 =	sshll.u32 s4, $0x1;
	s4 =	sadd.s32 s21, s2  }
0x9d: {  	[timem:s6], [sflag:s22] =	dma.local [hbm:s4], s20  }
0x9e: {  	_ =	swait.ge [sflag:s22], s20  }
0x9f: {  	s3 =	ssub.s32 $0x0, s20;
	[sflag:s22] =	ssyncset.done $0x0  }
0xa0: {  	[sflag:s22] =	ssyncadd.s32 s3;
	_ =	sdelay $0x1  }
0xa1: {  	s23 =	simm.s32 $0x1B8B  }
0xa2: {  	_ =	swait.ge [sflag:s23], $0x1  }
0xa3: {  	[sflag:s23] =	ssyncset.done $0x0  }
0xa4: {  	s25 =	simm.s32 $0x1B8E;
	s24 =	sld [smem:$0x3FFE];
	[sflag:s23] =	ssyncadd.s32 $0xFFFFFFFF  }
0xa5: {  	s26 =	simm.s32 $execute0_lowered;
	[smem:$0x3FD2] =	sst s25  }
0xa6: {  	s4 =	sshll.u32 s26, $0x1;
	_ =	strace $0x80000046;
	[dreg:$0x1] =	wrdreg $0xFFFFFFFF  }
0xa7: {  	s28 =	simm.s32 $_size_execute0_lowered;
	s2 =	sadd.s32 s2, s4;
	[dreg:$0x0] =	wrdreg $0x0  }
0xa8: {  	s4 =	sshll.u32 s28, $0x1;
	[dreg:$0x2] =	wrdreg s2  }
0xa9: {  	[dreg:$0x3] =	wrdreg s4  }
0xaa: {  	[dreg:$0x4] =	wrdreg $0xC0  }
0xab: {  	_ =	task [dreg:s6], $0x5FFFF  }
0xac: {  	[dreg:$0x1] =	wrdreg $0xFFFFFFFF  }
0xad: {  	[dreg:$0x0] =	wrdreg $0x60  }
0xae: {  	[dreg:$0x2] =	wrdreg s24  }
0xaf: {  	[dreg:$0x3] =	wrdreg $0xA8000  }
0xb0: {  	[dreg:$0x4] =	wrdreg $0x9  }
0xb1: {  	_ =	task.clear_ibuf [dreg:s6], $0x5FFFF;
	_ =	strace $0x90000046  }
0xb2: {  	s29 =	simm.s32 $0x9;
	_ =	strace $0x80000048  }
0xb3: {  	_ =	swait.ge [sflag:s29], $0x1  }
0xb4: {  	[sflag:s29] =	ssyncadd.s32 $0xFFFFFFFF  }
0xb5: {  	_ =	strace $0x90000048  }
0xb6: {  	_ =	sfence  }
0xb7: {  	s30 =	sld [smem:$0x0];
	_ =	sdelay $0x2  }
0xb8: {  	s31 =	sshll.u32 s1, $0xD;
	s1 =	sshrl.u32 s1, $0x2  }
0xb9: {  	s3 =	sand.u32 $0x4000, s31;
	s1 =	sadd.s32 s1, s30  }
0xba: {  	s0 =	sor.u32 s3, s0;
	s1 =	sshll.u32 s1, $0x11  }
0xbb: {  	s0 =	sor.u32 s1, s0  }
0xbc: {  	s0 =	sadd.s32 $0x8F2B, s0  }
0xbd: {  	[sflag:s0] =	ssyncadd.remote.s32 $0x1  }
0xbe: {  	_ =	sfence.sel $0xFFFF  }
0xbf: {  	[dreg:$0x0] =	wrdreg $0xFFFFFFFF;
	(pc) =	sbr.abs _section_cstart, $3  }
0xc0: {  	[dreg:$0x1] =	wrdreg $0xFFFFFFFF  }
0xc1: {  	_ =	task.clear_ibuf [dreg:s6], $0x2FFFF;
	_ =	strace $0x9FFFFFFF  }
0xc2: {  	(tm) =	ssettm $0x7FFFFFFF  }
0xc3: {  	_ =	shalt  }
tec
execute0_lowered:
.L_overlay_start_1:
0x0: {  	(tag) =	ssettag $0x1  }
0x1: {  	s5 =	rddreg [dreg:$0x0]  }
0x2: {  	s2 =	rddreg [dreg:$0x1]  }
0x3: {  	s0 =	rddreg [dreg:$0x2]  }
0x4: {  	s3 =	simm.s32 $0x0;
	s1 =	stileid.u32;
	s4 =	srdreg.scid  }
0x5: {  	s16 =	simm.s32 $0x80;
	s17 =	simm.s32 $0x2800;
	s18 =	simm.s32 $0x6800  }
0x6: {  	s19 =	simm.s32 $0x1;
	s20 =	simm.s32 $0x2;
	s21 =	simm.s32 $0x1380  }
0x7: {  	s22 =	simm.s32 $0x2700;
	s23 =	simm.s32 $0x2780;
	s24 =	simm.s32 $0x0  }
0x8: {  	[smem:$0x7FF] =	sst s3;
	s6 =	smul.u32 $0x14000, s1;
	s7 =	sand.u32 $0x1, s4  }
0x9: {  	s4 =	sadd.s32 $0x2E00, s5;
	s9 =	sadd.s32 $0x34E00, s5;
	s10 =	sadd.s32 $0x2AE00, s5  }
0xa: {  	s12 =	smul.u32 $0x50000, s1;
	s30 =	sshll.u32 s1, $0x6;
	_ =	strace $0x80000047  }
0xb: {  	s8 =	smul.u32 $0x140000, s7;
	s28 =	sshll.u32 s7, $0x4;
	s7 =	ssub.s32 $0x2, s7  }
0xc: {  	s11 =	sshrl.u32 s6, $0x3;
	s13 =	sshrl.u32 s7, $0x1;
	s29 =	sshrl.u32 s12, $0x2  }
0xd: {  	s11 =	sadd.s32 s11, s5;
	s6 =	sadd.s32 s6, s8;
	s8 =	sor.u32 s1, s28  }
0xe: {  	s13 =	ssub.s32 s7, s13;
	s15 =	sadd.s32 s29, s2;
	s6 =	sshrl.u32 s6, $0x3  }
0xf: {  	s8 =	smul.u32 $0x2800, s8;
	s12 =	smax.u32 s13, $0x1;
	s13 =	sshrl.u32 s15, $0x3  }
0x10: {  	s15 =	simm.s32 $0x1400;
	s14 =	sadd.s32 s6, s5;
	s5 =	sadd.s32 $0x3EE00, s11  }
0x11: {  	s6 =	sor.u32 $0x1C03, s30;
	s8 =	sshrl.u32 s8, $0x3;
	s11 =	sadd.s32 $0x66E00, s14  }
0x12: {  	s14 =	simm.s32 $0x3;
	s31 =	sadd.s32 $0x280, s8;
	s7 =	sadd.s32 s9, s8  }
0x13: {  	s8 =	sadd.s32 s10, s8;
	s9 =	sadd.s32 s9, s31;
	s10 =	sadd.s32 s10, s31  }
.LBB2_1:
0x14: {  	[spmem:s13], [sflag:s6] =	dma.local [hbm:s5], $0x2800  }
0x15: {  	_ =	swait.ge [sflag:s14], $0x2800  }
0x16: {  	[sflag:s14] =	ssyncset.done $0x0  }
0x17: {  	[sflag:s14] =	ssyncadd.s32 $0xFFFFD800  }
0x18: {  	[bflag:$0x0] =	sbarrier.arrive $0xFFFF  }
0x19: {  	[tilespmem:s3], [sflag:$0x3] =	stream.linear.gather [hbm4b:s7+s3], $0x1400, $0x38;
	[tilespmem:$0x1E800] =	vst v63  }
0x1a: {  	_ =	swait.ge [sflag:s14], $0x1400  }
0x1b: {  	[sflag:s14] =	ssyncset.done $0x0  }
0x1c: {  	[sflag:s14] =	ssyncadd.s32 $0xFFFFEC00  }
0x1d: {  	[tilespmem:s15], [sflag:$0x3] =	stream.linear.gather [hbm4b:s8+s3], $0x1400, $0x38;
	[tilespmem:$0x1E800] =	vst v63  }
0x1e: {  	_ =	swait.ge [sflag:s14], $0x1400  }
0x1f: {  	[sflag:s14] =	ssyncset.done $0x0  }
0x20: {  	[sflag:s14] =	ssyncadd.s32 $0xFFFFEC00  }
0x21: {  	[tilespmem:s17], [sflag:$0x1] =	stream.indirect.gather [hbm4b:s4+s16], $0x80, s3, s16, $0xb8;
	[tilespmem:$0x1E800] =	vst v63  }
0x22: {  	s25 =	simm.s32 $0x80  }
0x23: {  	[tilespmem:s18], [sflag:$0x2] =	stream.indirect.gather [hbm4b:s4+s16], $0x80, s25, s16, $0xb8;
	[tilespmem:$0x1E800] =	vst v63  }
0x24: {  	_ =	swait.ge [sflag:s19], $0x4000  }
0x25: {  	[sflag:s19] =	ssyncset.done $0x0  }
0x26: {  	s29 =	simm.s32 $0x1400;
	[sflag:s19] =	ssyncadd.s32 $0xFFFFC000  }
0x27: {  	[spmem:s2] =	stream.indirect.scatter.add.f32 [tilespmem:s17], [sflag:$0x3], $0x80, s29, s16, $0xb8;
	[tilespmem:$0x1E800] =	vst v63  }
0x28: {  	_ =	swait.ge [sflag:s14], $0x4000  }
0x29: {  	[sflag:s14] =	ssyncset.done $0x0  }
0x2a: {  	s30 =	simm.s32 $0x100;
	[sflag:s14] =	ssyncadd.s32 $0xFFFFC000  }
0x2b: {  	[tilespmem:s17], [sflag:$0x1] =	stream.indirect.gather [hbm4b:s4+s16], $0x80, s30, s16, $0xb8;
	[tilespmem:$0x1E800] =	vst v63  }
0x2c: {  	_ =	swait.ge [sflag:s20], $0x4000  }
0x2d: {  	[sflag:s20] =	ssyncset.done $0x0  }
0x2e: {  	s31 =	simm.s32 $0x1480;
	[sflag:s20] =	ssyncadd.s32 $0xFFFFC000  }
0x2f: {  	[spmem:s2] =	stream.indirect.scatter.add.f32 [tilespmem:s18], [sflag:$0x3], $0x80, s31, s16, $0xb8;
	[tilespmem:$0x1E800] =	vst v63  }
0x30: {  	_ =	swait.ge [sflag:s14], $0x4000  }
0x31: {  	s26 =	simm.s32 $0x800;
	s25 =	simm.s32 $0x100;
	[sflag:s14] =	ssyncset.done $0x0  }
.LBB2_2:
0x32: {  	s28 =	sadd.s32 $0x80, s25  }
0x33: {  	[sflag:s14] =	ssyncadd.s32 $0xFFFFC000;
	s29 =	smov.u32 s26;
	s30 =	sadd.s32 $0x400, s26  }
0x34: {  	[tilespmem:s18], [sflag:$0x2] =	stream.indirect.gather [hbm4b:s4+s16], $0x80, s28, s16, $0xb8;
	[tilespmem:$0x1E800] =	vst v63  }
0x35: {  	p0 =	sne.s32 s26, $0x4800;
	_ =	swait.ge [sflag:s19], $0x4000  }
0x36: {  	[sflag:s19] =	ssyncset.done $0x0  }
0x37: {  	s26 =	sadd.s32 $0x1400, s25;
	[sflag:s19] =	ssyncadd.s32 $0xFFFFC000  }
0x38: {  	[spmem:s2] =	stream.indirect.scatter.add.f32 [tilespmem:s17], [sflag:$0x3], $0x80, s26, s16, $0xb8;
	[tilespmem:$0x1E800] =	vst v63  }
0x39: {  	_ =	swait.ge [sflag:s14], $0x4000  }
0x3a: {  	[sflag:s14] =	ssyncset.done $0x0  }
0x3b: {  	s26 =	sadd.s32 $0x100, s25;
	[sflag:s14] =	ssyncadd.s32 $0xFFFFC000  }
0x3c: {  	[tilespmem:s17], [sflag:$0x1] =	stream.indirect.gather [hbm4b:s4+s16], $0x80, s26, s16, $0xb8;
	[tilespmem:$0x1E800] =	vst v63  }
0x3d: {  	_ =	swait.ge [sflag:s20], $0x4000  }
.Ltmp0:
0x3e: {  	[sflag:s20] =	ssyncset.done $0x0;
	(pc) =	sbr.rel @p0 .LBB2_2-.Ltmp0, $4  }
0x3f: {  	s25 =	sadd.s32 $0x1480, s25;
	[sflag:s20] =	ssyncadd.s32 $0xFFFFC000  }
0x40: {  	[spmem:s2] =	stream.indirect.scatter.add.f32 [tilespmem:s18], [sflag:$0x3], $0x80, s25, s16, $0xb8;
	[tilespmem:$0x1E800] =	vst v63  }
0x41: {  	_ =	swait.ge [sflag:s14], $0x4000  }
0x42: {  	s26 =	smov.u32 s30;
	s25 =	sshra.s32 s29, $0x2;
	[sflag:s14] =	ssyncset.done $0x0  }
0x43: {  	s26 =	sadd.s32 $0x80, s25;
	[sflag:s14] =	ssyncadd.s32 $0xFFFFC000  }
0x44: {  	[tilespmem:s18], [sflag:$0x2] =	stream.indirect.gather [hbm4b:s4+s16], $0x80, s26, s16, $0xb8;
	[tilespmem:$0x1E800] =	vst v63  }
0x45: {  	_ =	swait.ge [sflag:s19], $0x4000  }
0x46: {  	[sflag:s19] =	ssyncset.done $0x0  }
0x47: {  	s29 =	sadd.s32 $0x1400, s25;
	[sflag:s19] =	ssyncadd.s32 $0xFFFFC000  }
0x48: {  	[spmem:s2] =	stream.indirect.scatter.add.f32 [tilespmem:s17], [sflag:$0x3], $0x80, s29, s16, $0xb8;
	[tilespmem:$0x1E800] =	vst v63  }
0x49: {  	_ =	swait.ge [sflag:s14], $0x4000  }
0x4a: {  	[sflag:s14] =	ssyncset.done $0x0  }
0x4b: {  	s30 =	sadd.s32 $0x100, s25;
	[sflag:s14] =	ssyncadd.s32 $0xFFFFC000  }
0x4c: {  	[tilespmem:s17], [sflag:$0x1] =	stream.indirect.gather [hbm4b:s4+s16], $0x80, s30, s16, $0xb8;
	[tilespmem:$0x1E800] =	vst v63  }
0x4d: {  	_ =	swait.ge [sflag:s20], $0x4000  }
0x4e: {  	[sflag:s20] =	ssyncset.done $0x0  }
0x4f: {  	s31 =	sadd.s32 $0x1480, s25;
	[sflag:s20] =	ssyncadd.s32 $0xFFFFC000  }
0x50: {  	[spmem:s2] =	stream.indirect.scatter.add.f32 [tilespmem:s18], [sflag:$0x3], $0x80, s31, s16, $0xb8;
	[tilespmem:$0x1E800] =	vst v63  }
0x51: {  	_ =	swait.ge [sflag:s14], $0x4000  }
0x52: {  	[sflag:s14] =	ssyncset.done $0x0  }
0x53: {  	[sflag:s14] =	ssyncadd.s32 $0xFFFFC000  }
0x54: {  	[tilespmem:s18], [sflag:$0x2] =	stream.indirect.gather [hbm4b:s4+s16], $0x80, s21, s16, $0xb8;
	[tilespmem:$0x1E800] =	vst v63  }
0x55: {  	_ =	swait.ge [sflag:s19], $0x4000  }
0x56: {  	[sflag:s19] =	ssyncset.done $0x0  }
0x57: {  	[sflag:s19] =	ssyncadd.s32 $0xFFFFC000  }
0x58: {  	[spmem:s2] =	stream.indirect.scatter.add.f32 [tilespmem:s17], [sflag:$0x3], $0x80, s22, s16, $0xb8;
	[tilespmem:$0x1E800] =	vst v63  }
0x59: {  	_ =	swait.ge [sflag:s14], $0x4000  }
0x5a: {  	[sflag:s14] =	ssyncset.done $0x0  }
0x5b: {  	s26 =	simm.s32 $0x0;
	[sflag:s14] =	ssyncadd.s32 $0xFFFFC000  }
0x5c: {  	[tilespmem:s17], [sflag:$0x1] =	stream.indirect.gather [hbm4b:s4+s16], $0x80, s26, s16, $0xb8;
	[tilespmem:$0x1E800] =	vst v63  }
0x5d: {  	_ =	swait.ge [sflag:s20], $0x4000  }
0x5e: {  	[sflag:s20] =	ssyncset.done $0x0  }
0x5f: {  	[sflag:s20] =	ssyncadd.s32 $0xFFFFC000  }
0x60: {  	[spmem:s2] =	stream.indirect.scatter.add.f32 [tilespmem:s18], [sflag:$0x3], $0x80, s23, s16, $0xb8;
	[tilespmem:$0x1E800] =	vst v63  }
0x61: {  	_ =	swait.ge [sflag:s14], $0x4000  }
0x62: {  	[sflag:s14] =	ssyncset.done $0x0  }
0x63: {  	[sflag:s14] =	ssyncadd.s32 $0xFFFFC000  }
0x64: {  	_ =	swait.ge [sflag:s19], $0x4000  }
0x65: {  	[sflag:s19] =	ssyncset.done $0x0  }
0x66: {  	[sflag:s19] =	ssyncadd.s32 $0xFFFFC000  }
0x67: {  	[tilespmem:s26], [sflag:$0x3] =	stream.linear.gather [hbm4b:s9+s26], $0x1400, $0x38;
	[tilespmem:$0x1E800] =	vst v63  }
0x68: {  	_ =	swait.ge [sflag:s14], $0x1400  }
0x69: {  	[sflag:s14] =	ssyncset.done $0x0  }
0x6a: {  	[sflag:s14] =	ssyncadd.s32 $0xFFFFEC00  }
0x6b: {  	[tilespmem:s15], [sflag:$0x3] =	stream.linear.gather [hbm4b:s10+s26], $0x1400, $0x38;
	[tilespmem:$0x1E800] =	vst v63  }
0x6c: {  	_ =	swait.ge [sflag:s14], $0x1400  }
0x6d: {  	[sflag:s14] =	ssyncset.done $0x0  }
0x6e: {  	[sflag:s14] =	ssyncadd.s32 $0xFFFFEC00  }
0x6f: {  	[tilespmem:s17], [sflag:$0x1] =	stream.indirect.gather [hbm4b:s4+s16], $0x80, s26, s16, $0xb8;
	[tilespmem:$0x1E800] =	vst v63  }
0x70: {  	s28 =	simm.s32 $0x80  }
0x71: {  	[tilespmem:s18], [sflag:$0x2] =	stream.indirect.gather [hbm4b:s4+s16], $0x80, s28, s16, $0xb8;
	[tilespmem:$0x1E800] =	vst v63  }
0x72: {  	_ =	swait.ge [sflag:s19], $0x4000  }
0x73: {  	[sflag:s19] =	ssyncset.done $0x0  }
0x74: {  	s29 =	simm.s32 $0x1400;
	[sflag:s19] =	ssyncadd.s32 $0xFFFFC000  }
0x75: {  	[spmem:s2] =	stream.indirect.scatter.add.f32 [tilespmem:s17], [sflag:$0x3], $0x80, s29, s16, $0xb8;
	[tilespmem:$0x1E800] =	vst v63  }
0x76: {  	_ =	swait.ge [sflag:s14], $0x4000  }
0x77: {  	[sflag:s14] =	ssyncset.done $0x0  }
0x78: {  	s30 =	simm.s32 $0x100;
	[sflag:s14] =	ssyncadd.s32 $0xFFFFC000  }
0x79: {  	[tilespmem:s17], [sflag:$0x1] =	stream.indirect.gather [hbm4b:s4+s16], $0x80, s30, s16, $0xb8;
	[tilespmem:$0x1E800] =	vst v63  }
0x7a: {  	_ =	swait.ge [sflag:s20], $0x4000  }
0x7b: {  	[sflag:s20] =	ssyncset.done $0x0  }
0x7c: {  	s31 =	simm.s32 $0x1480;
	[sflag:s20] =	ssyncadd.s32 $0xFFFFC000  }
0x7d: {  	[spmem:s2] =	stream.indirect.scatter.add.f32 [tilespmem:s18], [sflag:$0x3], $0x80, s31, s16, $0xb8;
	[tilespmem:$0x1E800] =	vst v63  }
0x7e: {  	_ =	swait.ge [sflag:s14], $0x4000  }
0x7f: {  	s25 =	simm.s32 $0x100;
	s26 =	simm.s32 $0x800;
	[sflag:s14] =	ssyncset.done $0x0  }
.LBB2_4:
0x80: {  	s28 =	sadd.s32 $0x80, s25  }
0x81: {  	[sflag:s14] =	ssyncadd.s32 $0xFFFFC000;
	s29 =	smov.u32 s26;
	s30 =	sadd.s32 $0x400, s26  }
0x82: {  	[tilespmem:s18], [sflag:$0x2] =	stream.indirect.gather [hbm4b:s4+s16], $0x80, s28, s16, $0xb8;
	[tilespmem:$0x1E800] =	vst v63  }
0x83: {  	p0 =	sne.s32 s26, $0x4800;
	_ =	swait.ge [sflag:s19], $0x4000  }
0x84: {  	[sflag:s19] =	ssyncset.done $0x0  }
0x85: {  	s26 =	sadd.s32 $0x1400, s25;
	[sflag:s19] =	ssyncadd.s32 $0xFFFFC000  }
0x86: {  	[spmem:s2] =	stream.indirect.scatter.add.f32 [tilespmem:s17], [sflag:$0x3], $0x80, s26, s16, $0xb8;
	[tilespmem:$0x1E800] =	vst v63  }
0x87: {  	_ =	swait.ge [sflag:s14], $0x4000  }
0x88: {  	[sflag:s14] =	ssyncset.done $0x0  }
0x89: {  	s26 =	sadd.s32 $0x100, s25;
	[sflag:s14] =	ssyncadd.s32 $0xFFFFC000  }
0x8a: {  	[tilespmem:s17], [sflag:$0x1] =	stream.indirect.gather [hbm4b:s4+s16], $0x80, s26, s16, $0xb8;
	[tilespmem:$0x1E800] =	vst v63  }
0x8b: {  	_ =	swait.ge [sflag:s20], $0x4000  }
.Ltmp1:
0x8c: {  	[sflag:s20] =	ssyncset.done $0x0;
	(pc) =	sbr.rel @p0 .LBB2_4-.Ltmp1, $4  }
0x8d: {  	s25 =	sadd.s32 $0x1480, s25;
	[sflag:s20] =	ssyncadd.s32 $0xFFFFC000  }
0x8e: {  	[spmem:s2] =	stream.indirect.scatter.add.f32 [tilespmem:s18], [sflag:$0x3], $0x80, s25, s16, $0xb8;
	[tilespmem:$0x1E800] =	vst v63  }
0x8f: {  	_ =	swait.ge [sflag:s14], $0x4000  }
0x90: {  	s26 =	smov.u32 s30;
	s25 =	sshra.s32 s29, $0x2;
	[sflag:s14] =	ssyncset.done $0x0  }
0x91: {  	s26 =	sadd.s32 $0x80, s25;
	[sflag:s14] =	ssyncadd.s32 $0xFFFFC000  }
0x92: {  	[tilespmem:s18], [sflag:$0x2] =	stream.indirect.gather [hbm4b:s4+s16], $0x80, s26, s16, $0xb8;
	[tilespmem:$0x1E800] =	vst v63  }
0x93: {  	_ =	swait.ge [sflag:s19], $0x4000  }
0x94: {  	[sflag:s19] =	ssyncset.done $0x0  }
0x95: {  	s29 =	sadd.s32 $0x1400, s25;
	[sflag:s19] =	ssyncadd.s32 $0xFFFFC000  }
0x96: {  	[spmem:s2] =	stream.indirect.scatter.add.f32 [tilespmem:s17], [sflag:$0x3], $0x80, s29, s16, $0xb8;
	[tilespmem:$0x1E800] =	vst v63  }
0x97: {  	_ =	swait.ge [sflag:s14], $0x4000  }
0x98: {  	[sflag:s14] =	ssyncset.done $0x0  }
0x99: {  	s30 =	sadd.s32 $0x100, s25;
	[sflag:s14] =	ssyncadd.s32 $0xFFFFC000  }
0x9a: {  	[tilespmem:s17], [sflag:$0x1] =	stream.indirect.gather [hbm4b:s4+s16], $0x80, s30, s16, $0xb8;
	[tilespmem:$0x1E800] =	vst v63  }
0x9b: {  	_ =	swait.ge [sflag:s20], $0x4000  }
0x9c: {  	[sflag:s20] =	ssyncset.done $0x0  }
0x9d: {  	s31 =	sadd.s32 $0x1480, s25;
	[sflag:s20] =	ssyncadd.s32 $0xFFFFC000  }
0x9e: {  	[spmem:s2] =	stream.indirect.scatter.add.f32 [tilespmem:s18], [sflag:$0x3], $0x80, s31, s16, $0xb8;
	[tilespmem:$0x1E800] =	vst v63  }
0x9f: {  	_ =	swait.ge [sflag:s14], $0x4000  }
0xa0: {  	[sflag:s14] =	ssyncset.done $0x0  }
0xa1: {  	[sflag:s14] =	ssyncadd.s32 $0xFFFFC000  }
0xa2: {  	[tilespmem:s18], [sflag:$0x2] =	stream.indirect.gather [hbm4b:s4+s16], $0x80, s21, s16, $0xb8;
	[tilespmem:$0x1E800] =	vst v63  }
0xa3: {  	_ =	swait.ge [sflag:s19], $0x4000  }
0xa4: {  	[sflag:s19] =	ssyncset.done $0x0  }
0xa5: {  	[sflag:s19] =	ssyncadd.s32 $0xFFFFC000  }
0xa6: {  	[spmem:s2] =	stream.indirect.scatter.add.f32 [tilespmem:s17], [sflag:$0x3], $0x80, s22, s16, $0xb8;
	[tilespmem:$0x1E800] =	vst v63  }
0xa7: {  	_ =	swait.ge [sflag:s14], $0x4000  }
0xa8: {  	[sflag:s14] =	ssyncset.done $0x0  }
0xa9: {  	[sflag:s14] =	ssyncadd.s32 $0xFFFFC000  }
0xaa: {  	[tilespmem:s17], [sflag:$0x1] =	stream.indirect.gather [hbm4b:s4+s16], $0x80, s3, s16, $0xb8;
	[tilespmem:$0x1E800] =	vst v63  }
0xab: {  	_ =	swait.ge [sflag:s20], $0x4000  }
0xac: {  	[sflag:s20] =	ssyncset.done $0x0  }
0xad: {  	[sflag:s20] =	ssyncadd.s32 $0xFFFFC000  }
0xae: {  	[spmem:s2] =	stream.indirect.scatter.add.f32 [tilespmem:s18], [sflag:$0x3], $0x80, s23, s16, $0xb8;
	[tilespmem:$0x1E800] =	vst v63  }
0xaf: {  	_ =	swait.ge [sflag:s14], $0x4000  }
0xb0: {  	[sflag:s14] =	ssyncset.done $0x0  }
0xb1: {  	[sflag:s14] =	ssyncadd.s32 $0xFFFFC000  }
0xb2: {  	_ =	swait.ge [sflag:s19], $0x4000  }
0xb3: {  	s24 =	sadd.s32 $0x1, s24;
	[sflag:s19] =	ssyncset.done $0x0  }
0xb4: {  	p0 =	sne.s32 s24, s12;
	[sflag:s19] =	ssyncadd.s32 $0xFFFFC000  }
.Ltmp2:
0xb5: {  	[bflag:$0x0] =	sbarrier.arrive $0xFFFF;
	(pc) =	sbr.rel @p0 .LBB2_1-.Ltmp2, $4  }
0xb6: {  	[hbm:s11], [sflag:s6] =	dma.local [spmem:s13], $0x2800  }
0xb7: {  	_ =	swait.ge [sflag:s14], $0x2800  }
0xb8: {  	[sflag:s14] =	ssyncset.done $0x0  }
0xb9: {  	[sflag:s14] =	ssyncadd.s32 $0xFFFFD800  }
0xba: {  	_ =	sfence.sel $0x180000  }
0xbb: {  	[bflag:$0x0] =	sbarrier.arrive $0xFFFF  }
0xbc: {  	p0 =	sne.s32 s1, $0x0;
	_ =	strace $0x90000047  }
0xbd: {  	s0 =	sadd.s32 @!p0 $0x100000, s0;
	[bflag:$0x2] =	sbarrier.arrive $0xFFFF  }
0xbe: {  	[sflag:s0] =	ssyncadd.tile.s32 @!p0 $0x1;
	_ =	shalt  }
.Lfunc_end2:
_tile_overlayer_lowered:
.L_overlay_start_2:
0xbf: {  	(tag) =	ssettag $0x2  }
0xc0: {  	s0 =	rddreg [dreg:$0x0];
	s2 =	stileid.u32  }
0xc1: {  	s1 =	rddreg [dreg:$0x1];
	p0 =	sne.s32 s2, $0x0  }
0xc2: {  	s3 =	rddreg [dreg:$0x2];
	[bflag:$0x3] =	sbarrier.arrive $0xFFFF;
	s2 =	simm.s32 @!p0 $0x1C03  }
0xc3: {  	[timem:s3], [sflag:s2] =	dma.local @!p0 [hbm:s0], s1  }
0xc4: {  	s0 =	simm.s32 @!p0 $0x3  }
0xc5: {  	_ =	swait.ge @!p0 [sflag:s0], s1  }
0xc6: {  	s1 =	ssub.s32 @!p0 $0x0, s1;
	[sflag:s0] =	ssyncset.done @!p0 $0x0  }
0xc7: {  	[sflag:s0] =	ssyncadd.s32 @!p0 s1  }
0xc8: {  	[bflag:$0x3] =	sbarrier.arrive $0xFFFF  }
0xc9: {  	_ =	shalt  }

</sc_bundles>
